<compile_context>
chip_gen: v7x
topology: tpu7x:2x2x1
jax: 0.10.2.dev20260603
libtpu: 0.0.44.dev20260713+nightly
codegen_flags: <defaults>
</compile_context>

<pallas_src>
import functools

import jax
import jax.numpy as jnp
from jax import lax
from jax.experimental import pallas as pl
from jax.experimental.pallas import tpu as pltpu
from jax.experimental.pallas import tpu_sc as plsc

N = 10000
E = 320000
EPS = 1e-5

_NC = 2
_NS = 16
_CHUNK = 128
_RPT = 80
_R0 = 120
_R1 = 40
_EPAD = _NC * _NS * _RPT * _CHUNK
_W = 128
_ACC_ROWS = 10112
_ZROWS = _ACC_ROWS // _NS
_ORT = 624
_TAIL = N - _NS * _ORT


@functools.cache
def _make_segsum():
  mesh = plsc.VectorSubcoreMesh(core_axis_name="c", subcore_axis_name="s")
  out_type = jax.ShapeDtypeStruct((_NC, N, _W), jnp.float32)
  grp = 40
  ngrp = _RPT // grp
  scratch = [
      pltpu.VMEM((grp, _CHUNK), jnp.int32),
      pltpu.VMEM((grp, _CHUNK), jnp.int32),
      pltpu.VMEM((2, _CHUNK, _W), jnp.float32),
      pltpu.VMEM_SHARED((_ACC_ROWS, _W), jnp.float32),
      pltpu.SemaphoreType.DMA,
      pltpu.SemaphoreType.DMA,
  ]

  def body(p_hbm, src_hbm, dst_hbm, z_hbm, out_hbm, sidx, didx, rows, acc,
           gsem0, gsem1):
    c = lax.axis_index("c")
    s = lax.axis_index("s")
    rpt = _R0 + c * (_R1 - _R0)
    row0 = c * (_NS * _R0) + s * rpt
    pltpu.sync_copy(z_hbm, acc.at[pl.ds(s * _ZROWS, _ZROWS)])
    plsc.subcore_barrier()

    def group(g, carry):
      pltpu.sync_copy(src_hbm.at[pl.ds(row0 + g * grp, grp)], sidx)
      pltpu.sync_copy(dst_hbm.at[pl.ds(row0 + g * grp, grp)], didx)
      pltpu.async_copy(p_hbm.at[sidx.at[0]], rows.at[0], gsem0)

      def pair(j, cc):
        k0 = 2 * j
        pltpu.async_copy(p_hbm.at[sidx.at[k0 + 1]], rows.at[1], gsem1)
        pltpu.make_async_copy(p_hbm.at[sidx.at[0]], rows.at[0], gsem0).wait()
        pltpu.sync_copy(rows.at[0], acc.at[didx.at[k0]], add=True)

        @pl.when(j < grp // 2 - 1)
        def _refill():
          pltpu.async_copy(p_hbm.at[sidx.at[k0 + 2]], rows.at[0], gsem0)

        pltpu.make_async_copy(p_hbm.at[sidx.at[0]], rows.at[1], gsem1).wait()
        pltpu.sync_copy(rows.at[1], acc.at[didx.at[k0 + 1]], add=True)
        return cc

      lax.fori_loop(0, grp // 2, pair, 0)
      return carry

    lax.fori_loop(0, rpt // grp, group, 0)
    plsc.subcore_barrier()
    r0 = s * _ORT
    pltpu.sync_copy(acc.at[pl.ds(r0, _ORT)], out_hbm.at[c, pl.ds(r0, _ORT)])

    @pl.when(s == _NS - 1)
    def _tail_copy():
      t0 = _NS * _ORT
      pltpu.sync_copy(acc.at[pl.ds(t0, _TAIL)],
                      out_hbm.at[c, pl.ds(t0, _TAIL)])

  return pl.kernel(body, mesh=mesh, out_type=out_type, scratch_types=scratch)


def _bn_relu(z, g, b):
  mu = jnp.mean(z, axis=0, keepdims=True)
  zc = z - mu
  var = jnp.mean(zc * zc, axis=0, keepdims=True)
  return jnp.maximum(g * zc * lax.rsqrt(var + EPS) + b, 0.0)


def _pre0_body(x_ref, wl_ref, wr_ref, bl_ref, ones_ref, p_ref, q_ref):
  x = x_ref[...]
  p = jnp.dot(x, wl_ref[...], preferred_element_type=jnp.float32)
  p_ref[...] = jnp.concatenate([p, ones_ref[...]], axis=1)
  q_ref[...] = (jnp.dot(x, wr_ref[...], preferred_element_type=jnp.float32)
                + bl_ref[...])


def _pre0(x, wl, wr, bl):
  ones = jnp.concatenate(
      [jnp.ones((N, 16), jnp.float32), jnp.zeros((N, 48), jnp.float32)],
      axis=1)
  return pl.pallas_call(
      _pre0_body,
      out_shape=[jax.ShapeDtypeStruct((N, _W), jnp.float32),
                 jax.ShapeDtypeStruct((N, 64), jnp.float32)],
  )(x, wl, wr, bl.reshape(1, 64), ones)


def _mid1_body(part_ref, q_ref, g_ref, b_ref, h_ref, deg_ref):
  pp = part_ref[...]
  sfull = pp[0] + pp[1]
  deg = jnp.maximum(sfull[:, 64:65], 1.0)
  deg_ref[...] = deg
  z = sfull[:, :64] / deg + q_ref[...]
  h = _bn_relu(z, g_ref[...], b_ref[...])
  h_ref[...] = jnp.pad(h, ((0, 0), (0, 64)))


def _mid1(part, q, gamma, beta):
  return pl.pallas_call(
      _mid1_body,
      out_shape=[jax.ShapeDtypeStruct((N, _W), jnp.float32),
                 jax.ShapeDtypeStruct((N, 1), jnp.float32)],
  )(part, q, gamma.reshape(1, 64), beta.reshape(1, 64))


def _mid2_body(part_ref, haug_ref, deg_ref, wl_ref, wr_ref, bl_ref, g_ref,
               b_ref, h_ref):
  pp = part_ref[...]
  sfull = pp[0] + pp[1]
  agg = sfull[:, :64] / deg_ref[...]
  hprev = haug_ref[...][:, :64]
  z = (jnp.dot(agg, wl_ref[...], preferred_element_type=jnp.float32)
       + jnp.dot(hprev, wr_ref[...], preferred_element_type=jnp.float32)
       + bl_ref[...])
  h = _bn_relu(z, g_ref[...], b_ref[...])
  h_ref[...] = jnp.pad(h, ((0, 0), (0, 64)))


def _mid2(part, haug, deg, wl, wr, bl, gamma, beta):
  return pl.pallas_call(
      _mid2_body,
      out_shape=jax.ShapeDtypeStruct((N, _W), jnp.float32),
  )(part, haug, deg, wl, wr, bl.reshape(1, 64), gamma.reshape(1, 64),
    beta.reshape(1, 64))


def _fin_body(part_ref, haug_ref, deg_ref, wl_ref, wr_ref, bl_ref, g_ref,
              b_ref, w1_ref, b1_ref, w2_ref, b2_ref, o_ref):
  pp = part_ref[...]
  sfull = pp[0] + pp[1]
  agg = sfull[:, :64] / deg_ref[...]
  hprev = haug_ref[...][:, :64]
  z = (jnp.dot(agg, wl_ref[...], preferred_element_type=jnp.float32)
       + jnp.dot(hprev, wr_ref[...], preferred_element_type=jnp.float32)
       + bl_ref[...])
  h = _bn_relu(z, g_ref[...], b_ref[...])
  u = jnp.maximum(
      jnp.dot(h, w1_ref[...], preferred_element_type=jnp.float32)
      + b1_ref[...], 0.0)
  o = jnp.dot(u, w2_ref[...], preferred_element_type=jnp.float32) + b2_ref[...]
  o_ref[...] = jax.nn.sigmoid(o)


def _fin(part, haug, deg, wl, wr, bl, gamma, beta, w1, b1, w2, b2):
  return pl.pallas_call(
      _fin_body,
      out_shape=jax.ShapeDtypeStruct((N, 1), jnp.float32),
  )(part, haug, deg, wl, wr, bl.reshape(1, 32), gamma.reshape(1, 32),
    beta.reshape(1, 32), w1, b1.reshape(1, 32), w2, b2.reshape(1, 1))


def kernel(x, edge_index, params):
  src = edge_index[0]
  dst = edge_index[1]
  pad = _EPAD - E
  src2d = jnp.concatenate(
      [src, jnp.zeros((pad,), jnp.int32)]).reshape(-1, _CHUNK)
  dst2d = jnp.concatenate(
      [dst, jnp.full((pad,), N, jnp.int32)]).reshape(-1, _CHUNK)
  z128 = jnp.zeros((_ZROWS, _W), jnp.float32)
  segsum = _make_segsum()

  p_aug, q0 = _pre0(x, params["Wl0"], params["Wr0"], params["bl0"])
  part0 = segsum(p_aug, src2d, dst2d, z128)
  h1aug, deg = _mid1(part0, q0, params["gamma0"], params["beta0"])
  part1 = segsum(h1aug, src2d, dst2d, z128)
  h2aug = _mid2(part1, h1aug, deg, params["Wl1"], params["Wr1"],
                params["bl1"], params["gamma1"], params["beta1"])
  part2 = segsum(h2aug, src2d, dst2d, z128)
  return _fin(part2, h2aug, deg, params["Wl2"], params["Wr2"], params["bl2"],
              params["gamma2"], params["beta2"], params["W1"], params["b1"],
              params["W2"], params["b2"])

# --- scband reference (transcript-rebuilt; emitter-appended) ---
"""Pipeline reference for scband-graph-sagemodel-57028575756303 (READ-ONLY COPY).

The authoritative reference and input builder live on the scoring server;
editing this copy changes nothing except your own understanding.
"""

import jax, jax.numpy as jnp
import numpy as np

N = 10000
E = 320000
D_IN = 128
H = 64
EPS = 1e-5


def setup_inputs(seed: int = 0) -> dict:
    key = jax.random.key(seed)
    ks = jax.random.split(key, 24)
    x = jax.random.normal(ks[0], (N, D_IN), dtype=jnp.float32)
    edge_index = jax.random.randint(ks[1], (2, E), 0, N, dtype=jnp.int32)
    dims = [(D_IN, H), (H, H), (H, H // 2)]
    params = {}
    ki = 2
    for i, (di, do) in enumerate(dims):
        params[f"Wl{i}"] = jax.random.normal(ks[ki], (di, do), dtype=jnp.float32) * (1.0 / np.sqrt(di)); ki += 1
        params[f"bl{i}"] = jnp.zeros((do,), dtype=jnp.float32)
        params[f"Wr{i}"] = jax.random.normal(ks[ki], (di, do), dtype=jnp.float32) * (1.0 / np.sqrt(di)); ki += 1
        params[f"gamma{i}"] = jnp.ones((do,), dtype=jnp.float32)
        params[f"beta{i}"] = jnp.zeros((do,), dtype=jnp.float32)
    params["W1"] = jax.random.normal(ks[ki], (H // 2, 32), dtype=jnp.float32) * (1.0 / np.sqrt(H // 2)); ki += 1
    params["b1"] = jnp.zeros((32,), dtype=jnp.float32)
    params["W2"] = jax.random.normal(ks[ki], (32, 1), dtype=jnp.float32) * (1.0 / np.sqrt(32)); ki += 1
    params["b2"] = jnp.zeros((1,), dtype=jnp.float32)
    return {"x": x, "edge_index": edge_index, "params": params}


def _sage_conv(h, edge_index, Wl, bl, Wr):
    # PyG SAGEConv (mean aggr): out = lin_l(mean_{j in N(i)} x_j) + lin_r(x_i)
    src = edge_index[0]
    dst = edge_index[1]
    msg = jnp.take(h, src, axis=0)                      # gather x_j
    agg = jax.ops.segment_sum(msg, dst, num_segments=N)  # scatter-add at target
    deg = jax.ops.segment_sum(jnp.ones((edge_index.shape[1],), h.dtype), dst, num_segments=N)
    agg = agg / jnp.maximum(deg, 1.0)[:, None]
    return agg @ Wl + bl + h @ Wr


def _batchnorm(h, gamma, beta):
    mu = jnp.mean(h, axis=0)
    var = jnp.var(h, axis=0)
    return gamma * (h - mu) / jnp.sqrt(var + EPS) + beta


def reference(x, edge_index, params):
    h = x
    for i in range(3):
        h = _sage_conv(h, edge_index, params[f"Wl{i}"], params[f"bl{i}"], params[f"Wr{i}"])
        h = _batchnorm(h, params[f"gamma{i}"], params[f"beta{i}"])
        h = jax.nn.relu(h)
    h = h @ params["W1"] + params["b1"]
    h = jax.nn.relu(h)
    # dropout is identity at inference
    h = h @ params["W2"] + params["b2"]
    return jax.nn.sigmoid(h)

if __name__ == "__main__":
    import jax
    _d = setup_inputs()
    print(jax.jit(kernel)(*tuple(_d.values())))

</pallas_src>

<mosaic_0001>
#map = affine_map<(d0, d1) -> (0, 0)>
#map1 = affine_map<(d0, d1) -> (0, 0, 0)>
module attributes {stable_mosaic.version = 14 : i64} {
  func.func @body(%arg0: i32, %arg1: i32, %arg2: memref<10000x128xf32, #tpu.memory_space<hbm>>, %arg3: memref<2560x128xi32, #tpu.memory_space<hbm>>, %arg4: memref<2560x128xi32, #tpu.memory_space<hbm>>, %arg5: memref<632x128xf32, #tpu.memory_space<hbm>>, %arg6: memref<2x10000x128xf32, #tpu.memory_space<hbm>>, %arg7: memref<40x128xi32, #tpu.memory_space<vmem>>, %arg8: memref<40x128xi32, #tpu.memory_space<vmem>>, %arg9: memref<2x128x128xf32, #tpu.memory_space<vmem>>, %arg10: memref<10112x128xf32, #tpu.memory_space<vmem_shared>>, %arg11: memref<!tpu.dma_semaphore, #tpu.memory_space<semaphore_mem>>, %arg12: memref<!tpu.dma_semaphore, #tpu.memory_space<semaphore_mem>>) attributes {dimension_semantics = [#tpu.dimension_semantics<core_parallel>, #tpu.dimension_semantics<subcore_parallel>], iteration_bounds = array<i64: 2, 16>, scalar_prefetch = 0 : i64, scratch_operands = 6 : i64, tpu.core_type = #tpu.core_type<sc_vector_subcore>, window_params = [{transform_indices = #map}, {transform_indices = #map}, {transform_indices = #map}, {transform_indices = #map}, {transform_indices = #map1}]} {
    %mul3A = arith.constant -80 : i32
    %mul3A_0 = arith.muli %arg0, %mul3A : i32
    %add3A = arith.constant 120 : i32
    %add3A_1 = arith.addi %add3A, %mul3A_0 : i32
    %mul3A_2 = arith.constant 1920 : i32
    %mul3A_3 = arith.muli %arg0, %mul3A_2 : i32
    %mul3A_4 = arith.muli %arg1, %add3A_1 : i32
    %add3A_5 = arith.addi %mul3A_3, %mul3A_4 : i32
    %mul3A_6 = arith.constant 632 : i32
    %mul3A_7 = arith.muli %arg1, %mul3A_6 : i32
    "tpu.region"() ({
      %run_scoped3A = tpu.sem_alloc : memref<!tpu.dma_semaphore, #tpu.memory_space<semaphore_mem>>
      %dma_start3A = arith.constant 0 : i32
      %dma_start3A_38 = tpu.memref_slice %arg10[%mul3A_7, %dma_start3A] : memref<10112x128xf32, #tpu.memory_space<vmem_shared>> -> memref<632x128xf32, #tpu.memory_space<vmem_shared>>
      tpu.enqueue_dma source(%arg5 : memref<632x128xf32, #tpu.memory_space<hbm>>) target(%dma_start3A_38 : memref<632x128xf32, #tpu.memory_space<vmem_shared>>) target_semaphore(%run_scoped3A : memref<!tpu.dma_semaphore, #tpu.memory_space<semaphore_mem>>)
      %dma_wait3A = arith.constant 0 : i32
      %dma_wait3A_39 = tpu.memref_slice %arg10[%mul3A_7, %dma_wait3A] : memref<10112x128xf32, #tpu.memory_space<vmem_shared>> -> memref<632x128xf32, #tpu.memory_space<vmem_shared>>
      tpu.wait_dma2 semaphore(%run_scoped3A : memref<!tpu.dma_semaphore, #tpu.memory_space<semaphore_mem>>) src(%arg5 : memref<632x128xf32, #tpu.memory_space<hbm>>) dst(%dma_wait3A_39 : memref<632x128xf32, #tpu.memory_space<vmem_shared>>)
      tpu.yield
    }) : () -> ()
    %barrier3A = arith.constant 0 : index
    tpu.barrier barrier_id(%barrier3A)
    %jit3A = arith.constant 40 : i32
    %div3A = arith.divsi %add3A_1, %jit3A : i32
    %sign3A = arith.constant 0 : i32
    %sign3A_8 = arith.cmpi sgt, %add3A_1, %sign3A : i32
    %sign3A_9 = arith.extui %sign3A_8 : i1 to i32
    %sign3A_10 = arith.constant 0 : i32
    %sign3A_11 = arith.cmpi slt, %add3A_1, %sign3A_10 : i32
    %sign3A_12 = arith.extui %sign3A_11 : i1 to i32
    %sign3A_13 = arith.subi %sign3A_9, %sign3A_12 : i32
    %sign3A_14 = arith.constant 0 : i32
    %sign3A_15 = arith.cmpi sgt, %jit3A, %sign3A_14 : i32
    %sign3A_16 = arith.extui %sign3A_15 : i1 to i32
    %sign3A_17 = arith.constant 0 : i32
    %sign3A_18 = arith.cmpi slt, %jit3A, %sign3A_17 : i32
    %sign3A_19 = arith.extui %sign3A_18 : i1 to i32
    %sign3A_20 = arith.subi %sign3A_16, %sign3A_19 : i32
    %ne3A = arith.cmpi ne, %sign3A_13, %sign3A_20 : i32
    %rem3A = arith.remsi %add3A_1, %jit3A : i32
    %ne3A_21 = arith.constant 0 : i32
    %ne3A_22 = arith.cmpi ne, %rem3A, %ne3A_21 : i32
    %and3A = arith.andi %ne3A, %ne3A_22 : i1
    %sub3A = arith.constant 1 : i32
    %sub3A_23 = arith.subi %div3A, %sub3A : i32
    %select_n3A = arith.select %and3A, %sub3A_23, %div3A : i32
    %while3A = arith.constant 0 : i32
    %while3A_24 = arith.constant 0 : i32
    %while3A_25 = arith.subi %select_n3A, %while3A_24 : i32
    %while3A_26 = arith.addi %while3A_24, %while3A_25 : i32
    %while3A_27 = arith.constant 1 : i32
    %while3A_28 = arith.divsi %while3A_25, %while3A_27 : i32
    %while3A_29 = arith.muli %while3A_28, %while3A_27 : i32
    %while3A_30 = arith.addi %while3A_24, %while3A_29 : i32
    %while3A_31 = arith.constant 1 : i32
    scf.for %while3A_38 = %while3A_24 to %while3A_30 step %while3A_31  : i32 {
      %mul3A_39 = arith.constant 40 : i32
      %mul3A_40 = arith.muli %while3A_38, %mul3A_39 : i32
      %add3A_41 = arith.addi %add3A_5, %mul3A_40 : i32
      "tpu.region"() ({
        %run_scoped3A = tpu.sem_alloc : memref<!tpu.dma_semaphore, #tpu.memory_space<semaphore_mem>>
        %dma_start3A_61 = arith.constant 0 : i32
        %dma_start3A_62 = tpu.memref_slice %arg3[%add3A_41, %dma_start3A_61] : memref<2560x128xi32, #tpu.memory_space<hbm>> -> memref<40x128xi32, #tpu.memory_space<hbm>>
        %dma_start3A_63 = arith.constant 0 : i32
        %dma_start3A_64 = tpu.memref_slice %arg3[%add3A_41, %dma_start3A_63] : memref<2560x128xi32, #tpu.memory_space<hbm>> -> memref<40x128xi32, #tpu.memory_space<hbm>>
        tpu.enqueue_dma source(%dma_start3A_64 : memref<40x128xi32, #tpu.memory_space<hbm>>) target(%arg7 : memref<40x128xi32, #tpu.memory_space<vmem>>) target_semaphore(%run_scoped3A : memref<!tpu.dma_semaphore, #tpu.memory_space<semaphore_mem>>)
        %dma_wait3A = arith.constant 0 : i32
        %dma_wait3A_65 = tpu.memref_slice %arg3[%add3A_41, %dma_wait3A] : memref<2560x128xi32, #tpu.memory_space<hbm>> -> memref<40x128xi32, #tpu.memory_space<hbm>>
        %dma_wait3A_66 = arith.constant 0 : i32
        %dma_wait3A_67 = tpu.memref_slice %arg3[%add3A_41, %dma_wait3A_66] : memref<2560x128xi32, #tpu.memory_space<hbm>> -> memref<40x128xi32, #tpu.memory_space<hbm>>
        tpu.wait_dma2 semaphore(%run_scoped3A : memref<!tpu.dma_semaphore, #tpu.memory_space<semaphore_mem>>) src(%dma_wait3A_67 : memref<40x128xi32, #tpu.memory_space<hbm>>) dst(%arg7 : memref<40x128xi32, #tpu.memory_space<vmem>>)
        tpu.yield
      }) : () -> ()
      %mul3A_42 = arith.constant 40 : i32
      %mul3A_43 = arith.muli %while3A_38, %mul3A_42 : i32
      %add3A_44 = arith.addi %add3A_5, %mul3A_43 : i32
      "tpu.region"() ({
        %run_scoped3A = tpu.sem_alloc : memref<!tpu.dma_semaphore, #tpu.memory_space<semaphore_mem>>
        %dma_start3A_61 = arith.constant 0 : i32
        %dma_start3A_62 = tpu.memref_slice %arg4[%add3A_44, %dma_start3A_61] : memref<2560x128xi32, #tpu.memory_space<hbm>> -> memref<40x128xi32, #tpu.memory_space<hbm>>
        %dma_start3A_63 = arith.constant 0 : i32
        %dma_start3A_64 = tpu.memref_slice %arg4[%add3A_44, %dma_start3A_63] : memref<2560x128xi32, #tpu.memory_space<hbm>> -> memref<40x128xi32, #tpu.memory_space<hbm>>
        tpu.enqueue_dma source(%dma_start3A_64 : memref<40x128xi32, #tpu.memory_space<hbm>>) target(%arg8 : memref<40x128xi32, #tpu.memory_space<vmem>>) target_semaphore(%run_scoped3A : memref<!tpu.dma_semaphore, #tpu.memory_space<semaphore_mem>>)
        %dma_wait3A = arith.constant 0 : i32
        %dma_wait3A_65 = tpu.memref_slice %arg4[%add3A_44, %dma_wait3A] : memref<2560x128xi32, #tpu.memory_space<hbm>> -> memref<40x128xi32, #tpu.memory_space<hbm>>
        %dma_wait3A_66 = arith.constant 0 : i32
        %dma_wait3A_67 = tpu.memref_slice %arg4[%add3A_44, %dma_wait3A_66] : memref<2560x128xi32, #tpu.memory_space<hbm>> -> memref<40x128xi32, #tpu.memory_space<hbm>>
        tpu.wait_dma2 semaphore(%run_scoped3A : memref<!tpu.dma_semaphore, #tpu.memory_space<semaphore_mem>>) src(%dma_wait3A_67 : memref<40x128xi32, #tpu.memory_space<hbm>>) dst(%arg8 : memref<40x128xi32, #tpu.memory_space<vmem>>)
        tpu.yield
      }) : () -> ()
      %dma_start3A = arith.constant 0 : i32
      %dma_start3A_45 = arith.constant 0 : i32
      %dma_start3A_46 = arith.constant 0 : i32
      %dma_start3A_47 = arith.constant 0 : i32
      %dma_start3A_48 = tpu.memref_slice %arg9[%dma_start3A_45, %dma_start3A_46, %dma_start3A_47] : memref<2x128x128xf32, #tpu.memory_space<vmem>> -> memref<1x128x128xf32, #tpu.memory_space<vmem>>
      %dma_start3A_49 = tpu.memref_squeeze %dma_start3A_48 : memref<1x128x128xf32, #tpu.memory_space<vmem>> -> memref<128x128xf32, #tpu.memory_space<vmem>>
      %dma_start3A_50 = arith.constant 0 : i32
      %dma_start3A_51 = tpu.memref_slice %arg7[%dma_start3A, %dma_start3A_50] : memref<40x128xi32, #tpu.memory_space<vmem>> -> memref<1x128xi32, #tpu.memory_space<vmem>>
      %dma_start3A_52 = tpu.memref_squeeze %dma_start3A_51 : memref<1x128xi32, #tpu.memory_space<vmem>> -> memref<128xi32, #tpu.memory_space<vmem>>
      %dma_start3A_53 = arith.constant 0 : i32
      %dma_start3A_54 = arith.constant 0 : i32
      %dma_start3A_55 = tpu.memref_slice %arg2[%dma_start3A_53, %dma_start3A_54] : memref<10000x128xf32, #tpu.memory_space<hbm>> -> memref<10000x128xf32, #tpu.memory_space<hbm>>
      tpu.enqueue_indirect_dma source(%dma_start3A_55 : memref<10000x128xf32, #tpu.memory_space<hbm>>) target(%dma_start3A_49 : memref<128x128xf32, #tpu.memory_space<vmem>>) offsets(%dma_start3A_52 : memref<128xi32, #tpu.memory_space<vmem>>) semaphore(%arg11 : memref<!tpu.dma_semaphore, #tpu.memory_space<semaphore_mem>>)
      %scan3A = arith.constant 0 : i32
      %scan3A_56 = arith.constant 0 : i32
      %scan3A_57 = arith.constant 20 : i32
      %scan3A_58 = arith.addi %scan3A_56, %scan3A_57 : i32
      %scan3A_59 = arith.constant 1 : i32
      scf.for %scan3A_61 = %scan3A_56 to %scan3A_58 step %scan3A_59  : i32 {
        %mul3A_62 = arith.constant 2 : i32
        %mul3A_63 = arith.muli %mul3A_62, %scan3A_61 : i32
        %add3A_64 = arith.constant 1 : i32
        %add3A_65 = arith.addi %mul3A_63, %add3A_64 : i32
        %dma_start3A_66 = arith.constant 1 : i32
        %dma_start3A_67 = arith.constant 0 : i32
        %dma_start3A_68 = arith.constant 0 : i32
        %dma_start3A_69 = tpu.memref_slice %arg9[%dma_start3A_66, %dma_start3A_67, %dma_start3A_68] : memref<2x128x128xf32, #tpu.memory_space<vmem>> -> memref<1x128x128xf32, #tpu.memory_space<vmem>>
        %dma_start3A_70 = tpu.memref_squeeze %dma_start3A_69 : memref<1x128x128xf32, #tpu.memory_space<vmem>> -> memref<128x128xf32, #tpu.memory_space<vmem>>
        %dma_start3A_71 = arith.constant 0 : i32
        %dma_start3A_72 = tpu.memref_slice %arg7[%add3A_65, %dma_start3A_71] : memref<40x128xi32, #tpu.memory_space<vmem>> -> memref<1x128xi32, #tpu.memory_space<vmem>>
        %dma_start3A_73 = tpu.memref_squeeze %dma_start3A_72 : memref<1x128xi32, #tpu.memory_space<vmem>> -> memref<128xi32, #tpu.memory_space<vmem>>
        %dma_start3A_74 = arith.constant 0 : i32
        %dma_start3A_75 = arith.constant 0 : i32
        %dma_start3A_76 = tpu.memref_slice %arg2[%dma_start3A_74, %dma_start3A_75] : memref<10000x128xf32, #tpu.memory_space<hbm>> -> memref<10000x128xf32, #tpu.memory_space<hbm>>
        tpu.enqueue_indirect_dma source(%dma_start3A_76 : memref<10000x128xf32, #tpu.memory_space<hbm>>) target(%dma_start3A_70 : memref<128x128xf32, #tpu.memory_space<vmem>>) offsets(%dma_start3A_73 : memref<128xi32, #tpu.memory_space<vmem>>) semaphore(%arg12 : memref<!tpu.dma_semaphore, #tpu.memory_space<semaphore_mem>>)
        %dma_wait3A = arith.constant 0 : i32
        %dma_wait3A_77 = arith.constant 0 : i32
        %dma_wait3A_78 = arith.constant 0 : i32
        %dma_wait3A_79 = arith.constant 0 : i32
        %dma_wait3A_80 = tpu.memref_slice %arg9[%dma_wait3A_77, %dma_wait3A_78, %dma_wait3A_79] : memref<2x128x128xf32, #tpu.memory_space<vmem>> -> memref<1x128x128xf32, #tpu.memory_space<vmem>>
        %dma_wait3A_81 = tpu.memref_squeeze %dma_wait3A_80 : memref<1x128x128xf32, #tpu.memory_space<vmem>> -> memref<128x128xf32, #tpu.memory_space<vmem>>
        %dma_wait3A_82 = arith.constant 0 : i32
        %dma_wait3A_83 = tpu.memref_slice %arg7[%dma_wait3A, %dma_wait3A_82] : memref<40x128xi32, #tpu.memory_space<vmem>> -> memref<1x128xi32, #tpu.memory_space<vmem>>
        %dma_wait3A_84 = tpu.memref_squeeze %dma_wait3A_83 : memref<1x128xi32, #tpu.memory_space<vmem>> -> memref<128xi32, #tpu.memory_space<vmem>>
        %dma_wait3A_85 = arith.constant 0 : i32
        %dma_wait3A_86 = arith.constant 0 : i32
        %dma_wait3A_87 = tpu.memref_slice %arg2[%dma_wait3A_85, %dma_wait3A_86] : memref<10000x128xf32, #tpu.memory_space<hbm>> -> memref<10000x128xf32, #tpu.memory_space<hbm>>
        tpu.wait_indirect_dma semaphore(%arg11 : memref<!tpu.dma_semaphore, #tpu.memory_space<semaphore_mem>>) src(%dma_wait3A_87 : memref<10000x128xf32, #tpu.memory_space<hbm>>) dst(%dma_wait3A_81 : memref<128x128xf32, #tpu.memory_space<vmem>>)
        %run_scoped3A = arith.constant 0 : i32
        "tpu.region"() ({
          %run_scoped3A_107 = tpu.sem_alloc : memref<!tpu.dma_semaphore, #tpu.memory_space<semaphore_mem>>
          %dma_start3A_108 = arith.constant 0 : i32
          %dma_start3A_109 = arith.constant 0 : i32
          %dma_start3A_110 = tpu.memref_slice %arg9[%run_scoped3A, %dma_start3A_108, %dma_start3A_109] : memref<2x128x128xf32, #tpu.memory_space<vmem>> -> memref<1x128x128xf32, #tpu.memory_space<vmem>>
          %dma_start3A_111 = tpu.memref_squeeze %dma_start3A_110 : memref<1x128x128xf32, #tpu.memory_space<vmem>> -> memref<128x128xf32, #tpu.memory_space<vmem>>
          %dma_start3A_112 = arith.constant 0 : i32
          %dma_start3A_113 = tpu.memref_slice %arg8[%mul3A_63, %dma_start3A_112] : memref<40x128xi32, #tpu.memory_space<vmem>> -> memref<1x128xi32, #tpu.memory_space<vmem>>
          %dma_start3A_114 = tpu.memref_squeeze %dma_start3A_113 : memref<1x128xi32, #tpu.memory_space<vmem>> -> memref<128xi32, #tpu.memory_space<vmem>>
          %dma_start3A_115 = arith.constant 0 : i32
          %dma_start3A_116 = arith.constant 0 : i32
          %dma_start3A_117 = tpu.memref_slice %arg10[%dma_start3A_115, %dma_start3A_116] : memref<10112x128xf32, #tpu.memory_space<vmem_shared>> -> memref<10112x128xf32, #tpu.memory_space<vmem_shared>>
          tpu.enqueue_indirect_dma source(%dma_start3A_111 : memref<128x128xf32, #tpu.memory_space<vmem>>) target(%dma_start3A_117 : memref<10112x128xf32, #tpu.memory_space<vmem_shared>>) offsets(%dma_start3A_114 : memref<128xi32, #tpu.memory_space<vmem>>) semaphore(%run_scoped3A_107 : memref<!tpu.dma_semaphore, #tpu.memory_space<semaphore_mem>>) {add = true}
          %dma_wait3A_118 = arith.constant 0 : i32
          %dma_wait3A_119 = arith.constant 0 : i32
          %dma_wait3A_120 = tpu.memref_slice %arg9[%run_scoped3A, %dma_wait3A_118, %dma_wait3A_119] : memref<2x128x128xf32, #tpu.memory_space<vmem>> -> memref<1x128x128xf32, #tpu.memory_space<vmem>>
          %dma_wait3A_121 = tpu.memref_squeeze %dma_wait3A_120 : memref<1x128x128xf32, #tpu.memory_space<vmem>> -> memref<128x128xf32, #tpu.memory_space<vmem>>
          %dma_wait3A_122 = arith.constant 0 : i32
          %dma_wait3A_123 = tpu.memref_slice %arg8[%mul3A_63, %dma_wait3A_122] : memref<40x128xi32, #tpu.memory_space<vmem>> -> memref<1x128xi32, #tpu.memory_space<vmem>>
          %dma_wait3A_124 = tpu.memref_squeeze %dma_wait3A_123 : memref<1x128xi32, #tpu.memory_space<vmem>> -> memref<128xi32, #tpu.memory_space<vmem>>
          %dma_wait3A_125 = arith.constant 0 : i32
          %dma_wait3A_126 = arith.constant 0 : i32
          %dma_wait3A_127 = tpu.memref_slice %arg10[%dma_wait3A_125, %dma_wait3A_126] : memref<10112x128xf32, #tpu.memory_space<vmem_shared>> -> memref<10112x128xf32, #tpu.memory_space<vmem_shared>>
          tpu.wait_indirect_dma semaphore(%run_scoped3A_107 : memref<!tpu.dma_semaphore, #tpu.memory_space<semaphore_mem>>) src(%dma_wait3A_121 : memref<128x128xf32, #tpu.memory_space<vmem>>) dst(%dma_wait3A_127 : memref<10112x128xf32, #tpu.memory_space<vmem_shared>>)
          tpu.yield
        }) : () -> ()
        %lt3A = arith.constant 19 : i32
        %lt3A_88 = arith.cmpi slt, %scan3A_61, %lt3A : i32
        %convert_element_type3A_89 = arith.extui %lt3A_88 : i1 to i32
        %cond3A_90 = arith.constant 0 : i32
        %cond3A_91 = arith.cmpi ne, %convert_element_type3A_89, %cond3A_90 : i32
        scf.if %cond3A_91 {
          %add3A_107 = arith.constant 2 : i32
          %add3A_108 = arith.addi %mul3A_63, %add3A_107 : i32
          %dma_start3A_109 = arith.constant 0 : i32
          %dma_start3A_110 = arith.constant 0 : i32
          %dma_start3A_111 = arith.constant 0 : i32
          %dma_start3A_112 = tpu.memref_slice %arg9[%dma_start3A_109, %dma_start3A_110, %dma_start3A_111] : memref<2x128x128xf32, #tpu.memory_space<vmem>> -> memref<1x128x128xf32, #tpu.memory_space<vmem>>
          %dma_start3A_113 = tpu.memref_squeeze %dma_start3A_112 : memref<1x128x128xf32, #tpu.memory_space<vmem>> -> memref<128x128xf32, #tpu.memory_space<vmem>>
          %dma_start3A_114 = arith.constant 0 : i32
          %dma_start3A_115 = tpu.memref_slice %arg7[%add3A_108, %dma_start3A_114] : memref<40x128xi32, #tpu.memory_space<vmem>> -> memref<1x128xi32, #tpu.memory_space<vmem>>
          %dma_start3A_116 = tpu.memref_squeeze %dma_start3A_115 : memref<1x128xi32, #tpu.memory_space<vmem>> -> memref<128xi32, #tpu.memory_space<vmem>>
          %dma_start3A_117 = arith.constant 0 : i32
          %dma_start3A_118 = arith.constant 0 : i32
          %dma_start3A_119 = tpu.memref_slice %arg2[%dma_start3A_117, %dma_start3A_118] : memref<10000x128xf32, #tpu.memory_space<hbm>> -> memref<10000x128xf32, #tpu.memory_space<hbm>>
          tpu.enqueue_indirect_dma source(%dma_start3A_119 : memref<10000x128xf32, #tpu.memory_space<hbm>>) target(%dma_start3A_113 : memref<128x128xf32, #tpu.memory_space<vmem>>) offsets(%dma_start3A_116 : memref<128xi32, #tpu.memory_space<vmem>>) semaphore(%arg11 : memref<!tpu.dma_semaphore, #tpu.memory_space<semaphore_mem>>)
        } else {
        }
        %dma_wait3A_92 = arith.constant 0 : i32
        %dma_wait3A_93 = arith.constant 1 : i32
        %dma_wait3A_94 = arith.constant 0 : i32
        %dma_wait3A_95 = arith.constant 0 : i32
        %dma_wait3A_96 = tpu.memref_slice %arg9[%dma_wait3A_93, %dma_wait3A_94, %dma_wait3A_95] : memref<2x128x128xf32, #tpu.memory_space<vmem>> -> memref<1x128x128xf32, #tpu.memory_space<vmem>>
        %dma_wait3A_97 = tpu.memref_squeeze %dma_wait3A_96 : memref<1x128x128xf32, #tpu.memory_space<vmem>> -> memref<128x128xf32, #tpu.memory_space<vmem>>
        %dma_wait3A_98 = arith.constant 0 : i32
        %dma_wait3A_99 = tpu.memref_slice %arg7[%dma_wait3A_92, %dma_wait3A_98] : memref<40x128xi32, #tpu.memory_space<vmem>> -> memref<1x128xi32, #tpu.memory_space<vmem>>
        %dma_wait3A_100 = tpu.memref_squeeze %dma_wait3A_99 : memref<1x128xi32, #tpu.memory_space<vmem>> -> memref<128xi32, #tpu.memory_space<vmem>>
        %dma_wait3A_101 = arith.constant 0 : i32
        %dma_wait3A_102 = arith.constant 0 : i32
        %dma_wait3A_103 = tpu.memref_slice %arg2[%dma_wait3A_101, %dma_wait3A_102] : memref<10000x128xf32, #tpu.memory_space<hbm>> -> memref<10000x128xf32, #tpu.memory_space<hbm>>
        tpu.wait_indirect_dma semaphore(%arg12 : memref<!tpu.dma_semaphore, #tpu.memory_space<semaphore_mem>>) src(%dma_wait3A_103 : memref<10000x128xf32, #tpu.memory_space<hbm>>) dst(%dma_wait3A_97 : memref<128x128xf32, #tpu.memory_space<vmem>>)
        %add3A_104 = arith.constant 1 : i32
        %add3A_105 = arith.addi %mul3A_63, %add3A_104 : i32
        %run_scoped3A_106 = arith.constant 1 : i32
        "tpu.region"() ({
          %run_scoped3A_107 = tpu.sem_alloc : memref<!tpu.dma_semaphore, #tpu.memory_space<semaphore_mem>>
          %dma_start3A_108 = arith.constant 0 : i32
          %dma_start3A_109 = arith.constant 0 : i32
          %dma_start3A_110 = tpu.memref_slice %arg9[%run_scoped3A_106, %dma_start3A_108, %dma_start3A_109] : memref<2x128x128xf32, #tpu.memory_space<vmem>> -> memref<1x128x128xf32, #tpu.memory_space<vmem>>
          %dma_start3A_111 = tpu.memref_squeeze %dma_start3A_110 : memref<1x128x128xf32, #tpu.memory_space<vmem>> -> memref<128x128xf32, #tpu.memory_space<vmem>>
          %dma_start3A_112 = arith.constant 0 : i32
          %dma_start3A_113 = tpu.memref_slice %arg8[%add3A_105, %dma_start3A_112] : memref<40x128xi32, #tpu.memory_space<vmem>> -> memref<1x128xi32, #tpu.memory_space<vmem>>
          %dma_start3A_114 = tpu.memref_squeeze %dma_start3A_113 : memref<1x128xi32, #tpu.memory_space<vmem>> -> memref<128xi32, #tpu.memory_space<vmem>>
          %dma_start3A_115 = arith.constant 0 : i32
          %dma_start3A_116 = arith.constant 0 : i32
          %dma_start3A_117 = tpu.memref_slice %arg10[%dma_start3A_115, %dma_start3A_116] : memref<10112x128xf32, #tpu.memory_space<vmem_shared>> -> memref<10112x128xf32, #tpu.memory_space<vmem_shared>>
          tpu.enqueue_indirect_dma source(%dma_start3A_111 : memref<128x128xf32, #tpu.memory_space<vmem>>) target(%dma_start3A_117 : memref<10112x128xf32, #tpu.memory_space<vmem_shared>>) offsets(%dma_start3A_114 : memref<128xi32, #tpu.memory_space<vmem>>) semaphore(%run_scoped3A_107 : memref<!tpu.dma_semaphore, #tpu.memory_space<semaphore_mem>>) {add = true}
          %dma_wait3A_118 = arith.constant 0 : i32
          %dma_wait3A_119 = arith.constant 0 : i32
          %dma_wait3A_120 = tpu.memref_slice %arg9[%run_scoped3A_106, %dma_wait3A_118, %dma_wait3A_119] : memref<2x128x128xf32, #tpu.memory_space<vmem>> -> memref<1x128x128xf32, #tpu.memory_space<vmem>>
          %dma_wait3A_121 = tpu.memref_squeeze %dma_wait3A_120 : memref<1x128x128xf32, #tpu.memory_space<vmem>> -> memref<128x128xf32, #tpu.memory_space<vmem>>
          %dma_wait3A_122 = arith.constant 0 : i32
          %dma_wait3A_123 = tpu.memref_slice %arg8[%add3A_105, %dma_wait3A_122] : memref<40x128xi32, #tpu.memory_space<vmem>> -> memref<1x128xi32, #tpu.memory_space<vmem>>
          %dma_wait3A_124 = tpu.memref_squeeze %dma_wait3A_123 : memref<1x128xi32, #tpu.memory_space<vmem>> -> memref<128xi32, #tpu.memory_space<vmem>>
          %dma_wait3A_125 = arith.constant 0 : i32
          %dma_wait3A_126 = arith.constant 0 : i32
          %dma_wait3A_127 = tpu.memref_slice %arg10[%dma_wait3A_125, %dma_wait3A_126] : memref<10112x128xf32, #tpu.memory_space<vmem_shared>> -> memref<10112x128xf32, #tpu.memory_space<vmem_shared>>
          tpu.wait_indirect_dma semaphore(%run_scoped3A_107 : memref<!tpu.dma_semaphore, #tpu.memory_space<semaphore_mem>>) src(%dma_wait3A_121 : memref<128x128xf32, #tpu.memory_space<vmem>>) dst(%dma_wait3A_127 : memref<10112x128xf32, #tpu.memory_space<vmem_shared>>)
          tpu.yield
        }) : () -> ()
      }
      %scan3A_60 = arith.constant 20 : i32
    }
    %while3A_32 = arith.constant 1 : i32
    scf.for %while3A_38 = %while3A_30 to %while3A_26 step %while3A_32  : i32 {
      %mul3A_39 = arith.constant 40 : i32
      %mul3A_40 = arith.muli %while3A_38, %mul3A_39 : i32
      %add3A_41 = arith.addi %add3A_5, %mul3A_40 : i32
      "tpu.region"() ({
        %run_scoped3A = tpu.sem_alloc : memref<!tpu.dma_semaphore, #tpu.memory_space<semaphore_mem>>
        %dma_start3A_61 = arith.constant 0 : i32
        %dma_start3A_62 = tpu.memref_slice %arg3[%add3A_41, %dma_start3A_61] : memref<2560x128xi32, #tpu.memory_space<hbm>> -> memref<40x128xi32, #tpu.memory_space<hbm>>
        %dma_start3A_63 = arith.constant 0 : i32
        %dma_start3A_64 = tpu.memref_slice %arg3[%add3A_41, %dma_start3A_63] : memref<2560x128xi32, #tpu.memory_space<hbm>> -> memref<40x128xi32, #tpu.memory_space<hbm>>
        tpu.enqueue_dma source(%dma_start3A_64 : memref<40x128xi32, #tpu.memory_space<hbm>>) target(%arg7 : memref<40x128xi32, #tpu.memory_space<vmem>>) target_semaphore(%run_scoped3A : memref<!tpu.dma_semaphore, #tpu.memory_space<semaphore_mem>>)
        %dma_wait3A = arith.constant 0 : i32
        %dma_wait3A_65 = tpu.memref_slice %arg3[%add3A_41, %dma_wait3A] : memref<2560x128xi32, #tpu.memory_space<hbm>> -> memref<40x128xi32, #tpu.memory_space<hbm>>
        %dma_wait3A_66 = arith.constant 0 : i32
        %dma_wait3A_67 = tpu.memref_slice %arg3[%add3A_41, %dma_wait3A_66] : memref<2560x128xi32, #tpu.memory_space<hbm>> -> memref<40x128xi32, #tpu.memory_space<hbm>>
        tpu.wait_dma2 semaphore(%run_scoped3A : memref<!tpu.dma_semaphore, #tpu.memory_space<semaphore_mem>>) src(%dma_wait3A_67 : memref<40x128xi32, #tpu.memory_space<hbm>>) dst(%arg7 : memref<40x128xi32, #tpu.memory_space<vmem>>)
        tpu.yield
      }) : () -> ()
      %mul3A_42 = arith.constant 40 : i32
      %mul3A_43 = arith.muli %while3A_38, %mul3A_42 : i32
      %add3A_44 = arith.addi %add3A_5, %mul3A_43 : i32
      "tpu.region"() ({
        %run_scoped3A = tpu.sem_alloc : memref<!tpu.dma_semaphore, #tpu.memory_space<semaphore_mem>>
        %dma_start3A_61 = arith.constant 0 : i32
        %dma_start3A_62 = tpu.memref_slice %arg4[%add3A_44, %dma_start3A_61] : memref<2560x128xi32, #tpu.memory_space<hbm>> -> memref<40x128xi32, #tpu.memory_space<hbm>>
        %dma_start3A_63 = arith.constant 0 : i32
        %dma_start3A_64 = tpu.memref_slice %arg4[%add3A_44, %dma_start3A_63] : memref<2560x128xi32, #tpu.memory_space<hbm>> -> memref<40x128xi32, #tpu.memory_space<hbm>>
        tpu.enqueue_dma source(%dma_start3A_64 : memref<40x128xi32, #tpu.memory_space<hbm>>) target(%arg8 : memref<40x128xi32, #tpu.memory_space<vmem>>) target_semaphore(%run_scoped3A : memref<!tpu.dma_semaphore, #tpu.memory_space<semaphore_mem>>)
        %dma_wait3A = arith.constant 0 : i32
        %dma_wait3A_65 = tpu.memref_slice %arg4[%add3A_44, %dma_wait3A] : memref<2560x128xi32, #tpu.memory_space<hbm>> -> memref<40x128xi32, #tpu.memory_space<hbm>>
        %dma_wait3A_66 = arith.constant 0 : i32
        %dma_wait3A_67 = tpu.memref_slice %arg4[%add3A_44, %dma_wait3A_66] : memref<2560x128xi32, #tpu.memory_space<hbm>> -> memref<40x128xi32, #tpu.memory_space<hbm>>
        tpu.wait_dma2 semaphore(%run_scoped3A : memref<!tpu.dma_semaphore, #tpu.memory_space<semaphore_mem>>) src(%dma_wait3A_67 : memref<40x128xi32, #tpu.memory_space<hbm>>) dst(%arg8 : memref<40x128xi32, #tpu.memory_space<vmem>>)
        tpu.yield
      }) : () -> ()
      %dma_start3A = arith.constant 0 : i32
      %dma_start3A_45 = arith.constant 0 : i32
      %dma_start3A_46 = arith.constant 0 : i32
      %dma_start3A_47 = arith.constant 0 : i32
      %dma_start3A_48 = tpu.memref_slice %arg9[%dma_start3A_45, %dma_start3A_46, %dma_start3A_47] : memref<2x128x128xf32, #tpu.memory_space<vmem>> -> memref<1x128x128xf32, #tpu.memory_space<vmem>>
      %dma_start3A_49 = tpu.memref_squeeze %dma_start3A_48 : memref<1x128x128xf32, #tpu.memory_space<vmem>> -> memref<128x128xf32, #tpu.memory_space<vmem>>
      %dma_start3A_50 = arith.constant 0 : i32
      %dma_start3A_51 = tpu.memref_slice %arg7[%dma_start3A, %dma_start3A_50] : memref<40x128xi32, #tpu.memory_space<vmem>> -> memref<1x128xi32, #tpu.memory_space<vmem>>
      %dma_start3A_52 = tpu.memref_squeeze %dma_start3A_51 : memref<1x128xi32, #tpu.memory_space<vmem>> -> memref<128xi32, #tpu.memory_space<vmem>>
      %dma_start3A_53 = arith.constant 0 : i32
      %dma_start3A_54 = arith.constant 0 : i32
      %dma_start3A_55 = tpu.memref_slice %arg2[%dma_start3A_53, %dma_start3A_54] : memref<10000x128xf32, #tpu.memory_space<hbm>> -> memref<10000x128xf32, #tpu.memory_space<hbm>>
      tpu.enqueue_indirect_dma source(%dma_start3A_55 : memref<10000x128xf32, #tpu.memory_space<hbm>>) target(%dma_start3A_49 : memref<128x128xf32, #tpu.memory_space<vmem>>) offsets(%dma_start3A_52 : memref<128xi32, #tpu.memory_space<vmem>>) semaphore(%arg11 : memref<!tpu.dma_semaphore, #tpu.memory_space<semaphore_mem>>)
      %scan3A = arith.constant 0 : i32
      %scan3A_56 = arith.constant 0 : i32
      %scan3A_57 = arith.constant 20 : i32
      %scan3A_58 = arith.addi %scan3A_56, %scan3A_57 : i32
      %scan3A_59 = arith.constant 1 : i32
      scf.for %scan3A_61 = %scan3A_56 to %scan3A_58 step %scan3A_59  : i32 {
        %mul3A_62 = arith.constant 2 : i32
        %mul3A_63 = arith.muli %mul3A_62, %scan3A_61 : i32
        %add3A_64 = arith.constant 1 : i32
        %add3A_65 = arith.addi %mul3A_63, %add3A_64 : i32
        %dma_start3A_66 = arith.constant 1 : i32
        %dma_start3A_67 = arith.constant 0 : i32
        %dma_start3A_68 = arith.constant 0 : i32
        %dma_start3A_69 = tpu.memref_slice %arg9[%dma_start3A_66, %dma_start3A_67, %dma_start3A_68] : memref<2x128x128xf32, #tpu.memory_space<vmem>> -> memref<1x128x128xf32, #tpu.memory_space<vmem>>
        %dma_start3A_70 = tpu.memref_squeeze %dma_start3A_69 : memref<1x128x128xf32, #tpu.memory_space<vmem>> -> memref<128x128xf32, #tpu.memory_space<vmem>>
        %dma_start3A_71 = arith.constant 0 : i32
        %dma_start3A_72 = tpu.memref_slice %arg7[%add3A_65, %dma_start3A_71] : memref<40x128xi32, #tpu.memory_space<vmem>> -> memref<1x128xi32, #tpu.memory_space<vmem>>
        %dma_start3A_73 = tpu.memref_squeeze %dma_start3A_72 : memref<1x128xi32, #tpu.memory_space<vmem>> -> memref<128xi32, #tpu.memory_space<vmem>>
        %dma_start3A_74 = arith.constant 0 : i32
        %dma_start3A_75 = arith.constant 0 : i32
        %dma_start3A_76 = tpu.memref_slice %arg2[%dma_start3A_74, %dma_start3A_75] : memref<10000x128xf32, #tpu.memory_space<hbm>> -> memref<10000x128xf32, #tpu.memory_space<hbm>>
        tpu.enqueue_indirect_dma source(%dma_start3A_76 : memref<10000x128xf32, #tpu.memory_space<hbm>>) target(%dma_start3A_70 : memref<128x128xf32, #tpu.memory_space<vmem>>) offsets(%dma_start3A_73 : memref<128xi32, #tpu.memory_space<vmem>>) semaphore(%arg12 : memref<!tpu.dma_semaphore, #tpu.memory_space<semaphore_mem>>)
        %dma_wait3A = arith.constant 0 : i32
        %dma_wait3A_77 = arith.constant 0 : i32
        %dma_wait3A_78 = arith.constant 0 : i32
        %dma_wait3A_79 = arith.constant 0 : i32
        %dma_wait3A_80 = tpu.memref_slice %arg9[%dma_wait3A_77, %dma_wait3A_78, %dma_wait3A_79] : memref<2x128x128xf32, #tpu.memory_space<vmem>> -> memref<1x128x128xf32, #tpu.memory_space<vmem>>
        %dma_wait3A_81 = tpu.memref_squeeze %dma_wait3A_80 : memref<1x128x128xf32, #tpu.memory_space<vmem>> -> memref<128x128xf32, #tpu.memory_space<vmem>>
        %dma_wait3A_82 = arith.constant 0 : i32
        %dma_wait3A_83 = tpu.memref_slice %arg7[%dma_wait3A, %dma_wait3A_82] : memref<40x128xi32, #tpu.memory_space<vmem>> -> memref<1x128xi32, #tpu.memory_space<vmem>>
        %dma_wait3A_84 = tpu.memref_squeeze %dma_wait3A_83 : memref<1x128xi32, #tpu.memory_space<vmem>> -> memref<128xi32, #tpu.memory_space<vmem>>
        %dma_wait3A_85 = arith.constant 0 : i32
        %dma_wait3A_86 = arith.constant 0 : i32
        %dma_wait3A_87 = tpu.memref_slice %arg2[%dma_wait3A_85, %dma_wait3A_86] : memref<10000x128xf32, #tpu.memory_space<hbm>> -> memref<10000x128xf32, #tpu.memory_space<hbm>>
        tpu.wait_indirect_dma semaphore(%arg11 : memref<!tpu.dma_semaphore, #tpu.memory_space<semaphore_mem>>) src(%dma_wait3A_87 : memref<10000x128xf32, #tpu.memory_space<hbm>>) dst(%dma_wait3A_81 : memref<128x128xf32, #tpu.memory_space<vmem>>)
        %run_scoped3A = arith.constant 0 : i32
        "tpu.region"() ({
          %run_scoped3A_107 = tpu.sem_alloc : memref<!tpu.dma_semaphore, #tpu.memory_space<semaphore_mem>>
          %dma_start3A_108 = arith.constant 0 : i32
          %dma_start3A_109 = arith.constant 0 : i32
          %dma_start3A_110 = tpu.memref_slice %arg9[%run_scoped3A, %dma_start3A_108, %dma_start3A_109] : memref<2x128x128xf32, #tpu.memory_space<vmem>> -> memref<1x128x128xf32, #tpu.memory_space<vmem>>
          %dma_start3A_111 = tpu.memref_squeeze %dma_start3A_110 : memref<1x128x128xf32, #tpu.memory_space<vmem>> -> memref<128x128xf32, #tpu.memory_space<vmem>>
          %dma_start3A_112 = arith.constant 0 : i32
          %dma_start3A_113 = tpu.memref_slice %arg8[%mul3A_63, %dma_start3A_112] : memref<40x128xi32, #tpu.memory_space<vmem>> -> memref<1x128xi32, #tpu.memory_space<vmem>>
          %dma_start3A_114 = tpu.memref_squeeze %dma_start3A_113 : memref<1x128xi32, #tpu.memory_space<vmem>> -> memref<128xi32, #tpu.memory_space<vmem>>
          %dma_start3A_115 = arith.constant 0 : i32
          %dma_start3A_116 = arith.constant 0 : i32
          %dma_start3A_117 = tpu.memref_slice %arg10[%dma_start3A_115, %dma_start3A_116] : memref<10112x128xf32, #tpu.memory_space<vmem_shared>> -> memref<10112x128xf32, #tpu.memory_space<vmem_shared>>
          tpu.enqueue_indirect_dma source(%dma_start3A_111 : memref<128x128xf32, #tpu.memory_space<vmem>>) target(%dma_start3A_117 : memref<10112x128xf32, #tpu.memory_space<vmem_shared>>) offsets(%dma_start3A_114 : memref<128xi32, #tpu.memory_space<vmem>>) semaphore(%run_scoped3A_107 : memref<!tpu.dma_semaphore, #tpu.memory_space<semaphore_mem>>) {add = true}
          %dma_wait3A_118 = arith.constant 0 : i32
          %dma_wait3A_119 = arith.constant 0 : i32
          %dma_wait3A_120 = tpu.memref_slice %arg9[%run_scoped3A, %dma_wait3A_118, %dma_wait3A_119] : memref<2x128x128xf32, #tpu.memory_space<vmem>> -> memref<1x128x128xf32, #tpu.memory_space<vmem>>
          %dma_wait3A_121 = tpu.memref_squeeze %dma_wait3A_120 : memref<1x128x128xf32, #tpu.memory_space<vmem>> -> memref<128x128xf32, #tpu.memory_space<vmem>>
          %dma_wait3A_122 = arith.constant 0 : i32
          %dma_wait3A_123 = tpu.memref_slice %arg8[%mul3A_63, %dma_wait3A_122] : memref<40x128xi32, #tpu.memory_space<vmem>> -> memref<1x128xi32, #tpu.memory_space<vmem>>
          %dma_wait3A_124 = tpu.memref_squeeze %dma_wait3A_123 : memref<1x128xi32, #tpu.memory_space<vmem>> -> memref<128xi32, #tpu.memory_space<vmem>>
          %dma_wait3A_125 = arith.constant 0 : i32
          %dma_wait3A_126 = arith.constant 0 : i32
          %dma_wait3A_127 = tpu.memref_slice %arg10[%dma_wait3A_125, %dma_wait3A_126] : memref<10112x128xf32, #tpu.memory_space<vmem_shared>> -> memref<10112x128xf32, #tpu.memory_space<vmem_shared>>
          tpu.wait_indirect_dma semaphore(%run_scoped3A_107 : memref<!tpu.dma_semaphore, #tpu.memory_space<semaphore_mem>>) src(%dma_wait3A_121 : memref<128x128xf32, #tpu.memory_space<vmem>>) dst(%dma_wait3A_127 : memref<10112x128xf32, #tpu.memory_space<vmem_shared>>)
          tpu.yield
        }) : () -> ()
        %lt3A = arith.constant 19 : i32
        %lt3A_88 = arith.cmpi slt, %scan3A_61, %lt3A : i32
        %convert_element_type3A_89 = arith.extui %lt3A_88 : i1 to i32
        %cond3A_90 = arith.constant 0 : i32
        %cond3A_91 = arith.cmpi ne, %convert_element_type3A_89, %cond3A_90 : i32
        scf.if %cond3A_91 {
          %add3A_107 = arith.constant 2 : i32
          %add3A_108 = arith.addi %mul3A_63, %add3A_107 : i32
          %dma_start3A_109 = arith.constant 0 : i32
          %dma_start3A_110 = arith.constant 0 : i32
          %dma_start3A_111 = arith.constant 0 : i32
          %dma_start3A_112 = tpu.memref_slice %arg9[%dma_start3A_109, %dma_start3A_110, %dma_start3A_111] : memref<2x128x128xf32, #tpu.memory_space<vmem>> -> memref<1x128x128xf32, #tpu.memory_space<vmem>>
          %dma_start3A_113 = tpu.memref_squeeze %dma_start3A_112 : memref<1x128x128xf32, #tpu.memory_space<vmem>> -> memref<128x128xf32, #tpu.memory_space<vmem>>
          %dma_start3A_114 = arith.constant 0 : i32
          %dma_start3A_115 = tpu.memref_slice %arg7[%add3A_108, %dma_start3A_114] : memref<40x128xi32, #tpu.memory_space<vmem>> -> memref<1x128xi32, #tpu.memory_space<vmem>>
          %dma_start3A_116 = tpu.memref_squeeze %dma_start3A_115 : memref<1x128xi32, #tpu.memory_space<vmem>> -> memref<128xi32, #tpu.memory_space<vmem>>
          %dma_start3A_117 = arith.constant 0 : i32
          %dma_start3A_118 = arith.constant 0 : i32
          %dma_start3A_119 = tpu.memref_slice %arg2[%dma_start3A_117, %dma_start3A_118] : memref<10000x128xf32, #tpu.memory_space<hbm>> -> memref<10000x128xf32, #tpu.memory_space<hbm>>
          tpu.enqueue_indirect_dma source(%dma_start3A_119 : memref<10000x128xf32, #tpu.memory_space<hbm>>) target(%dma_start3A_113 : memref<128x128xf32, #tpu.memory_space<vmem>>) offsets(%dma_start3A_116 : memref<128xi32, #tpu.memory_space<vmem>>) semaphore(%arg11 : memref<!tpu.dma_semaphore, #tpu.memory_space<semaphore_mem>>)
        } else {
        }
        %dma_wait3A_92 = arith.constant 0 : i32
        %dma_wait3A_93 = arith.constant 1 : i32
        %dma_wait3A_94 = arith.constant 0 : i32
        %dma_wait3A_95 = arith.constant 0 : i32
        %dma_wait3A_96 = tpu.memref_slice %arg9[%dma_wait3A_93, %dma_wait3A_94, %dma_wait3A_95] : memref<2x128x128xf32, #tpu.memory_space<vmem>> -> memref<1x128x128xf32, #tpu.memory_space<vmem>>
        %dma_wait3A_97 = tpu.memref_squeeze %dma_wait3A_96 : memref<1x128x128xf32, #tpu.memory_space<vmem>> -> memref<128x128xf32, #tpu.memory_space<vmem>>
        %dma_wait3A_98 = arith.constant 0 : i32
        %dma_wait3A_99 = tpu.memref_slice %arg7[%dma_wait3A_92, %dma_wait3A_98] : memref<40x128xi32, #tpu.memory_space<vmem>> -> memref<1x128xi32, #tpu.memory_space<vmem>>
        %dma_wait3A_100 = tpu.memref_squeeze %dma_wait3A_99 : memref<1x128xi32, #tpu.memory_space<vmem>> -> memref<128xi32, #tpu.memory_space<vmem>>
        %dma_wait3A_101 = arith.constant 0 : i32
        %dma_wait3A_102 = arith.constant 0 : i32
        %dma_wait3A_103 = tpu.memref_slice %arg2[%dma_wait3A_101, %dma_wait3A_102] : memref<10000x128xf32, #tpu.memory_space<hbm>> -> memref<10000x128xf32, #tpu.memory_space<hbm>>
        tpu.wait_indirect_dma semaphore(%arg12 : memref<!tpu.dma_semaphore, #tpu.memory_space<semaphore_mem>>) src(%dma_wait3A_103 : memref<10000x128xf32, #tpu.memory_space<hbm>>) dst(%dma_wait3A_97 : memref<128x128xf32, #tpu.memory_space<vmem>>)
        %add3A_104 = arith.constant 1 : i32
        %add3A_105 = arith.addi %mul3A_63, %add3A_104 : i32
        %run_scoped3A_106 = arith.constant 1 : i32
        "tpu.region"() ({
          %run_scoped3A_107 = tpu.sem_alloc : memref<!tpu.dma_semaphore, #tpu.memory_space<semaphore_mem>>
          %dma_start3A_108 = arith.constant 0 : i32
          %dma_start3A_109 = arith.constant 0 : i32
          %dma_start3A_110 = tpu.memref_slice %arg9[%run_scoped3A_106, %dma_start3A_108, %dma_start3A_109] : memref<2x128x128xf32, #tpu.memory_space<vmem>> -> memref<1x128x128xf32, #tpu.memory_space<vmem>>
          %dma_start3A_111 = tpu.memref_squeeze %dma_start3A_110 : memref<1x128x128xf32, #tpu.memory_space<vmem>> -> memref<128x128xf32, #tpu.memory_space<vmem>>
          %dma_start3A_112 = arith.constant 0 : i32
          %dma_start3A_113 = tpu.memref_slice %arg8[%add3A_105, %dma_start3A_112] : memref<40x128xi32, #tpu.memory_space<vmem>> -> memref<1x128xi32, #tpu.memory_space<vmem>>
          %dma_start3A_114 = tpu.memref_squeeze %dma_start3A_113 : memref<1x128xi32, #tpu.memory_space<vmem>> -> memref<128xi32, #tpu.memory_space<vmem>>
          %dma_start3A_115 = arith.constant 0 : i32
          %dma_start3A_116 = arith.constant 0 : i32
          %dma_start3A_117 = tpu.memref_slice %arg10[%dma_start3A_115, %dma_start3A_116] : memref<10112x128xf32, #tpu.memory_space<vmem_shared>> -> memref<10112x128xf32, #tpu.memory_space<vmem_shared>>
          tpu.enqueue_indirect_dma source(%dma_start3A_111 : memref<128x128xf32, #tpu.memory_space<vmem>>) target(%dma_start3A_117 : memref<10112x128xf32, #tpu.memory_space<vmem_shared>>) offsets(%dma_start3A_114 : memref<128xi32, #tpu.memory_space<vmem>>) semaphore(%run_scoped3A_107 : memref<!tpu.dma_semaphore, #tpu.memory_space<semaphore_mem>>) {add = true}
          %dma_wait3A_118 = arith.constant 0 : i32
          %dma_wait3A_119 = arith.constant 0 : i32
          %dma_wait3A_120 = tpu.memref_slice %arg9[%run_scoped3A_106, %dma_wait3A_118, %dma_wait3A_119] : memref<2x128x128xf32, #tpu.memory_space<vmem>> -> memref<1x128x128xf32, #tpu.memory_space<vmem>>
          %dma_wait3A_121 = tpu.memref_squeeze %dma_wait3A_120 : memref<1x128x128xf32, #tpu.memory_space<vmem>> -> memref<128x128xf32, #tpu.memory_space<vmem>>
          %dma_wait3A_122 = arith.constant 0 : i32
          %dma_wait3A_123 = tpu.memref_slice %arg8[%add3A_105, %dma_wait3A_122] : memref<40x128xi32, #tpu.memory_space<vmem>> -> memref<1x128xi32, #tpu.memory_space<vmem>>
          %dma_wait3A_124 = tpu.memref_squeeze %dma_wait3A_123 : memref<1x128xi32, #tpu.memory_space<vmem>> -> memref<128xi32, #tpu.memory_space<vmem>>
          %dma_wait3A_125 = arith.constant 0 : i32
          %dma_wait3A_126 = arith.constant 0 : i32
          %dma_wait3A_127 = tpu.memref_slice %arg10[%dma_wait3A_125, %dma_wait3A_126] : memref<10112x128xf32, #tpu.memory_space<vmem_shared>> -> memref<10112x128xf32, #tpu.memory_space<vmem_shared>>
          tpu.wait_indirect_dma semaphore(%run_scoped3A_107 : memref<!tpu.dma_semaphore, #tpu.memory_space<semaphore_mem>>) src(%dma_wait3A_121 : memref<128x128xf32, #tpu.memory_space<vmem>>) dst(%dma_wait3A_127 : memref<10112x128xf32, #tpu.memory_space<vmem_shared>>)
          tpu.yield
        }) : () -> ()
      }
      %scan3A_60 = arith.constant 20 : i32
    }
    %barrier3A_33 = arith.constant 0 : index
    tpu.barrier barrier_id(%barrier3A_33)
    %mul3A_34 = arith.constant 624 : i32
    %mul3A_35 = arith.muli %arg1, %mul3A_34 : i32
    "tpu.region"() ({
      %run_scoped3A = tpu.sem_alloc : memref<!tpu.dma_semaphore, #tpu.memory_space<semaphore_mem>>
      %dma_start3A = arith.constant 0 : i32
      %dma_start3A_38 = tpu.memref_slice %arg6[%arg0, %mul3A_35, %dma_start3A] : memref<2x10000x128xf32, #tpu.memory_space<hbm>> -> memref<1x624x128xf32, #tpu.memory_space<hbm>>
      %dma_start3A_39 = tpu.memref_squeeze %dma_start3A_38 : memref<1x624x128xf32, #tpu.memory_space<hbm>> -> memref<624x128xf32, #tpu.memory_space<hbm>>
      %dma_start3A_40 = arith.constant 0 : i32
      %dma_start3A_41 = tpu.memref_slice %arg10[%mul3A_35, %dma_start3A_40] : memref<10112x128xf32, #tpu.memory_space<vmem_shared>> -> memref<624x128xf32, #tpu.memory_space<vmem_shared>>
      tpu.enqueue_dma source(%dma_start3A_41 : memref<624x128xf32, #tpu.memory_space<vmem_shared>>) target(%dma_start3A_39 : memref<624x128xf32, #tpu.memory_space<hbm>>) target_semaphore(%run_scoped3A : memref<!tpu.dma_semaphore, #tpu.memory_space<semaphore_mem>>)
      %dma_wait3A = arith.constant 0 : i32
      %dma_wait3A_42 = tpu.memref_slice %arg6[%arg0, %mul3A_35, %dma_wait3A] : memref<2x10000x128xf32, #tpu.memory_space<hbm>> -> memref<1x624x128xf32, #tpu.memory_space<hbm>>
      %dma_wait3A_43 = tpu.memref_squeeze %dma_wait3A_42 : memref<1x624x128xf32, #tpu.memory_space<hbm>> -> memref<624x128xf32, #tpu.memory_space<hbm>>
      %dma_wait3A_44 = arith.constant 0 : i32
      %dma_wait3A_45 = tpu.memref_slice %arg10[%mul3A_35, %dma_wait3A_44] : memref<10112x128xf32, #tpu.memory_space<vmem_shared>> -> memref<624x128xf32, #tpu.memory_space<vmem_shared>>
      tpu.wait_dma2 semaphore(%run_scoped3A : memref<!tpu.dma_semaphore, #tpu.memory_space<semaphore_mem>>) src(%dma_wait3A_45 : memref<624x128xf32, #tpu.memory_space<vmem_shared>>) dst(%dma_wait3A_43 : memref<624x128xf32, #tpu.memory_space<hbm>>)
      tpu.yield
    }) : () -> ()
    %eq3A = arith.constant 15 : i32
    %eq3A_36 = arith.cmpi eq, %arg1, %eq3A : i32
    %convert_element_type3A = arith.extui %eq3A_36 : i1 to i32
    %cond3A = arith.constant 0 : i32
    %cond3A_37 = arith.cmpi ne, %convert_element_type3A, %cond3A : i32
    scf.if %cond3A_37 {
      "tpu.region"() ({
        %run_scoped3A = tpu.sem_alloc : memref<!tpu.dma_semaphore, #tpu.memory_space<semaphore_mem>>
        %dma_start3A = arith.constant 9984 : i32
        %dma_start3A_38 = arith.constant 0 : i32
        %dma_start3A_39 = tpu.memref_slice %arg6[%arg0, %dma_start3A, %dma_start3A_38] : memref<2x10000x128xf32, #tpu.memory_space<hbm>> -> memref<1x16x128xf32, #tpu.memory_space<hbm>>
        %dma_start3A_40 = tpu.memref_squeeze %dma_start3A_39 : memref<1x16x128xf32, #tpu.memory_space<hbm>> -> memref<16x128xf32, #tpu.memory_space<hbm>>
        %dma_start3A_41 = arith.constant 9984 : i32
        %dma_start3A_42 = arith.constant 0 : i32
        %dma_start3A_43 = tpu.memref_slice %arg10[%dma_start3A_41, %dma_start3A_42] : memref<10112x128xf32, #tpu.memory_space<vmem_shared>> -> memref<16x128xf32, #tpu.memory_space<vmem_shared>>
        tpu.enqueue_dma source(%dma_start3A_43 : memref<16x128xf32, #tpu.memory_space<vmem_shared>>) target(%dma_start3A_40 : memref<16x128xf32, #tpu.memory_space<hbm>>) target_semaphore(%run_scoped3A : memref<!tpu.dma_semaphore, #tpu.memory_space<semaphore_mem>>)
        %dma_wait3A = arith.constant 9984 : i32
        %dma_wait3A_44 = arith.constant 0 : i32
        %dma_wait3A_45 = tpu.memref_slice %arg6[%arg0, %dma_wait3A, %dma_wait3A_44] : memref<2x10000x128xf32, #tpu.memory_space<hbm>> -> memref<1x16x128xf32, #tpu.memory_space<hbm>>
        %dma_wait3A_46 = tpu.memref_squeeze %dma_wait3A_45 : memref<1x16x128xf32, #tpu.memory_space<hbm>> -> memref<16x128xf32, #tpu.memory_space<hbm>>
        %dma_wait3A_47 = arith.constant 9984 : i32
        %dma_wait3A_48 = arith.constant 0 : i32
        %dma_wait3A_49 = tpu.memref_slice %arg10[%dma_wait3A_47, %dma_wait3A_48] : memref<10112x128xf32, #tpu.memory_space<vmem_shared>> -> memref<16x128xf32, #tpu.memory_space<vmem_shared>>
        tpu.wait_dma2 semaphore(%run_scoped3A : memref<!tpu.dma_semaphore, #tpu.memory_space<semaphore_mem>>) src(%dma_wait3A_49 : memref<16x128xf32, #tpu.memory_space<vmem_shared>>) dst(%dma_wait3A_46 : memref<16x128xf32, #tpu.memory_space<hbm>>)
        tpu.yield
      }) : () -> ()
    } else {
    }
    return
  }
}

#map = affine_map<(d0, d1) -> (0, 0)>
#map1 = affine_map<(d0, d1) -> (0, 0, 0)>
module attributes {stable_mosaic.version = 14 : i64} {
  func.func @body(%arg0: i32, %arg1: i32, %arg2: memref<10000x128xf32, #tpu.memory_space<hbm>>, %arg3: memref<2560x128xi32, #tpu.memory_space<hbm>>, %arg4: memref<2560x128xi32, #tpu.memory_space<hbm>>, %arg5: memref<632x128xf32, #tpu.memory_space<hbm>>, %arg6: memref<2x10000x128xf32, #tpu.memory_space<hbm>>, %arg7: memref<40x128xi32, #tpu.memory_space<vmem>>, %arg8: memref<40x128xi32, #tpu.memory_space<vmem>>, %arg9: memref<2x128x128xf32, #tpu.memory_space<vmem>>, %arg10: memref<10112x128xf32, #tpu.memory_space<vmem_shared>>, %arg11: memref<!tpu.dma_semaphore, #tpu.memory_space<semaphore_mem>>, %arg12: memref<!tpu.dma_semaphore, #tpu.memory_space<semaphore_mem>>) attributes {dimension_semantics = [#tpu.dimension_semantics<core_parallel>, #tpu.dimension_semantics<subcore_parallel>], iteration_bounds = array<i64: 2, 16>, scalar_prefetch = 0 : i64, scratch_operands = 6 : i64, tpu.core_type = #tpu.core_type<sc_vector_subcore>, window_params = [{transform_indices = #map}, {transform_indices = #map}, {transform_indices = #map}, {transform_indices = #map}, {transform_indices = #map1}]} {
    %mul3A = arith.constant -80 : i32
    %mul3A_0 = arith.muli %arg0, %mul3A : i32
    %add3A = arith.constant 120 : i32
    %add3A_1 = arith.addi %add3A, %mul3A_0 : i32
    %mul3A_2 = arith.constant 1920 : i32
    %mul3A_3 = arith.muli %arg0, %mul3A_2 : i32
    %mul3A_4 = arith.muli %arg1, %add3A_1 : i32
    %add3A_5 = arith.addi %mul3A_3, %mul3A_4 : i32
    %mul3A_6 = arith.constant 632 : i32
    %mul3A_7 = arith.muli %arg1, %mul3A_6 : i32
    "tpu.region"() ({
      %run_scoped3A = tpu.sem_alloc : memref<!tpu.dma_semaphore, #tpu.memory_space<semaphore_mem>>
      %dma_start3A = arith.constant 0 : i32
      %dma_start3A_38 = tpu.memref_slice %arg10[%mul3A_7, %dma_start3A] : memref<10112x128xf32, #tpu.memory_space<vmem_shared>> -> memref<632x128xf32, #tpu.memory_space<vmem_shared>>
      tpu.enqueue_dma source(%arg5 : memref<632x128xf32, #tpu.memory_space<hbm>>) target(%dma_start3A_38 : memref<632x128xf32, #tpu.memory_space<vmem_shared>>) target_semaphore(%run_scoped3A : memref<!tpu.dma_semaphore, #tpu.memory_space<semaphore_mem>>)
      %dma_wait3A = arith.constant 0 : i32
      %dma_wait3A_39 = tpu.memref_slice %arg10[%mul3A_7, %dma_wait3A] : memref<10112x128xf32, #tpu.memory_space<vmem_shared>> -> memref<632x128xf32, #tpu.memory_space<vmem_shared>>
      tpu.wait_dma2 semaphore(%run_scoped3A : memref<!tpu.dma_semaphore, #tpu.memory_space<semaphore_mem>>) src(%arg5 : memref<632x128xf32, #tpu.memory_space<hbm>>) dst(%dma_wait3A_39 : memref<632x128xf32, #tpu.memory_space<vmem_shared>>)
      tpu.yield
    }) : () -> ()
    %barrier3A = arith.constant 0 : index
    tpu.barrier barrier_id(%barrier3A)
    %jit3A = arith.constant 40 : i32
    %div3A = arith.divsi %add3A_1, %jit3A : i32
    %sign3A = arith.constant 0 : i32
    %sign3A_8 = arith.cmpi sgt, %add3A_1, %sign3A : i32
    %sign3A_9 = arith.extui %sign3A_8 : i1 to i32
    %sign3A_10 = arith.constant 0 : i32
    %sign3A_11 = arith.cmpi slt, %add3A_1, %sign3A_10 : i32
    %sign3A_12 = arith.extui %sign3A_11 : i1 to i32
    %sign3A_13 = arith.subi %sign3A_9, %sign3A_12 : i32
    %sign3A_14 = arith.constant 0 : i32
    %sign3A_15 = arith.cmpi sgt, %jit3A, %sign3A_14 : i32
    %sign3A_16 = arith.extui %sign3A_15 : i1 to i32
    %sign3A_17 = arith.constant 0 : i32
    %sign3A_18 = arith.cmpi slt, %jit3A, %sign3A_17 : i32
    %sign3A_19 = arith.extui %sign3A_18 : i1 to i32
    %sign3A_20 = arith.subi %sign3A_16, %sign3A_19 : i32
    %ne3A = arith.cmpi ne, %sign3A_13, %sign3A_20 : i32
    %rem3A = arith.remsi %add3A_1, %jit3A : i32
    %ne3A_21 = arith.constant 0 : i32
    %ne3A_22 = arith.cmpi ne, %rem3A, %ne3A_21 : i32
    %and3A = arith.andi %ne3A, %ne3A_22 : i1
    %sub3A = arith.constant 1 : i32
    %sub3A_23 = arith.subi %div3A, %sub3A : i32
    %select_n3A = arith.select %and3A, %sub3A_23, %div3A : i32
    %while3A = arith.constant 0 : i32
    %while3A_24 = arith.constant 0 : i32
    %while3A_25 = arith.subi %select_n3A, %while3A_24 : i32
    %while3A_26 = arith.addi %while3A_24, %while3A_25 : i32
    %while3A_27 = arith.constant 1 : i32
    %while3A_28 = arith.divsi %while3A_25, %while3A_27 : i32
    %while3A_29 = arith.muli %while3A_28, %while3A_27 : i32
    %while3A_30 = arith.addi %while3A_24, %while3A_29 : i32
    %while3A_31 = arith.constant 1 : i32
    scf.for %while3A_38 = %while3A_24 to %while3A_30 step %while3A_31  : i32 {
      %mul3A_39 = arith.constant 40 : i32
      %mul3A_40 = arith.muli %while3A_38, %mul3A_39 : i32
      %add3A_41 = arith.addi %add3A_5, %mul3A_40 : i32
      "tpu.region"() ({
        %run_scoped3A = tpu.sem_alloc : memref<!tpu.dma_semaphore, #tpu.memory_space<semaphore_mem>>
        %dma_start3A_61 = arith.constant 0 : i32
        %dma_start3A_62 = tpu.memref_slice %arg3[%add3A_41, %dma_start3A_61] : memref<2560x128xi32, #tpu.memory_space<hbm>> -> memref<40x128xi32, #tpu.memory_space<hbm>>
        %dma_start3A_63 = arith.constant 0 : i32
        %dma_start3A_64 = tpu.memref_slice %arg3[%add3A_41, %dma_start3A_63] : memref<2560x128xi32, #tpu.memory_space<hbm>> -> memref<40x128xi32, #tpu.memory_space<hbm>>
        tpu.enqueue_dma source(%dma_start3A_64 : memref<40x128xi32, #tpu.memory_space<hbm>>) target(%arg7 : memref<40x128xi32, #tpu.memory_space<vmem>>) target_semaphore(%run_scoped3A : memref<!tpu.dma_semaphore, #tpu.memory_space<semaphore_mem>>)
        %dma_wait3A = arith.constant 0 : i32
        %dma_wait3A_65 = tpu.memref_slice %arg3[%add3A_41, %dma_wait3A] : memref<2560x128xi32, #tpu.memory_space<hbm>> -> memref<40x128xi32, #tpu.memory_space<hbm>>
        %dma_wait3A_66 = arith.constant 0 : i32
        %dma_wait3A_67 = tpu.memref_slice %arg3[%add3A_41, %dma_wait3A_66] : memref<2560x128xi32, #tpu.memory_space<hbm>> -> memref<40x128xi32, #tpu.memory_space<hbm>>
        tpu.wait_dma2 semaphore(%run_scoped3A : memref<!tpu.dma_semaphore, #tpu.memory_space<semaphore_mem>>) src(%dma_wait3A_67 : memref<40x128xi32, #tpu.memory_space<hbm>>) dst(%arg7 : memref<40x128xi32, #tpu.memory_space<vmem>>)
        tpu.yield
      }) : () -> ()
      %mul3A_42 = arith.constant 40 : i32
      %mul3A_43 = arith.muli %while3A_38, %mul3A_42 : i32
      %add3A_44 = arith.addi %add3A_5, %mul3A_43 : i32
      "tpu.region"() ({
        %run_scoped3A = tpu.sem_alloc : memref<!tpu.dma_semaphore, #tpu.memory_space<semaphore_mem>>
        %dma_start3A_61 = arith.constant 0 : i32
        %dma_start3A_62 = tpu.memref_slice %arg4[%add3A_44, %dma_start3A_61] : memref<2560x128xi32, #tpu.memory_space<hbm>> -> memref<40x128xi32, #tpu.memory_space<hbm>>
        %dma_start3A_63 = arith.constant 0 : i32
        %dma_start3A_64 = tpu.memref_slice %arg4[%add3A_44, %dma_start3A_63] : memref<2560x128xi32, #tpu.memory_space<hbm>> -> memref<40x128xi32, #tpu.memory_space<hbm>>
        tpu.enqueue_dma source(%dma_start3A_64 : memref<40x128xi32, #tpu.memory_space<hbm>>) target(%arg8 : memref<40x128xi32, #tpu.memory_space<vmem>>) target_semaphore(%run_scoped3A : memref<!tpu.dma_semaphore, #tpu.memory_space<semaphore_mem>>)
        %dma_wait3A = arith.constant 0 : i32
        %dma_wait3A_65 = tpu.memref_slice %arg4[%add3A_44, %dma_wait3A] : memref<2560x128xi32, #tpu.memory_space<hbm>> -> memref<40x128xi32, #tpu.memory_space<hbm>>
        %dma_wait3A_66 = arith.constant 0 : i32
        %dma_wait3A_67 = tpu.memref_slice %arg4[%add3A_44, %dma_wait3A_66] : memref<2560x128xi32, #tpu.memory_space<hbm>> -> memref<40x128xi32, #tpu.memory_space<hbm>>
        tpu.wait_dma2 semaphore(%run_scoped3A : memref<!tpu.dma_semaphore, #tpu.memory_space<semaphore_mem>>) src(%dma_wait3A_67 : memref<40x128xi32, #tpu.memory_space<hbm>>) dst(%arg8 : memref<40x128xi32, #tpu.memory_space<vmem>>)
        tpu.yield
      }) : () -> ()
      %dma_start3A = arith.constant 0 : i32
      %dma_start3A_45 = arith.constant 0 : i32
      %dma_start3A_46 = arith.constant 0 : i32
      %dma_start3A_47 = arith.constant 0 : i32
      %dma_start3A_48 = tpu.memref_slice %arg9[%dma_start3A_45, %dma_start3A_46, %dma_start3A_47] : memref<2x128x128xf32, #tpu.memory_space<vmem>> -> memref<1x128x128xf32, #tpu.memory_space<vmem>>
      %dma_start3A_49 = tpu.memref_squeeze %dma_start3A_48 : memref<1x128x128xf32, #tpu.memory_space<vmem>> -> memref<128x128xf32, #tpu.memory_space<vmem>>
      %dma_start3A_50 = arith.constant 0 : i32
      %dma_start3A_51 = tpu.memref_slice %arg7[%dma_start3A, %dma_start3A_50] : memref<40x128xi32, #tpu.memory_space<vmem>> -> memref<1x128xi32, #tpu.memory_space<vmem>>
      %dma_start3A_52 = tpu.memref_squeeze %dma_start3A_51 : memref<1x128xi32, #tpu.memory_space<vmem>> -> memref<128xi32, #tpu.memory_space<vmem>>
      %dma_start3A_53 = arith.constant 0 : i32
      %dma_start3A_54 = arith.constant 0 : i32
      %dma_start3A_55 = tpu.memref_slice %arg2[%dma_start3A_53, %dma_start3A_54] : memref<10000x128xf32, #tpu.memory_space<hbm>> -> memref<10000x128xf32, #tpu.memory_space<hbm>>
      tpu.enqueue_indirect_dma source(%dma_start3A_55 : memref<10000x128xf32, #tpu.memory_space<hbm>>) target(%dma_start3A_49 : memref<128x128xf32, #tpu.memory_space<vmem>>) offsets(%dma_start3A_52 : memref<128xi32, #tpu.memory_space<vmem>>) semaphore(%arg11 : memref<!tpu.dma_semaphore, #tpu.memory_space<semaphore_mem>>)
      %scan3A = arith.constant 0 : i32
      %scan3A_56 = arith.constant 0 : i32
      %scan3A_57 = arith.constant 20 : i32
      %scan3A_58 = arith.addi %scan3A_56, %scan3A_57 : i32
      %scan3A_59 = arith.constant 1 : i32
      scf.for %scan3A_61 = %scan3A_56 to %scan3A_58 step %scan3A_59  : i32 {
        %mul3A_62 = arith.constant 2 : i32
        %mul3A_63 = arith.muli %mul3A_62, %scan3A_61 : i32
        %add3A_64 = arith.constant 1 : i32
        %add3A_65 = arith.addi %mul3A_63, %add3A_64 : i32
        %dma_start3A_66 = arith.constant 1 : i32
        %dma_start3A_67 = arith.constant 0 : i32
        %dma_start3A_68 = arith.constant 0 : i32
        %dma_start3A_69 = tpu.memref_slice %arg9[%dma_start3A_66, %dma_start3A_67, %dma_start3A_68] : memref<2x128x128xf32, #tpu.memory_space<vmem>> -> memref<1x128x128xf32, #tpu.memory_space<vmem>>
        %dma_start3A_70 = tpu.memref_squeeze %dma_start3A_69 : memref<1x128x128xf32, #tpu.memory_space<vmem>> -> memref<128x128xf32, #tpu.memory_space<vmem>>
        %dma_start3A_71 = arith.constant 0 : i32
        %dma_start3A_72 = tpu.memref_slice %arg7[%add3A_65, %dma_start3A_71] : memref<40x128xi32, #tpu.memory_space<vmem>> -> memref<1x128xi32, #tpu.memory_space<vmem>>
        %dma_start3A_73 = tpu.memref_squeeze %dma_start3A_72 : memref<1x128xi32, #tpu.memory_space<vmem>> -> memref<128xi32, #tpu.memory_space<vmem>>
        %dma_start3A_74 = arith.constant 0 : i32
        %dma_start3A_75 = arith.constant 0 : i32
        %dma_start3A_76 = tpu.memref_slice %arg2[%dma_start3A_74, %dma_start3A_75] : memref<10000x128xf32, #tpu.memory_space<hbm>> -> memref<10000x128xf32, #tpu.memory_space<hbm>>
        tpu.enqueue_indirect_dma source(%dma_start3A_76 : memref<10000x128xf32, #tpu.memory_space<hbm>>) target(%dma_start3A_70 : memref<128x128xf32, #tpu.memory_space<vmem>>) offsets(%dma_start3A_73 : memref<128xi32, #tpu.memory_space<vmem>>) semaphore(%arg12 : memref<!tpu.dma_semaphore, #tpu.memory_space<semaphore_mem>>)
        %dma_wait3A = arith.constant 0 : i32
        %dma_wait3A_77 = arith.constant 0 : i32
        %dma_wait3A_78 = arith.constant 0 : i32
        %dma_wait3A_79 = arith.constant 0 : i32
        %dma_wait3A_80 = tpu.memref_slice %arg9[%dma_wait3A_77, %dma_wait3A_78, %dma_wait3A_79] : memref<2x128x128xf32, #tpu.memory_space<vmem>> -> memref<1x128x128xf32, #tpu.memory_space<vmem>>
        %dma_wait3A_81 = tpu.memref_squeeze %dma_wait3A_80 : memref<1x128x128xf32, #tpu.memory_space<vmem>> -> memref<128x128xf32, #tpu.memory_space<vmem>>
        %dma_wait3A_82 = arith.constant 0 : i32
        %dma_wait3A_83 = tpu.memref_slice %arg7[%dma_wait3A, %dma_wait3A_82] : memref<40x128xi32, #tpu.memory_space<vmem>> -> memref<1x128xi32, #tpu.memory_space<vmem>>
        %dma_wait3A_84 = tpu.memref_squeeze %dma_wait3A_83 : memref<1x128xi32, #tpu.memory_space<vmem>> -> memref<128xi32, #tpu.memory_space<vmem>>
        %dma_wait3A_85 = arith.constant 0 : i32
        %dma_wait3A_86 = arith.constant 0 : i32
        %dma_wait3A_87 = tpu.memref_slice %arg2[%dma_wait3A_85, %dma_wait3A_86] : memref<10000x128xf32, #tpu.memory_space<hbm>> -> memref<10000x128xf32, #tpu.memory_space<hbm>>
        tpu.wait_indirect_dma semaphore(%arg11 : memref<!tpu.dma_semaphore, #tpu.memory_space<semaphore_mem>>) src(%dma_wait3A_87 : memref<10000x128xf32, #tpu.memory_space<hbm>>) dst(%dma_wait3A_81 : memref<128x128xf32, #tpu.memory_space<vmem>>)
        %run_scoped3A = arith.constant 0 : i32
        "tpu.region"() ({
          %run_scoped3A_107 = tpu.sem_alloc : memref<!tpu.dma_semaphore, #tpu.memory_space<semaphore_mem>>
          %dma_start3A_108 = arith.constant 0 : i32
          %dma_start3A_109 = arith.constant 0 : i32
          %dma_start3A_110 = tpu.memref_slice %arg9[%run_scoped3A, %dma_start3A_108, %dma_start3A_109] : memref<2x128x128xf32, #tpu.memory_space<vmem>> -> memref<1x128x128xf32, #tpu.memory_space<vmem>>
          %dma_start3A_111 = tpu.memref_squeeze %dma_start3A_110 : memref<1x128x128xf32, #tpu.memory_space<vmem>> -> memref<128x128xf32, #tpu.memory_space<vmem>>
          %dma_start3A_112 = arith.constant 0 : i32
          %dma_start3A_113 = tpu.memref_slice %arg8[%mul3A_63, %dma_start3A_112] : memref<40x128xi32, #tpu.memory_space<vmem>> -> memref<1x128xi32, #tpu.memory_space<vmem>>
          %dma_start3A_114 = tpu.memref_squeeze %dma_start3A_113 : memref<1x128xi32, #tpu.memory_space<vmem>> -> memref<128xi32, #tpu.memory_space<vmem>>
          %dma_start3A_115 = arith.constant 0 : i32
          %dma_start3A_116 = arith.constant 0 : i32
          %dma_start3A_117 = tpu.memref_slice %arg10[%dma_start3A_115, %dma_start3A_116] : memref<10112x128xf32, #tpu.memory_space<vmem_shared>> -> memref<10112x128xf32, #tpu.memory_space<vmem_shared>>
          tpu.enqueue_indirect_dma source(%dma_start3A_111 : memref<128x128xf32, #tpu.memory_space<vmem>>) target(%dma_start3A_117 : memref<10112x128xf32, #tpu.memory_space<vmem_shared>>) offsets(%dma_start3A_114 : memref<128xi32, #tpu.memory_space<vmem>>) semaphore(%run_scoped3A_107 : memref<!tpu.dma_semaphore, #tpu.memory_space<semaphore_mem>>) {add = true}
          %dma_wait3A_118 = arith.constant 0 : i32
          %dma_wait3A_119 = arith.constant 0 : i32
          %dma_wait3A_120 = tpu.memref_slice %arg9[%run_scoped3A, %dma_wait3A_118, %dma_wait3A_119] : memref<2x128x128xf32, #tpu.memory_space<vmem>> -> memref<1x128x128xf32, #tpu.memory_space<vmem>>
          %dma_wait3A_121 = tpu.memref_squeeze %dma_wait3A_120 : memref<1x128x128xf32, #tpu.memory_space<vmem>> -> memref<128x128xf32, #tpu.memory_space<vmem>>
          %dma_wait3A_122 = arith.constant 0 : i32
          %dma_wait3A_123 = tpu.memref_slice %arg8[%mul3A_63, %dma_wait3A_122] : memref<40x128xi32, #tpu.memory_space<vmem>> -> memref<1x128xi32, #tpu.memory_space<vmem>>
          %dma_wait3A_124 = tpu.memref_squeeze %dma_wait3A_123 : memref<1x128xi32, #tpu.memory_space<vmem>> -> memref<128xi32, #tpu.memory_space<vmem>>
          %dma_wait3A_125 = arith.constant 0 : i32
          %dma_wait3A_126 = arith.constant 0 : i32
          %dma_wait3A_127 = tpu.memref_slice %arg10[%dma_wait3A_125, %dma_wait3A_126] : memref<10112x128xf32, #tpu.memory_space<vmem_shared>> -> memref<10112x128xf32, #tpu.memory_space<vmem_shared>>
          tpu.wait_indirect_dma semaphore(%run_scoped3A_107 : memref<!tpu.dma_semaphore, #tpu.memory_space<semaphore_mem>>) src(%dma_wait3A_121 : memref<128x128xf32, #tpu.memory_space<vmem>>) dst(%dma_wait3A_127 : memref<10112x128xf32, #tpu.memory_space<vmem_shared>>)
          tpu.yield
        }) : () -> ()
        %lt3A = arith.constant 19 : i32
        %lt3A_88 = arith.cmpi slt, %scan3A_61, %lt3A : i32
        %convert_element_type3A_89 = arith.extui %lt3A_88 : i1 to i32
        %cond3A_90 = arith.constant 0 : i32
        %cond3A_91 = arith.cmpi ne, %convert_element_type3A_89, %cond3A_90 : i32
        scf.if %cond3A_91 {
          %add3A_107 = arith.constant 2 : i32
          %add3A_108 = arith.addi %mul3A_63, %add3A_107 : i32
          %dma_start3A_109 = arith.constant 0 : i32
          %dma_start3A_110 = arith.constant 0 : i32
          %dma_start3A_111 = arith.constant 0 : i32
          %dma_start3A_112 = tpu.memref_slice %arg9[%dma_start3A_109, %dma_start3A_110, %dma_start3A_111] : memref<2x128x128xf32, #tpu.memory_space<vmem>> -> memref<1x128x128xf32, #tpu.memory_space<vmem>>
          %dma_start3A_113 = tpu.memref_squeeze %dma_start3A_112 : memref<1x128x128xf32, #tpu.memory_space<vmem>> -> memref<128x128xf32, #tpu.memory_space<vmem>>
          %dma_start3A_114 = arith.constant 0 : i32
          %dma_start3A_115 = tpu.memref_slice %arg7[%add3A_108, %dma_start3A_114] : memref<40x128xi32, #tpu.memory_space<vmem>> -> memref<1x128xi32, #tpu.memory_space<vmem>>
          %dma_start3A_116 = tpu.memref_squeeze %dma_start3A_115 : memref<1x128xi32, #tpu.memory_space<vmem>> -> memref<128xi32, #tpu.memory_space<vmem>>
          %dma_start3A_117 = arith.constant 0 : i32
          %dma_start3A_118 = arith.constant 0 : i32
          %dma_start3A_119 = tpu.memref_slice %arg2[%dma_start3A_117, %dma_start3A_118] : memref<10000x128xf32, #tpu.memory_space<hbm>> -> memref<10000x128xf32, #tpu.memory_space<hbm>>
          tpu.enqueue_indirect_dma source(%dma_start3A_119 : memref<10000x128xf32, #tpu.memory_space<hbm>>) target(%dma_start3A_113 : memref<128x128xf32, #tpu.memory_space<vmem>>) offsets(%dma_start3A_116 : memref<128xi32, #tpu.memory_space<vmem>>) semaphore(%arg11 : memref<!tpu.dma_semaphore, #tpu.memory_space<semaphore_mem>>)
        } else {
        }
        %dma_wait3A_92 = arith.constant 0 : i32
        %dma_wait3A_93 = arith.constant 1 : i32
        %dma_wait3A_94 = arith.constant 0 : i32
        %dma_wait3A_95 = arith.constant 0 : i32
        %dma_wait3A_96 = tpu.memref_slice %arg9[%dma_wait3A_93, %dma_wait3A_94, %dma_wait3A_95] : memref<2x128x128xf32, #tpu.memory_space<vmem>> -> memref<1x128x128xf32, #tpu.memory_space<vmem>>
        %dma_wait3A_97 = tpu.memref_squeeze %dma_wait3A_96 : memref<1x128x128xf32, #tpu.memory_space<vmem>> -> memref<128x128xf32, #tpu.memory_space<vmem>>
        %dma_wait3A_98 = arith.constant 0 : i32
        %dma_wait3A_99 = tpu.memref_slice %arg7[%dma_wait3A_92, %dma_wait3A_98] : memref<40x128xi32, #tpu.memory_space<vmem>> -> memref<1x128xi32, #tpu.memory_space<vmem>>
        %dma_wait3A_100 = tpu.memref_squeeze %dma_wait3A_99 : memref<1x128xi32, #tpu.memory_space<vmem>> -> memref<128xi32, #tpu.memory_space<vmem>>
        %dma_wait3A_101 = arith.constant 0 : i32
        %dma_wait3A_102 = arith.constant 0 : i32
        %dma_wait3A_103 = tpu.memref_slice %arg2[%dma_wait3A_101, %dma_wait3A_102] : memref<10000x128xf32, #tpu.memory_space<hbm>> -> memref<10000x128xf32, #tpu.memory_space<hbm>>
        tpu.wait_indirect_dma semaphore(%arg12 : memref<!tpu.dma_semaphore, #tpu.memory_space<semaphore_mem>>) src(%dma_wait3A_103 : memref<10000x128xf32, #tpu.memory_space<hbm>>) dst(%dma_wait3A_97 : memref<128x128xf32, #tpu.memory_space<vmem>>)
        %add3A_104 = arith.constant 1 : i32
        %add3A_105 = arith.addi %mul3A_63, %add3A_104 : i32
        %run_scoped3A_106 = arith.constant 1 : i32
        "tpu.region"() ({
          %run_scoped3A_107 = tpu.sem_alloc : memref<!tpu.dma_semaphore, #tpu.memory_space<semaphore_mem>>
          %dma_start3A_108 = arith.constant 0 : i32
          %dma_start3A_109 = arith.constant 0 : i32
          %dma_start3A_110 = tpu.memref_slice %arg9[%run_scoped3A_106, %dma_start3A_108, %dma_start3A_109] : memref<2x128x128xf32, #tpu.memory_space<vmem>> -> memref<1x128x128xf32, #tpu.memory_space<vmem>>
          %dma_start3A_111 = tpu.memref_squeeze %dma_start3A_110 : memref<1x128x128xf32, #tpu.memory_space<vmem>> -> memref<128x128xf32, #tpu.memory_space<vmem>>
          %dma_start3A_112 = arith.constant 0 : i32
          %dma_start3A_113 = tpu.memref_slice %arg8[%add3A_105, %dma_start3A_112] : memref<40x128xi32, #tpu.memory_space<vmem>> -> memref<1x128xi32, #tpu.memory_space<vmem>>
          %dma_start3A_114 = tpu.memref_squeeze %dma_start3A_113 : memref<1x128xi32, #tpu.memory_space<vmem>> -> memref<128xi32, #tpu.memory_space<vmem>>
          %dma_start3A_115 = arith.constant 0 : i32
          %dma_start3A_116 = arith.constant 0 : i32
          %dma_start3A_117 = tpu.memref_slice %arg10[%dma_start3A_115, %dma_start3A_116] : memref<10112x128xf32, #tpu.memory_space<vmem_shared>> -> memref<10112x128xf32, #tpu.memory_space<vmem_shared>>
          tpu.enqueue_indirect_dma source(%dma_start3A_111 : memref<128x128xf32, #tpu.memory_space<vmem>>) target(%dma_start3A_117 : memref<10112x128xf32, #tpu.memory_space<vmem_shared>>) offsets(%dma_start3A_114 : memref<128xi32, #tpu.memory_space<vmem>>) semaphore(%run_scoped3A_107 : memref<!tpu.dma_semaphore, #tpu.memory_space<semaphore_mem>>) {add = true}
          %dma_wait3A_118 = arith.constant 0 : i32
          %dma_wait3A_119 = arith.constant 0 : i32
          %dma_wait3A_120 = tpu.memref_slice %arg9[%run_scoped3A_106, %dma_wait3A_118, %dma_wait3A_119] : memref<2x128x128xf32, #tpu.memory_space<vmem>> -> memref<1x128x128xf32, #tpu.memory_space<vmem>>
          %dma_wait3A_121 = tpu.memref_squeeze %dma_wait3A_120 : memref<1x128x128xf32, #tpu.memory_space<vmem>> -> memref<128x128xf32, #tpu.memory_space<vmem>>
          %dma_wait3A_122 = arith.constant 0 : i32
          %dma_wait3A_123 = tpu.memref_slice %arg8[%add3A_105, %dma_wait3A_122] : memref<40x128xi32, #tpu.memory_space<vmem>> -> memref<1x128xi32, #tpu.memory_space<vmem>>
          %dma_wait3A_124 = tpu.memref_squeeze %dma_wait3A_123 : memref<1x128xi32, #tpu.memory_space<vmem>> -> memref<128xi32, #tpu.memory_space<vmem>>
          %dma_wait3A_125 = arith.constant 0 : i32
          %dma_wait3A_126 = arith.constant 0 : i32
          %dma_wait3A_127 = tpu.memref_slice %arg10[%dma_wait3A_125, %dma_wait3A_126] : memref<10112x128xf32, #tpu.memory_space<vmem_shared>> -> memref<10112x128xf32, #tpu.memory_space<vmem_shared>>
          tpu.wait_indirect_dma semaphore(%run_scoped3A_107 : memref<!tpu.dma_semaphore, #tpu.memory_space<semaphore_mem>>) src(%dma_wait3A_121 : memref<128x128xf32, #tpu.memory_space<vmem>>) dst(%dma_wait3A_127 : memref<10112x128xf32, #tpu.memory_space<vmem_shared>>)
          tpu.yield
        }) : () -> ()
      }
      %scan3A_60 = arith.constant 20 : i32
    }
    %while3A_32 = arith.constant 1 : i32
    scf.for %while3A_38 = %while3A_30 to %while3A_26 step %while3A_32  : i32 {
      %mul3A_39 = arith.constant 40 : i32
      %mul3A_40 = arith.muli %while3A_38, %mul3A_39 : i32
      %add3A_41 = arith.addi %add3A_5, %mul3A_40 : i32
      "tpu.region"() ({
        %run_scoped3A = tpu.sem_alloc : memref<!tpu.dma_semaphore, #tpu.memory_space<semaphore_mem>>
        %dma_start3A_61 = arith.constant 0 : i32
        %dma_start3A_62 = tpu.memref_slice %arg3[%add3A_41, %dma_start3A_61] : memref<2560x128xi32, #tpu.memory_space<hbm>> -> memref<40x128xi32, #tpu.memory_space<hbm>>
        %dma_start3A_63 = arith.constant 0 : i32
        %dma_start3A_64 = tpu.memref_slice %arg3[%add3A_41, %dma_start3A_63] : memref<2560x128xi32, #tpu.memory_space<hbm>> -> memref<40x128xi32, #tpu.memory_space<hbm>>
        tpu.enqueue_dma source(%dma_start3A_64 : memref<40x128xi32, #tpu.memory_space<hbm>>) target(%arg7 : memref<40x128xi32, #tpu.memory_space<vmem>>) target_semaphore(%run_scoped3A : memref<!tpu.dma_semaphore, #tpu.memory_space<semaphore_mem>>)
        %dma_wait3A = arith.constant 0 : i32
        %dma_wait3A_65 = tpu.memref_slice %arg3[%add3A_41, %dma_wait3A] : memref<2560x128xi32, #tpu.memory_space<hbm>> -> memref<40x128xi32, #tpu.memory_space<hbm>>
        %dma_wait3A_66 = arith.constant 0 : i32
        %dma_wait3A_67 = tpu.memref_slice %arg3[%add3A_41, %dma_wait3A_66] : memref<2560x128xi32, #tpu.memory_space<hbm>> -> memref<40x128xi32, #tpu.memory_space<hbm>>
        tpu.wait_dma2 semaphore(%run_scoped3A : memref<!tpu.dma_semaphore, #tpu.memory_space<semaphore_mem>>) src(%dma_wait3A_67 : memref<40x128xi32, #tpu.memory_space<hbm>>) dst(%arg7 : memref<40x128xi32, #tpu.memory_space<vmem>>)
        tpu.yield
      }) : () -> ()
      %mul3A_42 = arith.constant 40 : i32
      %mul3A_43 = arith.muli %while3A_38, %mul3A_42 : i32
      %add3A_44 = arith.addi %add3A_5, %mul3A_43 : i32
      "tpu.region"() ({
        %run_scoped3A = tpu.sem_alloc : memref<!tpu.dma_semaphore, #tpu.memory_space<semaphore_mem>>
        %dma_start3A_61 = arith.constant 0 : i32
        %dma_start3A_62 = tpu.memref_slice %arg4[%add3A_44, %dma_start3A_61] : memref<2560x128xi32, #tpu.memory_space<hbm>> -> memref<40x128xi32, #tpu.memory_space<hbm>>
        %dma_start3A_63 = arith.constant 0 : i32
        %dma_start3A_64 = tpu.memref_slice %arg4[%add3A_44, %dma_start3A_63] : memref<2560x128xi32, #tpu.memory_space<hbm>> -> memref<40x128xi32, #tpu.memory_space<hbm>>
        tpu.enqueue_dma source(%dma_start3A_64 : memref<40x128xi32, #tpu.memory_space<hbm>>) target(%arg8 : memref<40x128xi32, #tpu.memory_space<vmem>>) target_semaphore(%run_scoped3A : memref<!tpu.dma_semaphore, #tpu.memory_space<semaphore_mem>>)
        %dma_wait3A = arith.constant 0 : i32
        %dma_wait3A_65 = tpu.memref_slice %arg4[%add3A_44, %dma_wait3A] : memref<2560x128xi32, #tpu.memory_space<hbm>> -> memref<40x128xi32, #tpu.memory_space<hbm>>
        %dma_wait3A_66 = arith.constant 0 : i32
        %dma_wait3A_67 = tpu.memref_slice %arg4[%add3A_44, %dma_wait3A_66] : memref<2560x128xi32, #tpu.memory_space<hbm>> -> memref<40x128xi32, #tpu.memory_space<hbm>>
        tpu.wait_dma2 semaphore(%run_scoped3A : memref<!tpu.dma_semaphore, #tpu.memory_space<semaphore_mem>>) src(%dma_wait3A_67 : memref<40x128xi32, #tpu.memory_space<hbm>>) dst(%arg8 : memref<40x128xi32, #tpu.memory_space<vmem>>)
        tpu.yield
      }) : () -> ()
      %dma_start3A = arith.constant 0 : i32
      %dma_start3A_45 = arith.constant 0 : i32
      %dma_start3A_46 = arith.constant 0 : i32
      %dma_start3A_47 = arith.constant 0 : i32
      %dma_start3A_48 = tpu.memref_slice %arg9[%dma_start3A_45, %dma_start3A_46, %dma_start3A_47] : memref<2x128x128xf32, #tpu.memory_space<vmem>> -> memref<1x128x128xf32, #tpu.memory_space<vmem>>
      %dma_start3A_49 = tpu.memref_squeeze %dma_start3A_48 : memref<1x128x128xf32, #tpu.memory_space<vmem>> -> memref<128x128xf32, #tpu.memory_space<vmem>>
      %dma_start3A_50 = arith.constant 0 : i32
      %dma_start3A_51 = tpu.memref_slice %arg7[%dma_start3A, %dma_start3A_50] : memref<40x128xi32, #tpu.memory_space<vmem>> -> memref<1x128xi32, #tpu.memory_space<vmem>>
      %dma_start3A_52 = tpu.memref_squeeze %dma_start3A_51 : memref<1x128xi32, #tpu.memory_space<vmem>> -> memref<128xi32, #tpu.memory_space<vmem>>
      %dma_start3A_53 = arith.constant 0 : i32
      %dma_start3A_54 = arith.constant 0 : i32
      %dma_start3A_55 = tpu.memref_slice %arg2[%dma_start3A_53, %dma_start3A_54] : memref<10000x128xf32, #tpu.memory_space<hbm>> -> memref<10000x128xf32, #tpu.memory_space<hbm>>
      tpu.enqueue_indirect_dma source(%dma_start3A_55 : memref<10000x128xf32, #tpu.memory_space<hbm>>) target(%dma_start3A_49 : memref<128x128xf32, #tpu.memory_space<vmem>>) offsets(%dma_start3A_52 : memref<128xi32, #tpu.memory_space<vmem>>) semaphore(%arg11 : memref<!tpu.dma_semaphore, #tpu.memory_space<semaphore_mem>>)
      %scan3A = arith.constant 0 : i32
      %scan3A_56 = arith.constant 0 : i32
      %scan3A_57 = arith.constant 20 : i32
      %scan3A_58 = arith.addi %scan3A_56, %scan3A_57 : i32
      %scan3A_59 = arith.constant 1 : i32
      scf.for %scan3A_61 = %scan3A_56 to %scan3A_58 step %scan3A_59  : i32 {
        %mul3A_62 = arith.constant 2 : i32
        %mul3A_63 = arith.muli %mul3A_62, %scan3A_61 : i32
        %add3A_64 = arith.constant 1 : i32
        %add3A_65 = arith.addi %mul3A_63, %add3A_64 : i32
        %dma_start3A_66 = arith.constant 1 : i32
        %dma_start3A_67 = arith.constant 0 : i32
        %dma_start3A_68 = arith.constant 0 : i32
        %dma_start3A_69 = tpu.memref_slice %arg9[%dma_start3A_66, %dma_start3A_67, %dma_start3A_68] : memref<2x128x128xf32, #tpu.memory_space<vmem>> -> memref<1x128x128xf32, #tpu.memory_space<vmem>>
        %dma_start3A_70 = tpu.memref_squeeze %dma_start3A_69 : memref<1x128x128xf32, #tpu.memory_space<vmem>> -> memref<128x128xf32, #tpu.memory_space<vmem>>
        %dma_start3A_71 = arith.constant 0 : i32
        %dma_start3A_72 = tpu.memref_slice %arg7[%add3A_65, %dma_start3A_71] : memref<40x128xi32, #tpu.memory_space<vmem>> -> memref<1x128xi32, #tpu.memory_space<vmem>>
        %dma_start3A_73 = tpu.memref_squeeze %dma_start3A_72 : memref<1x128xi32, #tpu.memory_space<vmem>> -> memref<128xi32, #tpu.memory_space<vmem>>
        %dma_start3A_74 = arith.constant 0 : i32
        %dma_start3A_75 = arith.constant 0 : i32
        %dma_start3A_76 = tpu.memref_slice %arg2[%dma_start3A_74, %dma_start3A_75] : memref<10000x128xf32, #tpu.memory_space<hbm>> -> memref<10000x128xf32, #tpu.memory_space<hbm>>
        tpu.enqueue_indirect_dma source(%dma_start3A_76 : memref<10000x128xf32, #tpu.memory_space<hbm>>) target(%dma_start3A_70 : memref<128x128xf32, #tpu.memory_space<vmem>>) offsets(%dma_start3A_73 : memref<128xi32, #tpu.memory_space<vmem>>) semaphore(%arg12 : memref<!tpu.dma_semaphore, #tpu.memory_space<semaphore_mem>>)
        %dma_wait3A = arith.constant 0 : i32
        %dma_wait3A_77 = arith.constant 0 : i32
        %dma_wait3A_78 = arith.constant 0 : i32
        %dma_wait3A_79 = arith.constant 0 : i32
        %dma_wait3A_80 = tpu.memref_slice %arg9[%dma_wait3A_77, %dma_wait3A_78, %dma_wait3A_79] : memref<2x128x128xf32, #tpu.memory_space<vmem>> -> memref<1x128x128xf32, #tpu.memory_space<vmem>>
        %dma_wait3A_81 = tpu.memref_squeeze %dma_wait3A_80 : memref<1x128x128xf32, #tpu.memory_space<vmem>> -> memref<128x128xf32, #tpu.memory_space<vmem>>
        %dma_wait3A_82 = arith.constant 0 : i32
        %dma_wait3A_83 = tpu.memref_slice %arg7[%dma_wait3A, %dma_wait3A_82] : memref<40x128xi32, #tpu.memory_space<vmem>> -> memref<1x128xi32, #tpu.memory_space<vmem>>
        %dma_wait3A_84 = tpu.memref_squeeze %dma_wait3A_83 : memref<1x128xi32, #tpu.memory_space<vmem>> -> memref<128xi32, #tpu.memory_space<vmem>>
        %dma_wait3A_85 = arith.constant 0 : i32
        %dma_wait3A_86 = arith.constant 0 : i32
        %dma_wait3A_87 = tpu.memref_slice %arg2[%dma_wait3A_85, %dma_wait3A_86] : memref<10000x128xf32, #tpu.memory_space<hbm>> -> memref<10000x128xf32, #tpu.memory_space<hbm>>
        tpu.wait_indirect_dma semaphore(%arg11 : memref<!tpu.dma_semaphore, #tpu.memory_space<semaphore_mem>>) src(%dma_wait3A_87 : memref<10000x128xf32, #tpu.memory_space<hbm>>) dst(%dma_wait3A_81 : memref<128x128xf32, #tpu.memory_space<vmem>>)
        %run_scoped3A = arith.constant 0 : i32
        "tpu.region"() ({
          %run_scoped3A_107 = tpu.sem_alloc : memref<!tpu.dma_semaphore, #tpu.memory_space<semaphore_mem>>
          %dma_start3A_108 = arith.constant 0 : i32
          %dma_start3A_109 = arith.constant 0 : i32
          %dma_start3A_110 = tpu.memref_slice %arg9[%run_scoped3A, %dma_start3A_108, %dma_start3A_109] : memref<2x128x128xf32, #tpu.memory_space<vmem>> -> memref<1x128x128xf32, #tpu.memory_space<vmem>>
          %dma_start3A_111 = tpu.memref_squeeze %dma_start3A_110 : memref<1x128x128xf32, #tpu.memory_space<vmem>> -> memref<128x128xf32, #tpu.memory_space<vmem>>
          %dma_start3A_112 = arith.constant 0 : i32
          %dma_start3A_113 = tpu.memref_slice %arg8[%mul3A_63, %dma_start3A_112] : memref<40x128xi32, #tpu.memory_space<vmem>> -> memref<1x128xi32, #tpu.memory_space<vmem>>
          %dma_start3A_114 = tpu.memref_squeeze %dma_start3A_113 : memref<1x128xi32, #tpu.memory_space<vmem>> -> memref<128xi32, #tpu.memory_space<vmem>>
          %dma_start3A_115 = arith.constant 0 : i32
          %dma_start3A_116 = arith.constant 0 : i32
          %dma_start3A_117 = tpu.memref_slice %arg10[%dma_start3A_115, %dma_start3A_116] : memref<10112x128xf32, #tpu.memory_space<vmem_shared>> -> memref<10112x128xf32, #tpu.memory_space<vmem_shared>>
          tpu.enqueue_indirect_dma source(%dma_start3A_111 : memref<128x128xf32, #tpu.memory_space<vmem>>) target(%dma_start3A_117 : memref<10112x128xf32, #tpu.memory_space<vmem_shared>>) offsets(%dma_start3A_114 : memref<128xi32, #tpu.memory_space<vmem>>) semaphore(%run_scoped3A_107 : memref<!tpu.dma_semaphore, #tpu.memory_space<semaphore_mem>>) {add = true}
          %dma_wait3A_118 = arith.constant 0 : i32
          %dma_wait3A_119 = arith.constant 0 : i32
          %dma_wait3A_120 = tpu.memref_slice %arg9[%run_scoped3A, %dma_wait3A_118, %dma_wait3A_119] : memref<2x128x128xf32, #tpu.memory_space<vmem>> -> memref<1x128x128xf32, #tpu.memory_space<vmem>>
          %dma_wait3A_121 = tpu.memref_squeeze %dma_wait3A_120 : memref<1x128x128xf32, #tpu.memory_space<vmem>> -> memref<128x128xf32, #tpu.memory_space<vmem>>
          %dma_wait3A_122 = arith.constant 0 : i32
          %dma_wait3A_123 = tpu.memref_slice %arg8[%mul3A_63, %dma_wait3A_122] : memref<40x128xi32, #tpu.memory_space<vmem>> -> memref<1x128xi32, #tpu.memory_space<vmem>>
          %dma_wait3A_124 = tpu.memref_squeeze %dma_wait3A_123 : memref<1x128xi32, #tpu.memory_space<vmem>> -> memref<128xi32, #tpu.memory_space<vmem>>
          %dma_wait3A_125 = arith.constant 0 : i32
          %dma_wait3A_126 = arith.constant 0 : i32
          %dma_wait3A_127 = tpu.memref_slice %arg10[%dma_wait3A_125, %dma_wait3A_126] : memref<10112x128xf32, #tpu.memory_space<vmem_shared>> -> memref<10112x128xf32, #tpu.memory_space<vmem_shared>>
          tpu.wait_indirect_dma semaphore(%run_scoped3A_107 : memref<!tpu.dma_semaphore, #tpu.memory_space<semaphore_mem>>) src(%dma_wait3A_121 : memref<128x128xf32, #tpu.memory_space<vmem>>) dst(%dma_wait3A_127 : memref<10112x128xf32, #tpu.memory_space<vmem_shared>>)
          tpu.yield
        }) : () -> ()
        %lt3A = arith.constant 19 : i32
        %lt3A_88 = arith.cmpi slt, %scan3A_61, %lt3A : i32
        %convert_element_type3A_89 = arith.extui %lt3A_88 : i1 to i32
        %cond3A_90 = arith.constant 0 : i32
        %cond3A_91 = arith.cmpi ne, %convert_element_type3A_89, %cond3A_90 : i32
        scf.if %cond3A_91 {
          %add3A_107 = arith.constant 2 : i32
          %add3A_108 = arith.addi %mul3A_63, %add3A_107 : i32
          %dma_start3A_109 = arith.constant 0 : i32
          %dma_start3A_110 = arith.constant 0 : i32
          %dma_start3A_111 = arith.constant 0 : i32
          %dma_start3A_112 = tpu.memref_slice %arg9[%dma_start3A_109, %dma_start3A_110, %dma_start3A_111] : memref<2x128x128xf32, #tpu.memory_space<vmem>> -> memref<1x128x128xf32, #tpu.memory_space<vmem>>
          %dma_start3A_113 = tpu.memref_squeeze %dma_start3A_112 : memref<1x128x128xf32, #tpu.memory_space<vmem>> -> memref<128x128xf32, #tpu.memory_space<vmem>>
          %dma_start3A_114 = arith.constant 0 : i32
          %dma_start3A_115 = tpu.memref_slice %arg7[%add3A_108, %dma_start3A_114] : memref<40x128xi32, #tpu.memory_space<vmem>> -> memref<1x128xi32, #tpu.memory_space<vmem>>
          %dma_start3A_116 = tpu.memref_squeeze %dma_start3A_115 : memref<1x128xi32, #tpu.memory_space<vmem>> -> memref<128xi32, #tpu.memory_space<vmem>>
          %dma_start3A_117 = arith.constant 0 : i32
          %dma_start3A_118 = arith.constant 0 : i32
          %dma_start3A_119 = tpu.memref_slice %arg2[%dma_start3A_117, %dma_start3A_118] : memref<10000x128xf32, #tpu.memory_space<hbm>> -> memref<10000x128xf32, #tpu.memory_space<hbm>>
          tpu.enqueue_indirect_dma source(%dma_start3A_119 : memref<10000x128xf32, #tpu.memory_space<hbm>>) target(%dma_start3A_113 : memref<128x128xf32, #tpu.memory_space<vmem>>) offsets(%dma_start3A_116 : memref<128xi32, #tpu.memory_space<vmem>>) semaphore(%arg11 : memref<!tpu.dma_semaphore, #tpu.memory_space<semaphore_mem>>)
        } else {
        }
        %dma_wait3A_92 = arith.constant 0 : i32
        %dma_wait3A_93 = arith.constant 1 : i32
        %dma_wait3A_94 = arith.constant 0 : i32
        %dma_wait3A_95 = arith.constant 0 : i32
        %dma_wait3A_96 = tpu.memref_slice %arg9[%dma_wait3A_93, %dma_wait3A_94, %dma_wait3A_95] : memref<2x128x128xf32, #tpu.memory_space<vmem>> -> memref<1x128x128xf32, #tpu.memory_space<vmem>>
        %dma_wait3A_97 = tpu.memref_squeeze %dma_wait3A_96 : memref<1x128x128xf32, #tpu.memory_space<vmem>> -> memref<128x128xf32, #tpu.memory_space<vmem>>
        %dma_wait3A_98 = arith.constant 0 : i32
        %dma_wait3A_99 = tpu.memref_slice %arg7[%dma_wait3A_92, %dma_wait3A_98] : memref<40x128xi32, #tpu.memory_space<vmem>> -> memref<1x128xi32, #tpu.memory_space<vmem>>
        %dma_wait3A_100 = tpu.memref_squeeze %dma_wait3A_99 : memref<1x128xi32, #tpu.memory_space<vmem>> -> memref<128xi32, #tpu.memory_space<vmem>>
        %dma_wait3A_101 = arith.constant 0 : i32
        %dma_wait3A_102 = arith.constant 0 : i32
        %dma_wait3A_103 = tpu.memref_slice %arg2[%dma_wait3A_101, %dma_wait3A_102] : memref<10000x128xf32, #tpu.memory_space<hbm>> -> memref<10000x128xf32, #tpu.memory_space<hbm>>
        tpu.wait_indirect_dma semaphore(%arg12 : memref<!tpu.dma_semaphore, #tpu.memory_space<semaphore_mem>>) src(%dma_wait3A_103 : memref<10000x128xf32, #tpu.memory_space<hbm>>) dst(%dma_wait3A_97 : memref<128x128xf32, #tpu.memory_space<vmem>>)
        %add3A_104 = arith.constant 1 : i32
        %add3A_105 = arith.addi %mul3A_63, %add3A_104 : i32
        %run_scoped3A_106 = arith.constant 1 : i32
        "tpu.region"() ({
          %run_scoped3A_107 = tpu.sem_alloc : memref<!tpu.dma_semaphore, #tpu.memory_space<semaphore_mem>>
          %dma_start3A_108 = arith.constant 0 : i32
          %dma_start3A_109 = arith.constant 0 : i32
          %dma_start3A_110 = tpu.memref_slice %arg9[%run_scoped3A_106, %dma_start3A_108, %dma_start3A_109] : memref<2x128x128xf32, #tpu.memory_space<vmem>> -> memref<1x128x128xf32, #tpu.memory_space<vmem>>
          %dma_start3A_111 = tpu.memref_squeeze %dma_start3A_110 : memref<1x128x128xf32, #tpu.memory_space<vmem>> -> memref<128x128xf32, #tpu.memory_space<vmem>>
          %dma_start3A_112 = arith.constant 0 : i32
          %dma_start3A_113 = tpu.memref_slice %arg8[%add3A_105, %dma_start3A_112] : memref<40x128xi32, #tpu.memory_space<vmem>> -> memref<1x128xi32, #tpu.memory_space<vmem>>
          %dma_start3A_114 = tpu.memref_squeeze %dma_start3A_113 : memref<1x128xi32, #tpu.memory_space<vmem>> -> memref<128xi32, #tpu.memory_space<vmem>>
          %dma_start3A_115 = arith.constant 0 : i32
          %dma_start3A_116 = arith.constant 0 : i32
          %dma_start3A_117 = tpu.memref_slice %arg10[%dma_start3A_115, %dma_start3A_116] : memref<10112x128xf32, #tpu.memory_space<vmem_shared>> -> memref<10112x128xf32, #tpu.memory_space<vmem_shared>>
          tpu.enqueue_indirect_dma source(%dma_start3A_111 : memref<128x128xf32, #tpu.memory_space<vmem>>) target(%dma_start3A_117 : memref<10112x128xf32, #tpu.memory_space<vmem_shared>>) offsets(%dma_start3A_114 : memref<128xi32, #tpu.memory_space<vmem>>) semaphore(%run_scoped3A_107 : memref<!tpu.dma_semaphore, #tpu.memory_space<semaphore_mem>>) {add = true}
          %dma_wait3A_118 = arith.constant 0 : i32
          %dma_wait3A_119 = arith.constant 0 : i32
          %dma_wait3A_120 = tpu.memref_slice %arg9[%run_scoped3A_106, %dma_wait3A_118, %dma_wait3A_119] : memref<2x128x128xf32, #tpu.memory_space<vmem>> -> memref<1x128x128xf32, #tpu.memory_space<vmem>>
          %dma_wait3A_121 = tpu.memref_squeeze %dma_wait3A_120 : memref<1x128x128xf32, #tpu.memory_space<vmem>> -> memref<128x128xf32, #tpu.memory_space<vmem>>
          %dma_wait3A_122 = arith.constant 0 : i32
          %dma_wait3A_123 = tpu.memref_slice %arg8[%add3A_105, %dma_wait3A_122] : memref<40x128xi32, #tpu.memory_space<vmem>> -> memref<1x128xi32, #tpu.memory_space<vmem>>
          %dma_wait3A_124 = tpu.memref_squeeze %dma_wait3A_123 : memref<1x128xi32, #tpu.memory_space<vmem>> -> memref<128xi32, #tpu.memory_space<vmem>>
          %dma_wait3A_125 = arith.constant 0 : i32
          %dma_wait3A_126 = arith.constant 0 : i32
          %dma_wait3A_127 = tpu.memref_slice %arg10[%dma_wait3A_125, %dma_wait3A_126] : memref<10112x128xf32, #tpu.memory_space<vmem_shared>> -> memref<10112x128xf32, #tpu.memory_space<vmem_shared>>
          tpu.wait_indirect_dma semaphore(%run_scoped3A_107 : memref<!tpu.dma_semaphore, #tpu.memory_space<semaphore_mem>>) src(%dma_wait3A_121 : memref<128x128xf32, #tpu.memory_space<vmem>>) dst(%dma_wait3A_127 : memref<10112x128xf32, #tpu.memory_space<vmem_shared>>)
          tpu.yield
        }) : () -> ()
      }
      %scan3A_60 = arith.constant 20 : i32
    }
    %barrier3A_33 = arith.constant 0 : index
    tpu.barrier barrier_id(%barrier3A_33)
    %mul3A_34 = arith.constant 624 : i32
    %mul3A_35 = arith.muli %arg1, %mul3A_34 : i32
    "tpu.region"() ({
      %run_scoped3A = tpu.sem_alloc : memref<!tpu.dma_semaphore, #tpu.memory_space<semaphore_mem>>
      %dma_start3A = arith.constant 0 : i32
      %dma_start3A_38 = tpu.memref_slice %arg6[%arg0, %mul3A_35, %dma_start3A] : memref<2x10000x128xf32, #tpu.memory_space<hbm>> -> memref<1x624x128xf32, #tpu.memory_space<hbm>>
      %dma_start3A_39 = tpu.memref_squeeze %dma_start3A_38 : memref<1x624x128xf32, #tpu.memory_space<hbm>> -> memref<624x128xf32, #tpu.memory_space<hbm>>
      %dma_start3A_40 = arith.constant 0 : i32
      %dma_start3A_41 = tpu.memref_slice %arg10[%mul3A_35, %dma_start3A_40] : memref<10112x128xf32, #tpu.memory_space<vmem_shared>> -> memref<624x128xf32, #tpu.memory_space<vmem_shared>>
      tpu.enqueue_dma source(%dma_start3A_41 : memref<624x128xf32, #tpu.memory_space<vmem_shared>>) target(%dma_start3A_39 : memref<624x128xf32, #tpu.memory_space<hbm>>) target_semaphore(%run_scoped3A : memref<!tpu.dma_semaphore, #tpu.memory_space<semaphore_mem>>)
      %dma_wait3A = arith.constant 0 : i32
      %dma_wait3A_42 = tpu.memref_slice %arg6[%arg0, %mul3A_35, %dma_wait3A] : memref<2x10000x128xf32, #tpu.memory_space<hbm>> -> memref<1x624x128xf32, #tpu.memory_space<hbm>>
      %dma_wait3A_43 = tpu.memref_squeeze %dma_wait3A_42 : memref<1x624x128xf32, #tpu.memory_space<hbm>> -> memref<624x128xf32, #tpu.memory_space<hbm>>
      %dma_wait3A_44 = arith.constant 0 : i32
      %dma_wait3A_45 = tpu.memref_slice %arg10[%mul3A_35, %dma_wait3A_44] : memref<10112x128xf32, #tpu.memory_space<vmem_shared>> -> memref<624x128xf32, #tpu.memory_space<vmem_shared>>
      tpu.wait_dma2 semaphore(%run_scoped3A : memref<!tpu.dma_semaphore, #tpu.memory_space<semaphore_mem>>) src(%dma_wait3A_45 : memref<624x128xf32, #tpu.memory_space<vmem_shared>>) dst(%dma_wait3A_43 : memref<624x128xf32, #tpu.memory_space<hbm>>)
      tpu.yield
    }) : () -> ()
    %eq3A = arith.constant 15 : i32
    %eq3A_36 = arith.cmpi eq, %arg1, %eq3A : i32
    %convert_element_type3A = arith.extui %eq3A_36 : i1 to i32
    %cond3A = arith.constant 0 : i32
    %cond3A_37 = arith.cmpi ne, %convert_element_type3A, %cond3A : i32
    scf.if %cond3A_37 {
      "tpu.region"() ({
        %run_scoped3A = tpu.sem_alloc : memref<!tpu.dma_semaphore, #tpu.memory_space<semaphore_mem>>
        %dma_start3A = arith.constant 9984 : i32
        %dma_start3A_38 = arith.constant 0 : i32
        %dma_start3A_39 = tpu.memref_slice %arg6[%arg0, %dma_start3A, %dma_start3A_38] : memref<2x10000x128xf32, #tpu.memory_space<hbm>> -> memref<1x16x128xf32, #tpu.memory_space<hbm>>
        %dma_start3A_40 = tpu.memref_squeeze %dma_start3A_39 : memref<1x16x128xf32, #tpu.memory_space<hbm>> -> memref<16x128xf32, #tpu.memory_space<hbm>>
        %dma_start3A_41 = arith.constant 9984 : i32
        %dma_start3A_42 = arith.constant 0 : i32
        %dma_start3A_43 = tpu.memref_slice %arg10[%dma_start3A_41, %dma_start3A_42] : memref<10112x128xf32, #tpu.memory_space<vmem_shared>> -> memref<16x128xf32, #tpu.memory_space<vmem_shared>>
        tpu.enqueue_dma source(%dma_start3A_43 : memref<16x128xf32, #tpu.memory_space<vmem_shared>>) target(%dma_start3A_40 : memref<16x128xf32, #tpu.memory_space<hbm>>) target_semaphore(%run_scoped3A : memref<!tpu.dma_semaphore, #tpu.memory_space<semaphore_mem>>)
        %dma_wait3A = arith.constant 9984 : i32
        %dma_wait3A_44 = arith.constant 0 : i32
        %dma_wait3A_45 = tpu.memref_slice %arg6[%arg0, %dma_wait3A, %dma_wait3A_44] : memref<2x10000x128xf32, #tpu.memory_space<hbm>> -> memref<1x16x128xf32, #tpu.memory_space<hbm>>
        %dma_wait3A_46 = tpu.memref_squeeze %dma_wait3A_45 : memref<1x16x128xf32, #tpu.memory_space<hbm>> -> memref<16x128xf32, #tpu.memory_space<hbm>>
        %dma_wait3A_47 = arith.constant 9984 : i32
        %dma_wait3A_48 = arith.constant 0 : i32
        %dma_wait3A_49 = tpu.memref_slice %arg10[%dma_wait3A_47, %dma_wait3A_48] : memref<10112x128xf32, #tpu.memory_space<vmem_shared>> -> memref<16x128xf32, #tpu.memory_space<vmem_shared>>
        tpu.wait_dma2 semaphore(%run_scoped3A : memref<!tpu.dma_semaphore, #tpu.memory_space<semaphore_mem>>) src(%dma_wait3A_49 : memref<16x128xf32, #tpu.memory_space<vmem_shared>>) dst(%dma_wait3A_46 : memref<16x128xf32, #tpu.memory_space<hbm>>)
        tpu.yield
      }) : () -> ()
    } else {
    }
    return
  }
}

#map = affine_map<(d0, d1) -> (0, 0)>
#map1 = affine_map<(d0, d1) -> (0, 0, 0)>
module attributes {stable_mosaic.version = 14 : i64} {
  func.func @body(%arg0: i32, %arg1: i32, %arg2: memref<10000x128xf32, #tpu.memory_space<hbm>>, %arg3: memref<2560x128xi32, #tpu.memory_space<hbm>>, %arg4: memref<2560x128xi32, #tpu.memory_space<hbm>>, %arg5: memref<632x128xf32, #tpu.memory_space<hbm>>, %arg6: memref<2x10000x128xf32, #tpu.memory_space<hbm>>, %arg7: memref<40x128xi32, #tpu.memory_space<vmem>>, %arg8: memref<40x128xi32, #tpu.memory_space<vmem>>, %arg9: memref<2x128x128xf32, #tpu.memory_space<vmem>>, %arg10: memref<10112x128xf32, #tpu.memory_space<vmem_shared>>, %arg11: memref<!tpu.dma_semaphore, #tpu.memory_space<semaphore_mem>>, %arg12: memref<!tpu.dma_semaphore, #tpu.memory_space<semaphore_mem>>) attributes {dimension_semantics = [#tpu.dimension_semantics<core_parallel>, #tpu.dimension_semantics<subcore_parallel>], iteration_bounds = array<i64: 2, 16>, scalar_prefetch = 0 : i64, scratch_operands = 6 : i64, tpu.core_type = #tpu.core_type<sc_vector_subcore>, window_params = [{transform_indices = #map}, {transform_indices = #map}, {transform_indices = #map}, {transform_indices = #map}, {transform_indices = #map1}]} {
    %mul3A = arith.constant -80 : i32
    %mul3A_0 = arith.muli %arg0, %mul3A : i32
    %add3A = arith.constant 120 : i32
    %add3A_1 = arith.addi %add3A, %mul3A_0 : i32
    %mul3A_2 = arith.constant 1920 : i32
    %mul3A_3 = arith.muli %arg0, %mul3A_2 : i32
    %mul3A_4 = arith.muli %arg1, %add3A_1 : i32
    %add3A_5 = arith.addi %mul3A_3, %mul3A_4 : i32
    %mul3A_6 = arith.constant 632 : i32
    %mul3A_7 = arith.muli %arg1, %mul3A_6 : i32
    "tpu.region"() ({
      %run_scoped3A = tpu.sem_alloc : memref<!tpu.dma_semaphore, #tpu.memory_space<semaphore_mem>>
      %dma_start3A = arith.constant 0 : i32
      %dma_start3A_38 = tpu.memref_slice %arg10[%mul3A_7, %dma_start3A] : memref<10112x128xf32, #tpu.memory_space<vmem_shared>> -> memref<632x128xf32, #tpu.memory_space<vmem_shared>>
      tpu.enqueue_dma source(%arg5 : memref<632x128xf32, #tpu.memory_space<hbm>>) target(%dma_start3A_38 : memref<632x128xf32, #tpu.memory_space<vmem_shared>>) target_semaphore(%run_scoped3A : memref<!tpu.dma_semaphore, #tpu.memory_space<semaphore_mem>>)
      %dma_wait3A = arith.constant 0 : i32
      %dma_wait3A_39 = tpu.memref_slice %arg10[%mul3A_7, %dma_wait3A] : memref<10112x128xf32, #tpu.memory_space<vmem_shared>> -> memref<632x128xf32, #tpu.memory_space<vmem_shared>>
      tpu.wait_dma2 semaphore(%run_scoped3A : memref<!tpu.dma_semaphore, #tpu.memory_space<semaphore_mem>>) src(%arg5 : memref<632x128xf32, #tpu.memory_space<hbm>>) dst(%dma_wait3A_39 : memref<632x128xf32, #tpu.memory_space<vmem_shared>>)
      tpu.yield
    }) : () -> ()
    %barrier3A = arith.constant 0 : index
    tpu.barrier barrier_id(%barrier3A)
    %jit3A = arith.constant 40 : i32
    %div3A = arith.divsi %add3A_1, %jit3A : i32
    %sign3A = arith.constant 0 : i32
    %sign3A_8 = arith.cmpi sgt, %add3A_1, %sign3A : i32
    %sign3A_9 = arith.extui %sign3A_8 : i1 to i32
    %sign3A_10 = arith.constant 0 : i32
    %sign3A_11 = arith.cmpi slt, %add3A_1, %sign3A_10 : i32
    %sign3A_12 = arith.extui %sign3A_11 : i1 to i32
    %sign3A_13 = arith.subi %sign3A_9, %sign3A_12 : i32
    %sign3A_14 = arith.constant 0 : i32
    %sign3A_15 = arith.cmpi sgt, %jit3A, %sign3A_14 : i32
    %sign3A_16 = arith.extui %sign3A_15 : i1 to i32
    %sign3A_17 = arith.constant 0 : i32
    %sign3A_18 = arith.cmpi slt, %jit3A, %sign3A_17 : i32
    %sign3A_19 = arith.extui %sign3A_18 : i1 to i32
    %sign3A_20 = arith.subi %sign3A_16, %sign3A_19 : i32
    %ne3A = arith.cmpi ne, %sign3A_13, %sign3A_20 : i32
    %rem3A = arith.remsi %add3A_1, %jit3A : i32
    %ne3A_21 = arith.constant 0 : i32
    %ne3A_22 = arith.cmpi ne, %rem3A, %ne3A_21 : i32
    %and3A = arith.andi %ne3A, %ne3A_22 : i1
    %sub3A = arith.constant 1 : i32
    %sub3A_23 = arith.subi %div3A, %sub3A : i32
    %select_n3A = arith.select %and3A, %sub3A_23, %div3A : i32
    %while3A = arith.constant 0 : i32
    %while3A_24 = arith.constant 0 : i32
    %while3A_25 = arith.subi %select_n3A, %while3A_24 : i32
    %while3A_26 = arith.addi %while3A_24, %while3A_25 : i32
    %while3A_27 = arith.constant 1 : i32
    %while3A_28 = arith.divsi %while3A_25, %while3A_27 : i32
    %while3A_29 = arith.muli %while3A_28, %while3A_27 : i32
    %while3A_30 = arith.addi %while3A_24, %while3A_29 : i32
    %while3A_31 = arith.constant 1 : i32
    scf.for %while3A_38 = %while3A_24 to %while3A_30 step %while3A_31  : i32 {
      %mul3A_39 = arith.constant 40 : i32
      %mul3A_40 = arith.muli %while3A_38, %mul3A_39 : i32
      %add3A_41 = arith.addi %add3A_5, %mul3A_40 : i32
      "tpu.region"() ({
        %run_scoped3A = tpu.sem_alloc : memref<!tpu.dma_semaphore, #tpu.memory_space<semaphore_mem>>
        %dma_start3A_61 = arith.constant 0 : i32
        %dma_start3A_62 = tpu.memref_slice %arg3[%add3A_41, %dma_start3A_61] : memref<2560x128xi32, #tpu.memory_space<hbm>> -> memref<40x128xi32, #tpu.memory_space<hbm>>
        %dma_start3A_63 = arith.constant 0 : i32
        %dma_start3A_64 = tpu.memref_slice %arg3[%add3A_41, %dma_start3A_63] : memref<2560x128xi32, #tpu.memory_space<hbm>> -> memref<40x128xi32, #tpu.memory_space<hbm>>
        tpu.enqueue_dma source(%dma_start3A_64 : memref<40x128xi32, #tpu.memory_space<hbm>>) target(%arg7 : memref<40x128xi32, #tpu.memory_space<vmem>>) target_semaphore(%run_scoped3A : memref<!tpu.dma_semaphore, #tpu.memory_space<semaphore_mem>>)
        %dma_wait3A = arith.constant 0 : i32
        %dma_wait3A_65 = tpu.memref_slice %arg3[%add3A_41, %dma_wait3A] : memref<2560x128xi32, #tpu.memory_space<hbm>> -> memref<40x128xi32, #tpu.memory_space<hbm>>
        %dma_wait3A_66 = arith.constant 0 : i32
        %dma_wait3A_67 = tpu.memref_slice %arg3[%add3A_41, %dma_wait3A_66] : memref<2560x128xi32, #tpu.memory_space<hbm>> -> memref<40x128xi32, #tpu.memory_space<hbm>>
        tpu.wait_dma2 semaphore(%run_scoped3A : memref<!tpu.dma_semaphore, #tpu.memory_space<semaphore_mem>>) src(%dma_wait3A_67 : memref<40x128xi32, #tpu.memory_space<hbm>>) dst(%arg7 : memref<40x128xi32, #tpu.memory_space<vmem>>)
        tpu.yield
      }) : () -> ()
      %mul3A_42 = arith.constant 40 : i32
      %mul3A_43 = arith.muli %while3A_38, %mul3A_42 : i32
      %add3A_44 = arith.addi %add3A_5, %mul3A_43 : i32
      "tpu.region"() ({
        %run_scoped3A = tpu.sem_alloc : memref<!tpu.dma_semaphore, #tpu.memory_space<semaphore_mem>>
        %dma_start3A_61 = arith.constant 0 : i32
        %dma_start3A_62 = tpu.memref_slice %arg4[%add3A_44, %dma_start3A_61] : memref<2560x128xi32, #tpu.memory_space<hbm>> -> memref<40x128xi32, #tpu.memory_space<hbm>>
        %dma_start3A_63 = arith.constant 0 : i32
        %dma_start3A_64 = tpu.memref_slice %arg4[%add3A_44, %dma_start3A_63] : memref<2560x128xi32, #tpu.memory_space<hbm>> -> memref<40x128xi32, #tpu.memory_space<hbm>>
        tpu.enqueue_dma source(%dma_start3A_64 : memref<40x128xi32, #tpu.memory_space<hbm>>) target(%arg8 : memref<40x128xi32, #tpu.memory_space<vmem>>) target_semaphore(%run_scoped3A : memref<!tpu.dma_semaphore, #tpu.memory_space<semaphore_mem>>)
        %dma_wait3A = arith.constant 0 : i32
        %dma_wait3A_65 = tpu.memref_slice %arg4[%add3A_44, %dma_wait3A] : memref<2560x128xi32, #tpu.memory_space<hbm>> -> memref<40x128xi32, #tpu.memory_space<hbm>>
        %dma_wait3A_66 = arith.constant 0 : i32
        %dma_wait3A_67 = tpu.memref_slice %arg4[%add3A_44, %dma_wait3A_66] : memref<2560x128xi32, #tpu.memory_space<hbm>> -> memref<40x128xi32, #tpu.memory_space<hbm>>
        tpu.wait_dma2 semaphore(%run_scoped3A : memref<!tpu.dma_semaphore, #tpu.memory_space<semaphore_mem>>) src(%dma_wait3A_67 : memref<40x128xi32, #tpu.memory_space<hbm>>) dst(%arg8 : memref<40x128xi32, #tpu.memory_space<vmem>>)
        tpu.yield
      }) : () -> ()
      %dma_start3A = arith.constant 0 : i32
      %dma_start3A_45 = arith.constant 0 : i32
      %dma_start3A_46 = arith.constant 0 : i32
      %dma_start3A_47 = arith.constant 0 : i32
      %dma_start3A_48 = tpu.memref_slice %arg9[%dma_start3A_45, %dma_start3A_46, %dma_start3A_47] : memref<2x128x128xf32, #tpu.memory_space<vmem>> -> memref<1x128x128xf32, #tpu.memory_space<vmem>>
      %dma_start3A_49 = tpu.memref_squeeze %dma_start3A_48 : memref<1x128x128xf32, #tpu.memory_space<vmem>> -> memref<128x128xf32, #tpu.memory_space<vmem>>
      %dma_start3A_50 = arith.constant 0 : i32
      %dma_start3A_51 = tpu.memref_slice %arg7[%dma_start3A, %dma_start3A_50] : memref<40x128xi32, #tpu.memory_space<vmem>> -> memref<1x128xi32, #tpu.memory_space<vmem>>
      %dma_start3A_52 = tpu.memref_squeeze %dma_start3A_51 : memref<1x128xi32, #tpu.memory_space<vmem>> -> memref<128xi32, #tpu.memory_space<vmem>>
      %dma_start3A_53 = arith.constant 0 : i32
      %dma_start3A_54 = arith.constant 0 : i32
      %dma_start3A_55 = tpu.memref_slice %arg2[%dma_start3A_53, %dma_start3A_54] : memref<10000x128xf32, #tpu.memory_space<hbm>> -> memref<10000x128xf32, #tpu.memory_space<hbm>>
      tpu.enqueue_indirect_dma source(%dma_start3A_55 : memref<10000x128xf32, #tpu.memory_space<hbm>>) target(%dma_start3A_49 : memref<128x128xf32, #tpu.memory_space<vmem>>) offsets(%dma_start3A_52 : memref<128xi32, #tpu.memory_space<vmem>>) semaphore(%arg11 : memref<!tpu.dma_semaphore, #tpu.memory_space<semaphore_mem>>)
      %scan3A = arith.constant 0 : i32
      %scan3A_56 = arith.constant 0 : i32
      %scan3A_57 = arith.constant 20 : i32
      %scan3A_58 = arith.addi %scan3A_56, %scan3A_57 : i32
      %scan3A_59 = arith.constant 1 : i32
      scf.for %scan3A_61 = %scan3A_56 to %scan3A_58 step %scan3A_59  : i32 {
        %mul3A_62 = arith.constant 2 : i32
        %mul3A_63 = arith.muli %mul3A_62, %scan3A_61 : i32
        %add3A_64 = arith.constant 1 : i32
        %add3A_65 = arith.addi %mul3A_63, %add3A_64 : i32
        %dma_start3A_66 = arith.constant 1 : i32
        %dma_start3A_67 = arith.constant 0 : i32
        %dma_start3A_68 = arith.constant 0 : i32
        %dma_start3A_69 = tpu.memref_slice %arg9[%dma_start3A_66, %dma_start3A_67, %dma_start3A_68] : memref<2x128x128xf32, #tpu.memory_space<vmem>> -> memref<1x128x128xf32, #tpu.memory_space<vmem>>
        %dma_start3A_70 = tpu.memref_squeeze %dma_start3A_69 : memref<1x128x128xf32, #tpu.memory_space<vmem>> -> memref<128x128xf32, #tpu.memory_space<vmem>>
        %dma_start3A_71 = arith.constant 0 : i32
        %dma_start3A_72 = tpu.memref_slice %arg7[%add3A_65, %dma_start3A_71] : memref<40x128xi32, #tpu.memory_space<vmem>> -> memref<1x128xi32, #tpu.memory_space<vmem>>
        %dma_start3A_73 = tpu.memref_squeeze %dma_start3A_72 : memref<1x128xi32, #tpu.memory_space<vmem>> -> memref<128xi32, #tpu.memory_space<vmem>>
        %dma_start3A_74 = arith.constant 0 : i32
        %dma_start3A_75 = arith.constant 0 : i32
        %dma_start3A_76 = tpu.memref_slice %arg2[%dma_start3A_74, %dma_start3A_75] : memref<10000x128xf32, #tpu.memory_space<hbm>> -> memref<10000x128xf32, #tpu.memory_space<hbm>>
        tpu.enqueue_indirect_dma source(%dma_start3A_76 : memref<10000x128xf32, #tpu.memory_space<hbm>>) target(%dma_start3A_70 : memref<128x128xf32, #tpu.memory_space<vmem>>) offsets(%dma_start3A_73 : memref<128xi32, #tpu.memory_space<vmem>>) semaphore(%arg12 : memref<!tpu.dma_semaphore, #tpu.memory_space<semaphore_mem>>)
        %dma_wait3A = arith.constant 0 : i32
        %dma_wait3A_77 = arith.constant 0 : i32
        %dma_wait3A_78 = arith.constant 0 : i32
        %dma_wait3A_79 = arith.constant 0 : i32
        %dma_wait3A_80 = tpu.memref_slice %arg9[%dma_wait3A_77, %dma_wait3A_78, %dma_wait3A_79] : memref<2x128x128xf32, #tpu.memory_space<vmem>> -> memref<1x128x128xf32, #tpu.memory_space<vmem>>
        %dma_wait3A_81 = tpu.memref_squeeze %dma_wait3A_80 : memref<1x128x128xf32, #tpu.memory_space<vmem>> -> memref<128x128xf32, #tpu.memory_space<vmem>>
        %dma_wait3A_82 = arith.constant 0 : i32
        %dma_wait3A_83 = tpu.memref_slice %arg7[%dma_wait3A, %dma_wait3A_82] : memref<40x128xi32, #tpu.memory_space<vmem>> -> memref<1x128xi32, #tpu.memory_space<vmem>>
        %dma_wait3A_84 = tpu.memref_squeeze %dma_wait3A_83 : memref<1x128xi32, #tpu.memory_space<vmem>> -> memref<128xi32, #tpu.memory_space<vmem>>
        %dma_wait3A_85 = arith.constant 0 : i32
        %dma_wait3A_86 = arith.constant 0 : i32
        %dma_wait3A_87 = tpu.memref_slice %arg2[%dma_wait3A_85, %dma_wait3A_86] : memref<10000x128xf32, #tpu.memory_space<hbm>> -> memref<10000x128xf32, #tpu.memory_space<hbm>>
        tpu.wait_indirect_dma semaphore(%arg11 : memref<!tpu.dma_semaphore, #tpu.memory_space<semaphore_mem>>) src(%dma_wait3A_87 : memref<10000x128xf32, #tpu.memory_space<hbm>>) dst(%dma_wait3A_81 : memref<128x128xf32, #tpu.memory_space<vmem>>)
        %run_scoped3A = arith.constant 0 : i32
        "tpu.region"() ({
          %run_scoped3A_107 = tpu.sem_alloc : memref<!tpu.dma_semaphore, #tpu.memory_space<semaphore_mem>>
          %dma_start3A_108 = arith.constant 0 : i32
          %dma_start3A_109 = arith.constant 0 : i32
          %dma_start3A_110 = tpu.memref_slice %arg9[%run_scoped3A, %dma_start3A_108, %dma_start3A_109] : memref<2x128x128xf32, #tpu.memory_space<vmem>> -> memref<1x128x128xf32, #tpu.memory_space<vmem>>
          %dma_start3A_111 = tpu.memref_squeeze %dma_start3A_110 : memref<1x128x128xf32, #tpu.memory_space<vmem>> -> memref<128x128xf32, #tpu.memory_space<vmem>>
          %dma_start3A_112 = arith.constant 0 : i32
          %dma_start3A_113 = tpu.memref_slice %arg8[%mul3A_63, %dma_start3A_112] : memref<40x128xi32, #tpu.memory_space<vmem>> -> memref<1x128xi32, #tpu.memory_space<vmem>>
          %dma_start3A_114 = tpu.memref_squeeze %dma_start3A_113 : memref<1x128xi32, #tpu.memory_space<vmem>> -> memref<128xi32, #tpu.memory_space<vmem>>
          %dma_start3A_115 = arith.constant 0 : i32
          %dma_start3A_116 = arith.constant 0 : i32
          %dma_start3A_117 = tpu.memref_slice %arg10[%dma_start3A_115, %dma_start3A_116] : memref<10112x128xf32, #tpu.memory_space<vmem_shared>> -> memref<10112x128xf32, #tpu.memory_space<vmem_shared>>
          tpu.enqueue_indirect_dma source(%dma_start3A_111 : memref<128x128xf32, #tpu.memory_space<vmem>>) target(%dma_start3A_117 : memref<10112x128xf32, #tpu.memory_space<vmem_shared>>) offsets(%dma_start3A_114 : memref<128xi32, #tpu.memory_space<vmem>>) semaphore(%run_scoped3A_107 : memref<!tpu.dma_semaphore, #tpu.memory_space<semaphore_mem>>) {add = true}
          %dma_wait3A_118 = arith.constant 0 : i32
          %dma_wait3A_119 = arith.constant 0 : i32
          %dma_wait3A_120 = tpu.memref_slice %arg9[%run_scoped3A, %dma_wait3A_118, %dma_wait3A_119] : memref<2x128x128xf32, #tpu.memory_space<vmem>> -> memref<1x128x128xf32, #tpu.memory_space<vmem>>
          %dma_wait3A_121 = tpu.memref_squeeze %dma_wait3A_120 : memref<1x128x128xf32, #tpu.memory_space<vmem>> -> memref<128x128xf32, #tpu.memory_space<vmem>>
          %dma_wait3A_122 = arith.constant 0 : i32
          %dma_wait3A_123 = tpu.memref_slice %arg8[%mul3A_63, %dma_wait3A_122] : memref<40x128xi32, #tpu.memory_space<vmem>> -> memref<1x128xi32, #tpu.memory_space<vmem>>
          %dma_wait3A_124 = tpu.memref_squeeze %dma_wait3A_123 : memref<1x128xi32, #tpu.memory_space<vmem>> -> memref<128xi32, #tpu.memory_space<vmem>>
          %dma_wait3A_125 = arith.constant 0 : i32
          %dma_wait3A_126 = arith.constant 0 : i32
          %dma_wait3A_127 = tpu.memref_slice %arg10[%dma_wait3A_125, %dma_wait3A_126] : memref<10112x128xf32, #tpu.memory_space<vmem_shared>> -> memref<10112x128xf32, #tpu.memory_space<vmem_shared>>
          tpu.wait_indirect_dma semaphore(%run_scoped3A_107 : memref<!tpu.dma_semaphore, #tpu.memory_space<semaphore_mem>>) src(%dma_wait3A_121 : memref<128x128xf32, #tpu.memory_space<vmem>>) dst(%dma_wait3A_127 : memref<10112x128xf32, #tpu.memory_space<vmem_shared>>)
          tpu.yield
        }) : () -> ()
        %lt3A = arith.constant 19 : i32
        %lt3A_88 = arith.cmpi slt, %scan3A_61, %lt3A : i32
        %convert_element_type3A_89 = arith.extui %lt3A_88 : i1 to i32
        %cond3A_90 = arith.constant 0 : i32
        %cond3A_91 = arith.cmpi ne, %convert_element_type3A_89, %cond3A_90 : i32
        scf.if %cond3A_91 {
          %add3A_107 = arith.constant 2 : i32
          %add3A_108 = arith.addi %mul3A_63, %add3A_107 : i32
          %dma_start3A_109 = arith.constant 0 : i32
          %dma_start3A_110 = arith.constant 0 : i32
          %dma_start3A_111 = arith.constant 0 : i32
          %dma_start3A_112 = tpu.memref_slice %arg9[%dma_start3A_109, %dma_start3A_110, %dma_start3A_111] : memref<2x128x128xf32, #tpu.memory_space<vmem>> -> memref<1x128x128xf32, #tpu.memory_space<vmem>>
          %dma_start3A_113 = tpu.memref_squeeze %dma_start3A_112 : memref<1x128x128xf32, #tpu.memory_space<vmem>> -> memref<128x128xf32, #tpu.memory_space<vmem>>
          %dma_start3A_114 = arith.constant 0 : i32
          %dma_start3A_115 = tpu.memref_slice %arg7[%add3A_108, %dma_start3A_114] : memref<40x128xi32, #tpu.memory_space<vmem>> -> memref<1x128xi32, #tpu.memory_space<vmem>>
          %dma_start3A_116 = tpu.memref_squeeze %dma_start3A_115 : memref<1x128xi32, #tpu.memory_space<vmem>> -> memref<128xi32, #tpu.memory_space<vmem>>
          %dma_start3A_117 = arith.constant 0 : i32
          %dma_start3A_118 = arith.constant 0 : i32
          %dma_start3A_119 = tpu.memref_slice %arg2[%dma_start3A_117, %dma_start3A_118] : memref<10000x128xf32, #tpu.memory_space<hbm>> -> memref<10000x128xf32, #tpu.memory_space<hbm>>
          tpu.enqueue_indirect_dma source(%dma_start3A_119 : memref<10000x128xf32, #tpu.memory_space<hbm>>) target(%dma_start3A_113 : memref<128x128xf32, #tpu.memory_space<vmem>>) offsets(%dma_start3A_116 : memref<128xi32, #tpu.memory_space<vmem>>) semaphore(%arg11 : memref<!tpu.dma_semaphore, #tpu.memory_space<semaphore_mem>>)
        } else {
        }
        %dma_wait3A_92 = arith.constant 0 : i32
        %dma_wait3A_93 = arith.constant 1 : i32
        %dma_wait3A_94 = arith.constant 0 : i32
        %dma_wait3A_95 = arith.constant 0 : i32
        %dma_wait3A_96 = tpu.memref_slice %arg9[%dma_wait3A_93, %dma_wait3A_94, %dma_wait3A_95] : memref<2x128x128xf32, #tpu.memory_space<vmem>> -> memref<1x128x128xf32, #tpu.memory_space<vmem>>
        %dma_wait3A_97 = tpu.memref_squeeze %dma_wait3A_96 : memref<1x128x128xf32, #tpu.memory_space<vmem>> -> memref<128x128xf32, #tpu.memory_space<vmem>>
        %dma_wait3A_98 = arith.constant 0 : i32
        %dma_wait3A_99 = tpu.memref_slice %arg7[%dma_wait3A_92, %dma_wait3A_98] : memref<40x128xi32, #tpu.memory_space<vmem>> -> memref<1x128xi32, #tpu.memory_space<vmem>>
        %dma_wait3A_100 = tpu.memref_squeeze %dma_wait3A_99 : memref<1x128xi32, #tpu.memory_space<vmem>> -> memref<128xi32, #tpu.memory_space<vmem>>
        %dma_wait3A_101 = arith.constant 0 : i32
        %dma_wait3A_102 = arith.constant 0 : i32
        %dma_wait3A_103 = tpu.memref_slice %arg2[%dma_wait3A_101, %dma_wait3A_102] : memref<10000x128xf32, #tpu.memory_space<hbm>> -> memref<10000x128xf32, #tpu.memory_space<hbm>>
        tpu.wait_indirect_dma semaphore(%arg12 : memref<!tpu.dma_semaphore, #tpu.memory_space<semaphore_mem>>) src(%dma_wait3A_103 : memref<10000x128xf32, #tpu.memory_space<hbm>>) dst(%dma_wait3A_97 : memref<128x128xf32, #tpu.memory_space<vmem>>)
        %add3A_104 = arith.constant 1 : i32
        %add3A_105 = arith.addi %mul3A_63, %add3A_104 : i32
        %run_scoped3A_106 = arith.constant 1 : i32
        "tpu.region"() ({
          %run_scoped3A_107 = tpu.sem_alloc : memref<!tpu.dma_semaphore, #tpu.memory_space<semaphore_mem>>
          %dma_start3A_108 = arith.constant 0 : i32
          %dma_start3A_109 = arith.constant 0 : i32
          %dma_start3A_110 = tpu.memref_slice %arg9[%run_scoped3A_106, %dma_start3A_108, %dma_start3A_109] : memref<2x128x128xf32, #tpu.memory_space<vmem>> -> memref<1x128x128xf32, #tpu.memory_space<vmem>>
          %dma_start3A_111 = tpu.memref_squeeze %dma_start3A_110 : memref<1x128x128xf32, #tpu.memory_space<vmem>> -> memref<128x128xf32, #tpu.memory_space<vmem>>
          %dma_start3A_112 = arith.constant 0 : i32
          %dma_start3A_113 = tpu.memref_slice %arg8[%add3A_105, %dma_start3A_112] : memref<40x128xi32, #tpu.memory_space<vmem>> -> memref<1x128xi32, #tpu.memory_space<vmem>>
          %dma_start3A_114 = tpu.memref_squeeze %dma_start3A_113 : memref<1x128xi32, #tpu.memory_space<vmem>> -> memref<128xi32, #tpu.memory_space<vmem>>
          %dma_start3A_115 = arith.constant 0 : i32
          %dma_start3A_116 = arith.constant 0 : i32
          %dma_start3A_117 = tpu.memref_slice %arg10[%dma_start3A_115, %dma_start3A_116] : memref<10112x128xf32, #tpu.memory_space<vmem_shared>> -> memref<10112x128xf32, #tpu.memory_space<vmem_shared>>
          tpu.enqueue_indirect_dma source(%dma_start3A_111 : memref<128x128xf32, #tpu.memory_space<vmem>>) target(%dma_start3A_117 : memref<10112x128xf32, #tpu.memory_space<vmem_shared>>) offsets(%dma_start3A_114 : memref<128xi32, #tpu.memory_space<vmem>>) semaphore(%run_scoped3A_107 : memref<!tpu.dma_semaphore, #tpu.memory_space<semaphore_mem>>) {add = true}
          %dma_wait3A_118 = arith.constant 0 : i32
          %dma_wait3A_119 = arith.constant 0 : i32
          %dma_wait3A_120 = tpu.memref_slice %arg9[%run_scoped3A_106, %dma_wait3A_118, %dma_wait3A_119] : memref<2x128x128xf32, #tpu.memory_space<vmem>> -> memref<1x128x128xf32, #tpu.memory_space<vmem>>
          %dma_wait3A_121 = tpu.memref_squeeze %dma_wait3A_120 : memref<1x128x128xf32, #tpu.memory_space<vmem>> -> memref<128x128xf32, #tpu.memory_space<vmem>>
          %dma_wait3A_122 = arith.constant 0 : i32
          %dma_wait3A_123 = tpu.memref_slice %arg8[%add3A_105, %dma_wait3A_122] : memref<40x128xi32, #tpu.memory_space<vmem>> -> memref<1x128xi32, #tpu.memory_space<vmem>>
          %dma_wait3A_124 = tpu.memref_squeeze %dma_wait3A_123 : memref<1x128xi32, #tpu.memory_space<vmem>> -> memref<128xi32, #tpu.memory_space<vmem>>
          %dma_wait3A_125 = arith.constant 0 : i32
          %dma_wait3A_126 = arith.constant 0 : i32
          %dma_wait3A_127 = tpu.memref_slice %arg10[%dma_wait3A_125, %dma_wait3A_126] : memref<10112x128xf32, #tpu.memory_space<vmem_shared>> -> memref<10112x128xf32, #tpu.memory_space<vmem_shared>>
          tpu.wait_indirect_dma semaphore(%run_scoped3A_107 : memref<!tpu.dma_semaphore, #tpu.memory_space<semaphore_mem>>) src(%dma_wait3A_121 : memref<128x128xf32, #tpu.memory_space<vmem>>) dst(%dma_wait3A_127 : memref<10112x128xf32, #tpu.memory_space<vmem_shared>>)
          tpu.yield
        }) : () -> ()
      }
      %scan3A_60 = arith.constant 20 : i32
    }
    %while3A_32 = arith.constant 1 : i32
    scf.for %while3A_38 = %while3A_30 to %while3A_26 step %while3A_32  : i32 {
      %mul3A_39 = arith.constant 40 : i32
      %mul3A_40 = arith.muli %while3A_38, %mul3A_39 : i32
      %add3A_41 = arith.addi %add3A_5, %mul3A_40 : i32
      "tpu.region"() ({
        %run_scoped3A = tpu.sem_alloc : memref<!tpu.dma_semaphore, #tpu.memory_space<semaphore_mem>>
        %dma_start3A_61 = arith.constant 0 : i32
        %dma_start3A_62 = tpu.memref_slice %arg3[%add3A_41, %dma_start3A_61] : memref<2560x128xi32, #tpu.memory_space<hbm>> -> memref<40x128xi32, #tpu.memory_space<hbm>>
        %dma_start3A_63 = arith.constant 0 : i32
        %dma_start3A_64 = tpu.memref_slice %arg3[%add3A_41, %dma_start3A_63] : memref<2560x128xi32, #tpu.memory_space<hbm>> -> memref<40x128xi32, #tpu.memory_space<hbm>>
        tpu.enqueue_dma source(%dma_start3A_64 : memref<40x128xi32, #tpu.memory_space<hbm>>) target(%arg7 : memref<40x128xi32, #tpu.memory_space<vmem>>) target_semaphore(%run_scoped3A : memref<!tpu.dma_semaphore, #tpu.memory_space<semaphore_mem>>)
        %dma_wait3A = arith.constant 0 : i32
        %dma_wait3A_65 = tpu.memref_slice %arg3[%add3A_41, %dma_wait3A] : memref<2560x128xi32, #tpu.memory_space<hbm>> -> memref<40x128xi32, #tpu.memory_space<hbm>>
        %dma_wait3A_66 = arith.constant 0 : i32
        %dma_wait3A_67 = tpu.memref_slice %arg3[%add3A_41, %dma_wait3A_66] : memref<2560x128xi32, #tpu.memory_space<hbm>> -> memref<40x128xi32, #tpu.memory_space<hbm>>
        tpu.wait_dma2 semaphore(%run_scoped3A : memref<!tpu.dma_semaphore, #tpu.memory_space<semaphore_mem>>) src(%dma_wait3A_67 : memref<40x128xi32, #tpu.memory_space<hbm>>) dst(%arg7 : memref<40x128xi32, #tpu.memory_space<vmem>>)
        tpu.yield
      }) : () -> ()
      %mul3A_42 = arith.constant 40 : i32
      %mul3A_43 = arith.muli %while3A_38, %mul3A_42 : i32
      %add3A_44 = arith.addi %add3A_5, %mul3A_43 : i32
      "tpu.region"() ({
        %run_scoped3A = tpu.sem_alloc : memref<!tpu.dma_semaphore, #tpu.memory_space<semaphore_mem>>
        %dma_start3A_61 = arith.constant 0 : i32
        %dma_start3A_62 = tpu.memref_slice %arg4[%add3A_44, %dma_start3A_61] : memref<2560x128xi32, #tpu.memory_space<hbm>> -> memref<40x128xi32, #tpu.memory_space<hbm>>
        %dma_start3A_63 = arith.constant 0 : i32
        %dma_start3A_64 = tpu.memref_slice %arg4[%add3A_44, %dma_start3A_63] : memref<2560x128xi32, #tpu.memory_space<hbm>> -> memref<40x128xi32, #tpu.memory_space<hbm>>
        tpu.enqueue_dma source(%dma_start3A_64 : memref<40x128xi32, #tpu.memory_space<hbm>>) target(%arg8 : memref<40x128xi32, #tpu.memory_space<vmem>>) target_semaphore(%run_scoped3A : memref<!tpu.dma_semaphore, #tpu.memory_space<semaphore_mem>>)
        %dma_wait3A = arith.constant 0 : i32
        %dma_wait3A_65 = tpu.memref_slice %arg4[%add3A_44, %dma_wait3A] : memref<2560x128xi32, #tpu.memory_space<hbm>> -> memref<40x128xi32, #tpu.memory_space<hbm>>
        %dma_wait3A_66 = arith.constant 0 : i32
        %dma_wait3A_67 = tpu.memref_slice %arg4[%add3A_44, %dma_wait3A_66] : memref<2560x128xi32, #tpu.memory_space<hbm>> -> memref<40x128xi32, #tpu.memory_space<hbm>>
        tpu.wait_dma2 semaphore(%run_scoped3A : memref<!tpu.dma_semaphore, #tpu.memory_space<semaphore_mem>>) src(%dma_wait3A_67 : memref<40x128xi32, #tpu.memory_space<hbm>>) dst(%arg8 : memref<40x128xi32, #tpu.memory_space<vmem>>)
        tpu.yield
      }) : () -> ()
      %dma_start3A = arith.constant 0 : i32
      %dma_start3A_45 = arith.constant 0 : i32
      %dma_start3A_46 = arith.constant 0 : i32
      %dma_start3A_47 = arith.constant 0 : i32
      %dma_start3A_48 = tpu.memref_slice %arg9[%dma_start3A_45, %dma_start3A_46, %dma_start3A_47] : memref<2x128x128xf32, #tpu.memory_space<vmem>> -> memref<1x128x128xf32, #tpu.memory_space<vmem>>
      %dma_start3A_49 = tpu.memref_squeeze %dma_start3A_48 : memref<1x128x128xf32, #tpu.memory_space<vmem>> -> memref<128x128xf32, #tpu.memory_space<vmem>>
      %dma_start3A_50 = arith.constant 0 : i32
      %dma_start3A_51 = tpu.memref_slice %arg7[%dma_start3A, %dma_start3A_50] : memref<40x128xi32, #tpu.memory_space<vmem>> -> memref<1x128xi32, #tpu.memory_space<vmem>>
      %dma_start3A_52 = tpu.memref_squeeze %dma_start3A_51 : memref<1x128xi32, #tpu.memory_space<vmem>> -> memref<128xi32, #tpu.memory_space<vmem>>
      %dma_start3A_53 = arith.constant 0 : i32
      %dma_start3A_54 = arith.constant 0 : i32
      %dma_start3A_55 = tpu.memref_slice %arg2[%dma_start3A_53, %dma_start3A_54] : memref<10000x128xf32, #tpu.memory_space<hbm>> -> memref<10000x128xf32, #tpu.memory_space<hbm>>
      tpu.enqueue_indirect_dma source(%dma_start3A_55 : memref<10000x128xf32, #tpu.memory_space<hbm>>) target(%dma_start3A_49 : memref<128x128xf32, #tpu.memory_space<vmem>>) offsets(%dma_start3A_52 : memref<128xi32, #tpu.memory_space<vmem>>) semaphore(%arg11 : memref<!tpu.dma_semaphore, #tpu.memory_space<semaphore_mem>>)
      %scan3A = arith.constant 0 : i32
      %scan3A_56 = arith.constant 0 : i32
      %scan3A_57 = arith.constant 20 : i32
      %scan3A_58 = arith.addi %scan3A_56, %scan3A_57 : i32
      %scan3A_59 = arith.constant 1 : i32
      scf.for %scan3A_61 = %scan3A_56 to %scan3A_58 step %scan3A_59  : i32 {
        %mul3A_62 = arith.constant 2 : i32
        %mul3A_63 = arith.muli %mul3A_62, %scan3A_61 : i32
        %add3A_64 = arith.constant 1 : i32
        %add3A_65 = arith.addi %mul3A_63, %add3A_64 : i32
        %dma_start3A_66 = arith.constant 1 : i32
        %dma_start3A_67 = arith.constant 0 : i32
        %dma_start3A_68 = arith.constant 0 : i32
        %dma_start3A_69 = tpu.memref_slice %arg9[%dma_start3A_66, %dma_start3A_67, %dma_start3A_68] : memref<2x128x128xf32, #tpu.memory_space<vmem>> -> memref<1x128x128xf32, #tpu.memory_space<vmem>>
        %dma_start3A_70 = tpu.memref_squeeze %dma_start3A_69 : memref<1x128x128xf32, #tpu.memory_space<vmem>> -> memref<128x128xf32, #tpu.memory_space<vmem>>
        %dma_start3A_71 = arith.constant 0 : i32
        %dma_start3A_72 = tpu.memref_slice %arg7[%add3A_65, %dma_start3A_71] : memref<40x128xi32, #tpu.memory_space<vmem>> -> memref<1x128xi32, #tpu.memory_space<vmem>>
        %dma_start3A_73 = tpu.memref_squeeze %dma_start3A_72 : memref<1x128xi32, #tpu.memory_space<vmem>> -> memref<128xi32, #tpu.memory_space<vmem>>
        %dma_start3A_74 = arith.constant 0 : i32
        %dma_start3A_75 = arith.constant 0 : i32
        %dma_start3A_76 = tpu.memref_slice %arg2[%dma_start3A_74, %dma_start3A_75] : memref<10000x128xf32, #tpu.memory_space<hbm>> -> memref<10000x128xf32, #tpu.memory_space<hbm>>
        tpu.enqueue_indirect_dma source(%dma_start3A_76 : memref<10000x128xf32, #tpu.memory_space<hbm>>) target(%dma_start3A_70 : memref<128x128xf32, #tpu.memory_space<vmem>>) offsets(%dma_start3A_73 : memref<128xi32, #tpu.memory_space<vmem>>) semaphore(%arg12 : memref<!tpu.dma_semaphore, #tpu.memory_space<semaphore_mem>>)
        %dma_wait3A = arith.constant 0 : i32
        %dma_wait3A_77 = arith.constant 0 : i32
        %dma_wait3A_78 = arith.constant 0 : i32
        %dma_wait3A_79 = arith.constant 0 : i32
        %dma_wait3A_80 = tpu.memref_slice %arg9[%dma_wait3A_77, %dma_wait3A_78, %dma_wait3A_79] : memref<2x128x128xf32, #tpu.memory_space<vmem>> -> memref<1x128x128xf32, #tpu.memory_space<vmem>>
        %dma_wait3A_81 = tpu.memref_squeeze %dma_wait3A_80 : memref<1x128x128xf32, #tpu.memory_space<vmem>> -> memref<128x128xf32, #tpu.memory_space<vmem>>
        %dma_wait3A_82 = arith.constant 0 : i32
        %dma_wait3A_83 = tpu.memref_slice %arg7[%dma_wait3A, %dma_wait3A_82] : memref<40x128xi32, #tpu.memory_space<vmem>> -> memref<1x128xi32, #tpu.memory_space<vmem>>
        %dma_wait3A_84 = tpu.memref_squeeze %dma_wait3A_83 : memref<1x128xi32, #tpu.memory_space<vmem>> -> memref<128xi32, #tpu.memory_space<vmem>>
        %dma_wait3A_85 = arith.constant 0 : i32
        %dma_wait3A_86 = arith.constant 0 : i32
        %dma_wait3A_87 = tpu.memref_slice %arg2[%dma_wait3A_85, %dma_wait3A_86] : memref<10000x128xf32, #tpu.memory_space<hbm>> -> memref<10000x128xf32, #tpu.memory_space<hbm>>
        tpu.wait_indirect_dma semaphore(%arg11 : memref<!tpu.dma_semaphore, #tpu.memory_space<semaphore_mem>>) src(%dma_wait3A_87 : memref<10000x128xf32, #tpu.memory_space<hbm>>) dst(%dma_wait3A_81 : memref<128x128xf32, #tpu.memory_space<vmem>>)
        %run_scoped3A = arith.constant 0 : i32
        "tpu.region"() ({
          %run_scoped3A_107 = tpu.sem_alloc : memref<!tpu.dma_semaphore, #tpu.memory_space<semaphore_mem>>
          %dma_start3A_108 = arith.constant 0 : i32
          %dma_start3A_109 = arith.constant 0 : i32
          %dma_start3A_110 = tpu.memref_slice %arg9[%run_scoped3A, %dma_start3A_108, %dma_start3A_109] : memref<2x128x128xf32, #tpu.memory_space<vmem>> -> memref<1x128x128xf32, #tpu.memory_space<vmem>>
          %dma_start3A_111 = tpu.memref_squeeze %dma_start3A_110 : memref<1x128x128xf32, #tpu.memory_space<vmem>> -> memref<128x128xf32, #tpu.memory_space<vmem>>
          %dma_start3A_112 = arith.constant 0 : i32
          %dma_start3A_113 = tpu.memref_slice %arg8[%mul3A_63, %dma_start3A_112] : memref<40x128xi32, #tpu.memory_space<vmem>> -> memref<1x128xi32, #tpu.memory_space<vmem>>
          %dma_start3A_114 = tpu.memref_squeeze %dma_start3A_113 : memref<1x128xi32, #tpu.memory_space<vmem>> -> memref<128xi32, #tpu.memory_space<vmem>>
          %dma_start3A_115 = arith.constant 0 : i32
          %dma_start3A_116 = arith.constant 0 : i32
          %dma_start3A_117 = tpu.memref_slice %arg10[%dma_start3A_115, %dma_start3A_116] : memref<10112x128xf32, #tpu.memory_space<vmem_shared>> -> memref<10112x128xf32, #tpu.memory_space<vmem_shared>>
          tpu.enqueue_indirect_dma source(%dma_start3A_111 : memref<128x128xf32, #tpu.memory_space<vmem>>) target(%dma_start3A_117 : memref<10112x128xf32, #tpu.memory_space<vmem_shared>>) offsets(%dma_start3A_114 : memref<128xi32, #tpu.memory_space<vmem>>) semaphore(%run_scoped3A_107 : memref<!tpu.dma_semaphore, #tpu.memory_space<semaphore_mem>>) {add = true}
          %dma_wait3A_118 = arith.constant 0 : i32
          %dma_wait3A_119 = arith.constant 0 : i32
          %dma_wait3A_120 = tpu.memref_slice %arg9[%run_scoped3A, %dma_wait3A_118, %dma_wait3A_119] : memref<2x128x128xf32, #tpu.memory_space<vmem>> -> memref<1x128x128xf32, #tpu.memory_space<vmem>>
          %dma_wait3A_121 = tpu.memref_squeeze %dma_wait3A_120 : memref<1x128x128xf32, #tpu.memory_space<vmem>> -> memref<128x128xf32, #tpu.memory_space<vmem>>
          %dma_wait3A_122 = arith.constant 0 : i32
          %dma_wait3A_123 = tpu.memref_slice %arg8[%mul3A_63, %dma_wait3A_122] : memref<40x128xi32, #tpu.memory_space<vmem>> -> memref<1x128xi32, #tpu.memory_space<vmem>>
          %dma_wait3A_124 = tpu.memref_squeeze %dma_wait3A_123 : memref<1x128xi32, #tpu.memory_space<vmem>> -> memref<128xi32, #tpu.memory_space<vmem>>
          %dma_wait3A_125 = arith.constant 0 : i32
          %dma_wait3A_126 = arith.constant 0 : i32
          %dma_wait3A_127 = tpu.memref_slice %arg10[%dma_wait3A_125, %dma_wait3A_126] : memref<10112x128xf32, #tpu.memory_space<vmem_shared>> -> memref<10112x128xf32, #tpu.memory_space<vmem_shared>>
          tpu.wait_indirect_dma semaphore(%run_scoped3A_107 : memref<!tpu.dma_semaphore, #tpu.memory_space<semaphore_mem>>) src(%dma_wait3A_121 : memref<128x128xf32, #tpu.memory_space<vmem>>) dst(%dma_wait3A_127 : memref<10112x128xf32, #tpu.memory_space<vmem_shared>>)
          tpu.yield
        }) : () -> ()
        %lt3A = arith.constant 19 : i32
        %lt3A_88 = arith.cmpi slt, %scan3A_61, %lt3A : i32
        %convert_element_type3A_89 = arith.extui %lt3A_88 : i1 to i32
        %cond3A_90 = arith.constant 0 : i32
        %cond3A_91 = arith.cmpi ne, %convert_element_type3A_89, %cond3A_90 : i32
        scf.if %cond3A_91 {
          %add3A_107 = arith.constant 2 : i32
          %add3A_108 = arith.addi %mul3A_63, %add3A_107 : i32
          %dma_start3A_109 = arith.constant 0 : i32
          %dma_start3A_110 = arith.constant 0 : i32
          %dma_start3A_111 = arith.constant 0 : i32
          %dma_start3A_112 = tpu.memref_slice %arg9[%dma_start3A_109, %dma_start3A_110, %dma_start3A_111] : memref<2x128x128xf32, #tpu.memory_space<vmem>> -> memref<1x128x128xf32, #tpu.memory_space<vmem>>
          %dma_start3A_113 = tpu.memref_squeeze %dma_start3A_112 : memref<1x128x128xf32, #tpu.memory_space<vmem>> -> memref<128x128xf32, #tpu.memory_space<vmem>>
          %dma_start3A_114 = arith.constant 0 : i32
          %dma_start3A_115 = tpu.memref_slice %arg7[%add3A_108, %dma_start3A_114] : memref<40x128xi32, #tpu.memory_space<vmem>> -> memref<1x128xi32, #tpu.memory_space<vmem>>
          %dma_start3A_116 = tpu.memref_squeeze %dma_start3A_115 : memref<1x128xi32, #tpu.memory_space<vmem>> -> memref<128xi32, #tpu.memory_space<vmem>>
          %dma_start3A_117 = arith.constant 0 : i32
          %dma_start3A_118 = arith.constant 0 : i32
          %dma_start3A_119 = tpu.memref_slice %arg2[%dma_start3A_117, %dma_start3A_118] : memref<10000x128xf32, #tpu.memory_space<hbm>> -> memref<10000x128xf32, #tpu.memory_space<hbm>>
          tpu.enqueue_indirect_dma source(%dma_start3A_119 : memref<10000x128xf32, #tpu.memory_space<hbm>>) target(%dma_start3A_113 : memref<128x128xf32, #tpu.memory_space<vmem>>) offsets(%dma_start3A_116 : memref<128xi32, #tpu.memory_space<vmem>>) semaphore(%arg11 : memref<!tpu.dma_semaphore, #tpu.memory_space<semaphore_mem>>)
        } else {
        }
        %dma_wait3A_92 = arith.constant 0 : i32
        %dma_wait3A_93 = arith.constant 1 : i32
        %dma_wait3A_94 = arith.constant 0 : i32
        %dma_wait3A_95 = arith.constant 0 : i32
        %dma_wait3A_96 = tpu.memref_slice %arg9[%dma_wait3A_93, %dma_wait3A_94, %dma_wait3A_95] : memref<2x128x128xf32, #tpu.memory_space<vmem>> -> memref<1x128x128xf32, #tpu.memory_space<vmem>>
        %dma_wait3A_97 = tpu.memref_squeeze %dma_wait3A_96 : memref<1x128x128xf32, #tpu.memory_space<vmem>> -> memref<128x128xf32, #tpu.memory_space<vmem>>
        %dma_wait3A_98 = arith.constant 0 : i32
        %dma_wait3A_99 = tpu.memref_slice %arg7[%dma_wait3A_92, %dma_wait3A_98] : memref<40x128xi32, #tpu.memory_space<vmem>> -> memref<1x128xi32, #tpu.memory_space<vmem>>
        %dma_wait3A_100 = tpu.memref_squeeze %dma_wait3A_99 : memref<1x128xi32, #tpu.memory_space<vmem>> -> memref<128xi32, #tpu.memory_space<vmem>>
        %dma_wait3A_101 = arith.constant 0 : i32
        %dma_wait3A_102 = arith.constant 0 : i32
        %dma_wait3A_103 = tpu.memref_slice %arg2[%dma_wait3A_101, %dma_wait3A_102] : memref<10000x128xf32, #tpu.memory_space<hbm>> -> memref<10000x128xf32, #tpu.memory_space<hbm>>
        tpu.wait_indirect_dma semaphore(%arg12 : memref<!tpu.dma_semaphore, #tpu.memory_space<semaphore_mem>>) src(%dma_wait3A_103 : memref<10000x128xf32, #tpu.memory_space<hbm>>) dst(%dma_wait3A_97 : memref<128x128xf32, #tpu.memory_space<vmem>>)
        %add3A_104 = arith.constant 1 : i32
        %add3A_105 = arith.addi %mul3A_63, %add3A_104 : i32
        %run_scoped3A_106 = arith.constant 1 : i32
        "tpu.region"() ({
          %run_scoped3A_107 = tpu.sem_alloc : memref<!tpu.dma_semaphore, #tpu.memory_space<semaphore_mem>>
          %dma_start3A_108 = arith.constant 0 : i32
          %dma_start3A_109 = arith.constant 0 : i32
          %dma_start3A_110 = tpu.memref_slice %arg9[%run_scoped3A_106, %dma_start3A_108, %dma_start3A_109] : memref<2x128x128xf32, #tpu.memory_space<vmem>> -> memref<1x128x128xf32, #tpu.memory_space<vmem>>
          %dma_start3A_111 = tpu.memref_squeeze %dma_start3A_110 : memref<1x128x128xf32, #tpu.memory_space<vmem>> -> memref<128x128xf32, #tpu.memory_space<vmem>>
          %dma_start3A_112 = arith.constant 0 : i32
          %dma_start3A_113 = tpu.memref_slice %arg8[%add3A_105, %dma_start3A_112] : memref<40x128xi32, #tpu.memory_space<vmem>> -> memref<1x128xi32, #tpu.memory_space<vmem>>
          %dma_start3A_114 = tpu.memref_squeeze %dma_start3A_113 : memref<1x128xi32, #tpu.memory_space<vmem>> -> memref<128xi32, #tpu.memory_space<vmem>>
          %dma_start3A_115 = arith.constant 0 : i32
          %dma_start3A_116 = arith.constant 0 : i32
          %dma_start3A_117 = tpu.memref_slice %arg10[%dma_start3A_115, %dma_start3A_116] : memref<10112x128xf32, #tpu.memory_space<vmem_shared>> -> memref<10112x128xf32, #tpu.memory_space<vmem_shared>>
          tpu.enqueue_indirect_dma source(%dma_start3A_111 : memref<128x128xf32, #tpu.memory_space<vmem>>) target(%dma_start3A_117 : memref<10112x128xf32, #tpu.memory_space<vmem_shared>>) offsets(%dma_start3A_114 : memref<128xi32, #tpu.memory_space<vmem>>) semaphore(%run_scoped3A_107 : memref<!tpu.dma_semaphore, #tpu.memory_space<semaphore_mem>>) {add = true}
          %dma_wait3A_118 = arith.constant 0 : i32
          %dma_wait3A_119 = arith.constant 0 : i32
          %dma_wait3A_120 = tpu.memref_slice %arg9[%run_scoped3A_106, %dma_wait3A_118, %dma_wait3A_119] : memref<2x128x128xf32, #tpu.memory_space<vmem>> -> memref<1x128x128xf32, #tpu.memory_space<vmem>>
          %dma_wait3A_121 = tpu.memref_squeeze %dma_wait3A_120 : memref<1x128x128xf32, #tpu.memory_space<vmem>> -> memref<128x128xf32, #tpu.memory_space<vmem>>
          %dma_wait3A_122 = arith.constant 0 : i32
          %dma_wait3A_123 = tpu.memref_slice %arg8[%add3A_105, %dma_wait3A_122] : memref<40x128xi32, #tpu.memory_space<vmem>> -> memref<1x128xi32, #tpu.memory_space<vmem>>
          %dma_wait3A_124 = tpu.memref_squeeze %dma_wait3A_123 : memref<1x128xi32, #tpu.memory_space<vmem>> -> memref<128xi32, #tpu.memory_space<vmem>>
          %dma_wait3A_125 = arith.constant 0 : i32
          %dma_wait3A_126 = arith.constant 0 : i32
          %dma_wait3A_127 = tpu.memref_slice %arg10[%dma_wait3A_125, %dma_wait3A_126] : memref<10112x128xf32, #tpu.memory_space<vmem_shared>> -> memref<10112x128xf32, #tpu.memory_space<vmem_shared>>
          tpu.wait_indirect_dma semaphore(%run_scoped3A_107 : memref<!tpu.dma_semaphore, #tpu.memory_space<semaphore_mem>>) src(%dma_wait3A_121 : memref<128x128xf32, #tpu.memory_space<vmem>>) dst(%dma_wait3A_127 : memref<10112x128xf32, #tpu.memory_space<vmem_shared>>)
          tpu.yield
        }) : () -> ()
      }
      %scan3A_60 = arith.constant 20 : i32
    }
    %barrier3A_33 = arith.constant 0 : index
    tpu.barrier barrier_id(%barrier3A_33)
    %mul3A_34 = arith.constant 624 : i32
    %mul3A_35 = arith.muli %arg1, %mul3A_34 : i32
    "tpu.region"() ({
      %run_scoped3A = tpu.sem_alloc : memref<!tpu.dma_semaphore, #tpu.memory_space<semaphore_mem>>
      %dma_start3A = arith.constant 0 : i32
      %dma_start3A_38 = tpu.memref_slice %arg6[%arg0, %mul3A_35, %dma_start3A] : memref<2x10000x128xf32, #tpu.memory_space<hbm>> -> memref<1x624x128xf32, #tpu.memory_space<hbm>>
      %dma_start3A_39 = tpu.memref_squeeze %dma_start3A_38 : memref<1x624x128xf32, #tpu.memory_space<hbm>> -> memref<624x128xf32, #tpu.memory_space<hbm>>
      %dma_start3A_40 = arith.constant 0 : i32
      %dma_start3A_41 = tpu.memref_slice %arg10[%mul3A_35, %dma_start3A_40] : memref<10112x128xf32, #tpu.memory_space<vmem_shared>> -> memref<624x128xf32, #tpu.memory_space<vmem_shared>>
      tpu.enqueue_dma source(%dma_start3A_41 : memref<624x128xf32, #tpu.memory_space<vmem_shared>>) target(%dma_start3A_39 : memref<624x128xf32, #tpu.memory_space<hbm>>) target_semaphore(%run_scoped3A : memref<!tpu.dma_semaphore, #tpu.memory_space<semaphore_mem>>)
      %dma_wait3A = arith.constant 0 : i32
      %dma_wait3A_42 = tpu.memref_slice %arg6[%arg0, %mul3A_35, %dma_wait3A] : memref<2x10000x128xf32, #tpu.memory_space<hbm>> -> memref<1x624x128xf32, #tpu.memory_space<hbm>>
      %dma_wait3A_43 = tpu.memref_squeeze %dma_wait3A_42 : memref<1x624x128xf32, #tpu.memory_space<hbm>> -> memref<624x128xf32, #tpu.memory_space<hbm>>
      %dma_wait3A_44 = arith.constant 0 : i32
      %dma_wait3A_45 = tpu.memref_slice %arg10[%mul3A_35, %dma_wait3A_44] : memref<10112x128xf32, #tpu.memory_space<vmem_shared>> -> memref<624x128xf32, #tpu.memory_space<vmem_shared>>
      tpu.wait_dma2 semaphore(%run_scoped3A : memref<!tpu.dma_semaphore, #tpu.memory_space<semaphore_mem>>) src(%dma_wait3A_45 : memref<624x128xf32, #tpu.memory_space<vmem_shared>>) dst(%dma_wait3A_43 : memref<624x128xf32, #tpu.memory_space<hbm>>)
      tpu.yield
    }) : () -> ()
    %eq3A = arith.constant 15 : i32
    %eq3A_36 = arith.cmpi eq, %arg1, %eq3A : i32
    %convert_element_type3A = arith.extui %eq3A_36 : i1 to i32
    %cond3A = arith.constant 0 : i32
    %cond3A_37 = arith.cmpi ne, %convert_element_type3A, %cond3A : i32
    scf.if %cond3A_37 {
      "tpu.region"() ({
        %run_scoped3A = tpu.sem_alloc : memref<!tpu.dma_semaphore, #tpu.memory_space<semaphore_mem>>
        %dma_start3A = arith.constant 9984 : i32
        %dma_start3A_38 = arith.constant 0 : i32
        %dma_start3A_39 = tpu.memref_slice %arg6[%arg0, %dma_start3A, %dma_start3A_38] : memref<2x10000x128xf32, #tpu.memory_space<hbm>> -> memref<1x16x128xf32, #tpu.memory_space<hbm>>
        %dma_start3A_40 = tpu.memref_squeeze %dma_start3A_39 : memref<1x16x128xf32, #tpu.memory_space<hbm>> -> memref<16x128xf32, #tpu.memory_space<hbm>>
        %dma_start3A_41 = arith.constant 9984 : i32
        %dma_start3A_42 = arith.constant 0 : i32
        %dma_start3A_43 = tpu.memref_slice %arg10[%dma_start3A_41, %dma_start3A_42] : memref<10112x128xf32, #tpu.memory_space<vmem_shared>> -> memref<16x128xf32, #tpu.memory_space<vmem_shared>>
        tpu.enqueue_dma source(%dma_start3A_43 : memref<16x128xf32, #tpu.memory_space<vmem_shared>>) target(%dma_start3A_40 : memref<16x128xf32, #tpu.memory_space<hbm>>) target_semaphore(%run_scoped3A : memref<!tpu.dma_semaphore, #tpu.memory_space<semaphore_mem>>)
        %dma_wait3A = arith.constant 9984 : i32
        %dma_wait3A_44 = arith.constant 0 : i32
        %dma_wait3A_45 = tpu.memref_slice %arg6[%arg0, %dma_wait3A, %dma_wait3A_44] : memref<2x10000x128xf32, #tpu.memory_space<hbm>> -> memref<1x16x128xf32, #tpu.memory_space<hbm>>
        %dma_wait3A_46 = tpu.memref_squeeze %dma_wait3A_45 : memref<1x16x128xf32, #tpu.memory_space<hbm>> -> memref<16x128xf32, #tpu.memory_space<hbm>>
        %dma_wait3A_47 = arith.constant 9984 : i32
        %dma_wait3A_48 = arith.constant 0 : i32
        %dma_wait3A_49 = tpu.memref_slice %arg10[%dma_wait3A_47, %dma_wait3A_48] : memref<10112x128xf32, #tpu.memory_space<vmem_shared>> -> memref<16x128xf32, #tpu.memory_space<vmem_shared>>
        tpu.wait_dma2 semaphore(%run_scoped3A : memref<!tpu.dma_semaphore, #tpu.memory_space<semaphore_mem>>) src(%dma_wait3A_49 : memref<16x128xf32, #tpu.memory_space<vmem_shared>>) dst(%dma_wait3A_46 : memref<16x128xf32, #tpu.memory_space<hbm>>)
        tpu.yield
      }) : () -> ()
    } else {
    }
    return
  }
}

module attributes {stable_mosaic.version = 14 : i64} {
  func.func @_pre0_body(%arg0: memref<10000x128xf32, #tpu.memory_space<vmem>>, %arg1: memref<128x64xf32, #tpu.memory_space<vmem>>, %arg2: memref<128x64xf32, #tpu.memory_space<vmem>>, %arg3: memref<1x64xf32, #tpu.memory_space<vmem>>, %arg4: memref<10000x64xf32, #tpu.memory_space<vmem>>, %arg5: memref<10000x128xf32, #tpu.memory_space<vmem>>, %arg6: memref<10000x64xf32, #tpu.memory_space<vmem>>) attributes {dimension_semantics = [], scalar_prefetch = 0 : i64, scratch_operands = 0 : i64, tpu.core_type = #tpu.core_type<tc>} {
    %get3A = arith.constant 0 : index
    %get3A_0 = arith.constant 0 : index
    %get3A_1 = vector.load %arg0[%get3A, %get3A_0] : memref<10000x128xf32, #tpu.memory_space<vmem>>, vector<10000x128xf32>
    %get3A_2 = arith.constant 0 : index
    %get3A_3 = arith.constant 0 : index
    %get3A_4 = vector.load %arg1[%get3A_2, %get3A_3] : memref<128x64xf32, #tpu.memory_space<vmem>>, vector<128x64xf32>
    %dot_general3A = arith.constant dense<0.000000e+00> : vector<10000x64xf32>
    %dot_general3A_5 = tpu.matmul %get3A_1, %get3A_4, %dot_general3A {dimension_numbers = #tpu.dot_dimension_numbers<[1], [0], [0], [1], [0, 0, 1, 1], [], []>, transpose_lhs_hint = false} : vector<10000x128xf32>, vector<128x64xf32>, vector<10000x64xf32> -> vector<10000x64xf32>
    %get3A_6 = arith.constant 0 : index
    %get3A_7 = arith.constant 0 : index
    %get3A_8 = vector.load %arg4[%get3A_6, %get3A_7] : memref<10000x64xf32, #tpu.memory_space<vmem>>, vector<10000x64xf32>
    %concatenate3A = tpu.concatenate %dot_general3A_5, %get3A_8 in 1 : vector<10000x64xf32>, vector<10000x64xf32> -> vector<10000x128xf32>
    %swap3A = arith.constant 0 : index
    %swap3A_9 = arith.constant 0 : index
    %swap3A_10 = vector.load %arg5[%swap3A, %swap3A_9] : memref<10000x128xf32, #tpu.memory_space<vmem>>, vector<10000x128xf32>
    tpu.vector_store %arg5[%swap3A, %swap3A_9], %concatenate3A {strides = array<i32>} : memref<10000x128xf32, #tpu.memory_space<vmem>>, vector<10000x128xf32>,
    %get3A_11 = arith.constant 0 : index
    %get3A_12 = arith.constant 0 : index
    %get3A_13 = vector.load %arg2[%get3A_11, %get3A_12] : memref<128x64xf32, #tpu.memory_space<vmem>>, vector<128x64xf32>
    %dot_general3A_14 = arith.constant dense<0.000000e+00> : vector<10000x64xf32>
    %dot_general3A_15 = tpu.matmul %get3A_1, %get3A_13, %dot_general3A_14 {dimension_numbers = #tpu.dot_dimension_numbers<[1], [0], [0], [1], [0, 0, 1, 1], [], []>, transpose_lhs_hint = false} : vector<10000x128xf32>, vector<128x64xf32>, vector<10000x64xf32> -> vector<10000x64xf32>
    %get3A_16 = arith.constant 0 : index
    %get3A_17 = arith.constant 0 : index
    %get3A_18 = vector.load %arg3[%get3A_16, %get3A_17] : memref<1x64xf32, #tpu.memory_space<vmem>>, vector<1x64xf32>
    %add3A = vector.broadcast %get3A_18 : vector<1x64xf32> to vector<10000x64xf32>
    %add3A_19 = arith.addf %dot_general3A_15, %add3A : vector<10000x64xf32>
    %swap3A_20 = arith.constant 0 : index
    %swap3A_21 = arith.constant 0 : index
    %swap3A_22 = vector.load %arg6[%swap3A_20, %swap3A_21] : memref<10000x64xf32, #tpu.memory_space<vmem>>, vector<10000x64xf32>
    tpu.vector_store %arg6[%swap3A_20, %swap3A_21], %add3A_19 {strides = array<i32>} : memref<10000x64xf32, #tpu.memory_space<vmem>>, vector<10000x64xf32>,
    return
  }
}

module attributes {stable_mosaic.version = 14 : i64} {
  func.func @_mid1_body(%arg0: memref<2x10000x128xf32, #tpu.memory_space<vmem>>, %arg1: memref<10000x64xf32, #tpu.memory_space<vmem>>, %arg2: memref<1x64xf32, #tpu.memory_space<vmem>>, %arg3: memref<1x64xf32, #tpu.memory_space<vmem>>, %arg4: memref<10000x128xf32, #tpu.memory_space<vmem>>, %arg5: memref<10000x1xf32, #tpu.memory_space<vmem>>) attributes {dimension_semantics = [], scalar_prefetch = 0 : i64, scratch_operands = 0 : i64, tpu.core_type = #tpu.core_type<tc>} {
    %get3A = arith.constant 0 : index
    %get3A_0 = arith.constant 0 : index
    %get3A_1 = arith.constant 0 : index
    %get3A_2 = vector.load %arg0[%get3A, %get3A_0, %get3A_1] : memref<2x10000x128xf32, #tpu.memory_space<vmem>>, vector<2x10000x128xf32>
    %slice3A = vector.extract_strided_slice %get3A_2 {offsets = [0, 0, 0], sizes = [1, 10000, 128], strides = [1, 1, 1]} : vector<2x10000x128xf32> to vector<1x10000x128xf32>
    %squeeze3A = vector.shape_cast %slice3A : vector<1x10000x128xf32> to vector<10000x128xf32>
    %slice3A_3 = vector.extract_strided_slice %get3A_2 {offsets = [1, 0, 0], sizes = [1, 10000, 128], strides = [1, 1, 1]} : vector<2x10000x128xf32> to vector<1x10000x128xf32>
    %squeeze3A_4 = vector.shape_cast %slice3A_3 : vector<1x10000x128xf32> to vector<10000x128xf32>
    %add3A = arith.addf %squeeze3A, %squeeze3A_4 : vector<10000x128xf32>
    %slice3A_5 = vector.extract_strided_slice %add3A {offsets = [0, 64], sizes = [10000, 1], strides = [1, 1]} : vector<10000x128xf32> to vector<10000x1xf32>
    %max3A = arith.constant 1.000000e+00 : f32
    %max3A_6 = vector.broadcast %max3A : f32 to vector<10000x1xf32>
    %max3A_7 = arith.maximumf %slice3A_5, %max3A_6 : vector<10000x1xf32>
    %swap3A = arith.constant 0 : index
    %swap3A_8 = arith.constant 0 : index
    %swap3A_9 = vector.load %arg5[%swap3A, %swap3A_8] : memref<10000x1xf32, #tpu.memory_space<vmem>>, vector<10000x1xf32>
    tpu.vector_store %arg5[%swap3A, %swap3A_8], %max3A_7 {strides = array<i32>} : memref<10000x1xf32, #tpu.memory_space<vmem>>, vector<10000x1xf32>,
    %slice3A_10 = vector.extract_strided_slice %add3A {offsets = [0, 0], sizes = [10000, 64], strides = [1, 1]} : vector<10000x128xf32> to vector<10000x64xf32>
    %div3A = vector.broadcast %max3A_7 : vector<10000x1xf32> to vector<10000x64xf32>
    %div3A_11 = arith.divf %slice3A_10, %div3A : vector<10000x64xf32>
    %get3A_12 = arith.constant 0 : index
    %get3A_13 = arith.constant 0 : index
    %get3A_14 = vector.load %arg1[%get3A_12, %get3A_13] : memref<10000x64xf32, #tpu.memory_space<vmem>>, vector<10000x64xf32>
    %add3A_15 = arith.addf %div3A_11, %get3A_14 : vector<10000x64xf32>
    %get3A_16 = arith.constant 0 : index
    %get3A_17 = arith.constant 0 : index
    %get3A_18 = vector.load %arg2[%get3A_16, %get3A_17] : memref<1x64xf32, #tpu.memory_space<vmem>>, vector<1x64xf32>
    %get3A_19 = arith.constant 0 : index
    %get3A_20 = arith.constant 0 : index
    %get3A_21 = vector.load %arg3[%get3A_19, %get3A_20] : memref<1x64xf32, #tpu.memory_space<vmem>>, vector<1x64xf32>
    %reduce_sum3A = arith.constant dense<0.000000e+00> : vector<64xf32>
    %reduce_sum3A_22 = vector.multi_reduction <add>, %add3A_15, %reduce_sum3A [0] : vector<10000x64xf32> to vector<64xf32>
    %broadcast_in_dim3A = vector.shape_cast %reduce_sum3A_22 : vector<64xf32> to vector<1x64xf32>
    %div3A_23 = arith.constant 1.000000e+04 : f32
    %div3A_24 = vector.broadcast %div3A_23 : f32 to vector<1x64xf32>
    %div3A_25 = arith.divf %broadcast_in_dim3A, %div3A_24 : vector<1x64xf32>
    %sub3A = vector.broadcast %div3A_25 : vector<1x64xf32> to vector<10000x64xf32>
    %sub3A_26 = arith.subf %add3A_15, %sub3A : vector<10000x64xf32>
    %mul3A = arith.mulf %sub3A_26, %sub3A_26 : vector<10000x64xf32>
    %reduce_sum3A_27 = arith.constant dense<0.000000e+00> : vector<64xf32>
    %reduce_sum3A_28 = vector.multi_reduction <add>, %mul3A, %reduce_sum3A_27 [0] : vector<10000x64xf32> to vector<64xf32>
    %broadcast_in_dim3A_29 = vector.shape_cast %reduce_sum3A_28 : vector<64xf32> to vector<1x64xf32>
    %div3A_30 = arith.constant 1.000000e+04 : f32
    %div3A_31 = vector.broadcast %div3A_30 : f32 to vector<1x64xf32>
    %div3A_32 = arith.divf %broadcast_in_dim3A_29, %div3A_31 : vector<1x64xf32>
    %mul3A_33 = vector.broadcast %get3A_18 : vector<1x64xf32> to vector<10000x64xf32>
    %mul3A_34 = arith.mulf %mul3A_33, %sub3A_26 : vector<10000x64xf32>
    %add3A_35 = arith.constant 9.99999974E-6 : f32
    %add3A_36 = vector.broadcast %add3A_35 : f32 to vector<1x64xf32>
    %add3A_37 = arith.addf %div3A_32, %add3A_36 : vector<1x64xf32>
    %rsqrt3A = math.rsqrt %add3A_37 : vector<1x64xf32>
    %mul3A_38 = vector.broadcast %rsqrt3A : vector<1x64xf32> to vector<10000x64xf32>
    %mul3A_39 = arith.mulf %mul3A_34, %mul3A_38 : vector<10000x64xf32>
    %add3A_40 = vector.broadcast %get3A_21 : vector<1x64xf32> to vector<10000x64xf32>
    %add3A_41 = arith.addf %mul3A_39, %add3A_40 : vector<10000x64xf32>
    %max3A_42 = arith.constant 0.000000e+00 : f32
    %max3A_43 = vector.broadcast %max3A_42 : f32 to vector<10000x64xf32>
    %max3A_44 = arith.maximumf %add3A_41, %max3A_43 : vector<10000x64xf32>
    %jit3A = arith.constant 0 : i32
    %convert_element_type3A = arith.sitofp %jit3A : i32 to f32
    %pad3A = vector.broadcast %convert_element_type3A : f32 to vector<10000x64xf32>
    %pad3A_45 = tpu.concatenate %max3A_44, %pad3A in 1 : vector<10000x64xf32>, vector<10000x64xf32> -> vector<10000x128xf32>
    %swap3A_46 = arith.constant 0 : index
    %swap3A_47 = arith.constant 0 : index
    %swap3A_48 = vector.load %arg4[%swap3A_46, %swap3A_47] : memref<10000x128xf32, #tpu.memory_space<vmem>>, vector<10000x128xf32>
    tpu.vector_store %arg4[%swap3A_46, %swap3A_47], %pad3A_45 {strides = array<i32>} : memref<10000x128xf32, #tpu.memory_space<vmem>>, vector<10000x128xf32>,
    return
  }
}

module attributes {stable_mosaic.version = 14 : i64} {
  func.func @_mid2_body(%arg0: memref<2x10000x128xf32, #tpu.memory_space<vmem>>, %arg1: memref<10000x128xf32, #tpu.memory_space<vmem>>, %arg2: memref<10000x1xf32, #tpu.memory_space<vmem>>, %arg3: memref<64x64xf32, #tpu.memory_space<vmem>>, %arg4: memref<64x64xf32, #tpu.memory_space<vmem>>, %arg5: memref<1x64xf32, #tpu.memory_space<vmem>>, %arg6: memref<1x64xf32, #tpu.memory_space<vmem>>, %arg7: memref<1x64xf32, #tpu.memory_space<vmem>>, %arg8: memref<10000x128xf32, #tpu.memory_space<vmem>>) attributes {dimension_semantics = [], scalar_prefetch = 0 : i64, scratch_operands = 0 : i64, tpu.core_type = #tpu.core_type<tc>} {
    %get3A = arith.constant 0 : index
    %get3A_0 = arith.constant 0 : index
    %get3A_1 = arith.constant 0 : index
    %get3A_2 = vector.load %arg0[%get3A, %get3A_0, %get3A_1] : memref<2x10000x128xf32, #tpu.memory_space<vmem>>, vector<2x10000x128xf32>
    %slice3A = vector.extract_strided_slice %get3A_2 {offsets = [0, 0, 0], sizes = [1, 10000, 128], strides = [1, 1, 1]} : vector<2x10000x128xf32> to vector<1x10000x128xf32>
    %squeeze3A = vector.shape_cast %slice3A : vector<1x10000x128xf32> to vector<10000x128xf32>
    %slice3A_3 = vector.extract_strided_slice %get3A_2 {offsets = [1, 0, 0], sizes = [1, 10000, 128], strides = [1, 1, 1]} : vector<2x10000x128xf32> to vector<1x10000x128xf32>
    %squeeze3A_4 = vector.shape_cast %slice3A_3 : vector<1x10000x128xf32> to vector<10000x128xf32>
    %add3A = arith.addf %squeeze3A, %squeeze3A_4 : vector<10000x128xf32>
    %slice3A_5 = vector.extract_strided_slice %add3A {offsets = [0, 0], sizes = [10000, 64], strides = [1, 1]} : vector<10000x128xf32> to vector<10000x64xf32>
    %get3A_6 = arith.constant 0 : index
    %get3A_7 = arith.constant 0 : index
    %get3A_8 = vector.load %arg2[%get3A_6, %get3A_7] : memref<10000x1xf32, #tpu.memory_space<vmem>>, vector<10000x1xf32>
    %div3A = vector.broadcast %get3A_8 : vector<10000x1xf32> to vector<10000x64xf32>
    %div3A_9 = arith.divf %slice3A_5, %div3A : vector<10000x64xf32>
    %get3A_10 = arith.constant 0 : index
    %get3A_11 = arith.constant 0 : index
    %get3A_12 = vector.load %arg1[%get3A_10, %get3A_11] : memref<10000x128xf32, #tpu.memory_space<vmem>>, vector<10000x128xf32>
    %slice3A_13 = vector.extract_strided_slice %get3A_12 {offsets = [0, 0], sizes = [10000, 64], strides = [1, 1]} : vector<10000x128xf32> to vector<10000x64xf32>
    %get3A_14 = arith.constant 0 : index
    %get3A_15 = arith.constant 0 : index
    %get3A_16 = vector.load %arg3[%get3A_14, %get3A_15] : memref<64x64xf32, #tpu.memory_space<vmem>>, vector<64x64xf32>
    %dot_general3A = arith.constant dense<0.000000e+00> : vector<10000x64xf32>
    %dot_general3A_17 = tpu.matmul %div3A_9, %get3A_16, %dot_general3A {dimension_numbers = #tpu.dot_dimension_numbers<[1], [0], [0], [1], [0, 0, 1, 1], [], []>, transpose_lhs_hint = false} : vector<10000x64xf32>, vector<64x64xf32>, vector<10000x64xf32> -> vector<10000x64xf32>
    %get3A_18 = arith.constant 0 : index
    %get3A_19 = arith.constant 0 : index
    %get3A_20 = vector.load %arg4[%get3A_18, %get3A_19] : memref<64x64xf32, #tpu.memory_space<vmem>>, vector<64x64xf32>
    %dot_general3A_21 = arith.constant dense<0.000000e+00> : vector<10000x64xf32>
    %dot_general3A_22 = tpu.matmul %slice3A_13, %get3A_20, %dot_general3A_21 {dimension_numbers = #tpu.dot_dimension_numbers<[1], [0], [0], [1], [0, 0, 1, 1], [], []>, transpose_lhs_hint = false} : vector<10000x64xf32>, vector<64x64xf32>, vector<10000x64xf32> -> vector<10000x64xf32>
    %add3A_23 = arith.addf %dot_general3A_17, %dot_general3A_22 : vector<10000x64xf32>
    %get3A_24 = arith.constant 0 : index
    %get3A_25 = arith.constant 0 : index
    %get3A_26 = vector.load %arg5[%get3A_24, %get3A_25] : memref<1x64xf32, #tpu.memory_space<vmem>>, vector<1x64xf32>
    %add3A_27 = vector.broadcast %get3A_26 : vector<1x64xf32> to vector<10000x64xf32>
    %add3A_28 = arith.addf %add3A_23, %add3A_27 : vector<10000x64xf32>
    %get3A_29 = arith.constant 0 : index
    %get3A_30 = arith.constant 0 : index
    %get3A_31 = vector.load %arg6[%get3A_29, %get3A_30] : memref<1x64xf32, #tpu.memory_space<vmem>>, vector<1x64xf32>
    %get3A_32 = arith.constant 0 : index
    %get3A_33 = arith.constant 0 : index
    %get3A_34 = vector.load %arg7[%get3A_32, %get3A_33] : memref<1x64xf32, #tpu.memory_space<vmem>>, vector<1x64xf32>
    %reduce_sum3A = arith.constant dense<0.000000e+00> : vector<64xf32>
    %reduce_sum3A_35 = vector.multi_reduction <add>, %add3A_28, %reduce_sum3A [0] : vector<10000x64xf32> to vector<64xf32>
    %broadcast_in_dim3A = vector.shape_cast %reduce_sum3A_35 : vector<64xf32> to vector<1x64xf32>
    %div3A_36 = arith.constant 1.000000e+04 : f32
    %div3A_37 = vector.broadcast %div3A_36 : f32 to vector<1x64xf32>
    %div3A_38 = arith.divf %broadcast_in_dim3A, %div3A_37 : vector<1x64xf32>
    %sub3A = vector.broadcast %div3A_38 : vector<1x64xf32> to vector<10000x64xf32>
    %sub3A_39 = arith.subf %add3A_28, %sub3A : vector<10000x64xf32>
    %mul3A = arith.mulf %sub3A_39, %sub3A_39 : vector<10000x64xf32>
    %reduce_sum3A_40 = arith.constant dense<0.000000e+00> : vector<64xf32>
    %reduce_sum3A_41 = vector.multi_reduction <add>, %mul3A, %reduce_sum3A_40 [0] : vector<10000x64xf32> to vector<64xf32>
    %broadcast_in_dim3A_42 = vector.shape_cast %reduce_sum3A_41 : vector<64xf32> to vector<1x64xf32>
    %div3A_43 = arith.constant 1.000000e+04 : f32
    %div3A_44 = vector.broadcast %div3A_43 : f32 to vector<1x64xf32>
    %div3A_45 = arith.divf %broadcast_in_dim3A_42, %div3A_44 : vector<1x64xf32>
    %mul3A_46 = vector.broadcast %get3A_31 : vector<1x64xf32> to vector<10000x64xf32>
    %mul3A_47 = arith.mulf %mul3A_46, %sub3A_39 : vector<10000x64xf32>
    %add3A_48 = arith.constant 9.99999974E-6 : f32
    %add3A_49 = vector.broadcast %add3A_48 : f32 to vector<1x64xf32>
    %add3A_50 = arith.addf %div3A_45, %add3A_49 : vector<1x64xf32>
    %rsqrt3A = math.rsqrt %add3A_50 : vector<1x64xf32>
    %mul3A_51 = vector.broadcast %rsqrt3A : vector<1x64xf32> to vector<10000x64xf32>
    %mul3A_52 = arith.mulf %mul3A_47, %mul3A_51 : vector<10000x64xf32>
    %add3A_53 = vector.broadcast %get3A_34 : vector<1x64xf32> to vector<10000x64xf32>
    %add3A_54 = arith.addf %mul3A_52, %add3A_53 : vector<10000x64xf32>
    %max3A = arith.constant 0.000000e+00 : f32
    %max3A_55 = vector.broadcast %max3A : f32 to vector<10000x64xf32>
    %max3A_56 = arith.maximumf %add3A_54, %max3A_55 : vector<10000x64xf32>
    %jit3A = arith.constant 0 : i32
    %convert_element_type3A = arith.sitofp %jit3A : i32 to f32
    %pad3A = vector.broadcast %convert_element_type3A : f32 to vector<10000x64xf32>
    %pad3A_57 = tpu.concatenate %max3A_56, %pad3A in 1 : vector<10000x64xf32>, vector<10000x64xf32> -> vector<10000x128xf32>
    %swap3A = arith.constant 0 : index
    %swap3A_58 = arith.constant 0 : index
    %swap3A_59 = vector.load %arg8[%swap3A, %swap3A_58] : memref<10000x128xf32, #tpu.memory_space<vmem>>, vector<10000x128xf32>
    tpu.vector_store %arg8[%swap3A, %swap3A_58], %pad3A_57 {strides = array<i32>} : memref<10000x128xf32, #tpu.memory_space<vmem>>, vector<10000x128xf32>,
    return
  }
}

module attributes {stable_mosaic.version = 14 : i64} {
  func.func @_fin_body(%arg0: memref<2x10000x128xf32, #tpu.memory_space<vmem>>, %arg1: memref<10000x128xf32, #tpu.memory_space<vmem>>, %arg2: memref<10000x1xf32, #tpu.memory_space<vmem>>, %arg3: memref<64x32xf32, #tpu.memory_space<vmem>>, %arg4: memref<64x32xf32, #tpu.memory_space<vmem>>, %arg5: memref<1x32xf32, #tpu.memory_space<vmem>>, %arg6: memref<1x32xf32, #tpu.memory_space<vmem>>, %arg7: memref<1x32xf32, #tpu.memory_space<vmem>>, %arg8: memref<32x32xf32, #tpu.memory_space<vmem>>, %arg9: memref<1x32xf32, #tpu.memory_space<vmem>>, %arg10: memref<32x1xf32, #tpu.memory_space<vmem>>, %arg11: memref<1x1xf32, #tpu.memory_space<vmem>>, %arg12: memref<10000x1xf32, #tpu.memory_space<vmem>>) attributes {dimension_semantics = [], scalar_prefetch = 0 : i64, scratch_operands = 0 : i64, tpu.core_type = #tpu.core_type<tc>} {
    %get3A = arith.constant 0 : index
    %get3A_0 = arith.constant 0 : index
    %get3A_1 = arith.constant 0 : index
    %get3A_2 = vector.load %arg0[%get3A, %get3A_0, %get3A_1] : memref<2x10000x128xf32, #tpu.memory_space<vmem>>, vector<2x10000x128xf32>
    %slice3A = vector.extract_strided_slice %get3A_2 {offsets = [0, 0, 0], sizes = [1, 10000, 128], strides = [1, 1, 1]} : vector<2x10000x128xf32> to vector<1x10000x128xf32>
    %squeeze3A = vector.shape_cast %slice3A : vector<1x10000x128xf32> to vector<10000x128xf32>
    %slice3A_3 = vector.extract_strided_slice %get3A_2 {offsets = [1, 0, 0], sizes = [1, 10000, 128], strides = [1, 1, 1]} : vector<2x10000x128xf32> to vector<1x10000x128xf32>
    %squeeze3A_4 = vector.shape_cast %slice3A_3 : vector<1x10000x128xf32> to vector<10000x128xf32>
    %add3A = arith.addf %squeeze3A, %squeeze3A_4 : vector<10000x128xf32>
    %slice3A_5 = vector.extract_strided_slice %add3A {offsets = [0, 0], sizes = [10000, 64], strides = [1, 1]} : vector<10000x128xf32> to vector<10000x64xf32>
    %get3A_6 = arith.constant 0 : index
    %get3A_7 = arith.constant 0 : index
    %get3A_8 = vector.load %arg2[%get3A_6, %get3A_7] : memref<10000x1xf32, #tpu.memory_space<vmem>>, vector<10000x1xf32>
    %div3A = vector.broadcast %get3A_8 : vector<10000x1xf32> to vector<10000x64xf32>
    %div3A_9 = arith.divf %slice3A_5, %div3A : vector<10000x64xf32>
    %get3A_10 = arith.constant 0 : index
    %get3A_11 = arith.constant 0 : index
    %get3A_12 = vector.load %arg1[%get3A_10, %get3A_11] : memref<10000x128xf32, #tpu.memory_space<vmem>>, vector<10000x128xf32>
    %slice3A_13 = vector.extract_strided_slice %get3A_12 {offsets = [0, 0], sizes = [10000, 64], strides = [1, 1]} : vector<10000x128xf32> to vector<10000x64xf32>
    %get3A_14 = arith.constant 0 : index
    %get3A_15 = arith.constant 0 : index
    %get3A_16 = vector.load %arg3[%get3A_14, %get3A_15] : memref<64x32xf32, #tpu.memory_space<vmem>>, vector<64x32xf32>
    %dot_general3A = arith.constant dense<0.000000e+00> : vector<10000x32xf32>
    %dot_general3A_17 = tpu.matmul %div3A_9, %get3A_16, %dot_general3A {dimension_numbers = #tpu.dot_dimension_numbers<[1], [0], [0], [1], [0, 0, 1, 1], [], []>, transpose_lhs_hint = false} : vector<10000x64xf32>, vector<64x32xf32>, vector<10000x32xf32> -> vector<10000x32xf32>
    %get3A_18 = arith.constant 0 : index
    %get3A_19 = arith.constant 0 : index
    %get3A_20 = vector.load %arg4[%get3A_18, %get3A_19] : memref<64x32xf32, #tpu.memory_space<vmem>>, vector<64x32xf32>
    %dot_general3A_21 = arith.constant dense<0.000000e+00> : vector<10000x32xf32>
    %dot_general3A_22 = tpu.matmul %slice3A_13, %get3A_20, %dot_general3A_21 {dimension_numbers = #tpu.dot_dimension_numbers<[1], [0], [0], [1], [0, 0, 1, 1], [], []>, transpose_lhs_hint = false} : vector<10000x64xf32>, vector<64x32xf32>, vector<10000x32xf32> -> vector<10000x32xf32>
    %add3A_23 = arith.addf %dot_general3A_17, %dot_general3A_22 : vector<10000x32xf32>
    %get3A_24 = arith.constant 0 : index
    %get3A_25 = arith.constant 0 : index
    %get3A_26 = vector.load %arg5[%get3A_24, %get3A_25] : memref<1x32xf32, #tpu.memory_space<vmem>>, vector<1x32xf32>
    %add3A_27 = vector.broadcast %get3A_26 : vector<1x32xf32> to vector<10000x32xf32>
    %add3A_28 = arith.addf %add3A_23, %add3A_27 : vector<10000x32xf32>
    %get3A_29 = arith.constant 0 : index
    %get3A_30 = arith.constant 0 : index
    %get3A_31 = vector.load %arg6[%get3A_29, %get3A_30] : memref<1x32xf32, #tpu.memory_space<vmem>>, vector<1x32xf32>
    %get3A_32 = arith.constant 0 : index
    %get3A_33 = arith.constant 0 : index
    %get3A_34 = vector.load %arg7[%get3A_32, %get3A_33] : memref<1x32xf32, #tpu.memory_space<vmem>>, vector<1x32xf32>
    %reduce_sum3A = arith.constant dense<0.000000e+00> : vector<32xf32>
    %reduce_sum3A_35 = vector.multi_reduction <add>, %add3A_28, %reduce_sum3A [0] : vector<10000x32xf32> to vector<32xf32>
    %broadcast_in_dim3A = vector.shape_cast %reduce_sum3A_35 : vector<32xf32> to vector<1x32xf32>
    %div3A_36 = arith.constant 1.000000e+04 : f32
    %div3A_37 = vector.broadcast %div3A_36 : f32 to vector<1x32xf32>
    %div3A_38 = arith.divf %broadcast_in_dim3A, %div3A_37 : vector<1x32xf32>
    %sub3A = vector.broadcast %div3A_38 : vector<1x32xf32> to vector<10000x32xf32>
    %sub3A_39 = arith.subf %add3A_28, %sub3A : vector<10000x32xf32>
    %mul3A = arith.mulf %sub3A_39, %sub3A_39 : vector<10000x32xf32>
    %reduce_sum3A_40 = arith.constant dense<0.000000e+00> : vector<32xf32>
    %reduce_sum3A_41 = vector.multi_reduction <add>, %mul3A, %reduce_sum3A_40 [0] : vector<10000x32xf32> to vector<32xf32>
    %broadcast_in_dim3A_42 = vector.shape_cast %reduce_sum3A_41 : vector<32xf32> to vector<1x32xf32>
    %div3A_43 = arith.constant 1.000000e+04 : f32
    %div3A_44 = vector.broadcast %div3A_43 : f32 to vector<1x32xf32>
    %div3A_45 = arith.divf %broadcast_in_dim3A_42, %div3A_44 : vector<1x32xf32>
    %mul3A_46 = vector.broadcast %get3A_31 : vector<1x32xf32> to vector<10000x32xf32>
    %mul3A_47 = arith.mulf %mul3A_46, %sub3A_39 : vector<10000x32xf32>
    %add3A_48 = arith.constant 9.99999974E-6 : f32
    %add3A_49 = vector.broadcast %add3A_48 : f32 to vector<1x32xf32>
    %add3A_50 = arith.addf %div3A_45, %add3A_49 : vector<1x32xf32>
    %rsqrt3A = math.rsqrt %add3A_50 : vector<1x32xf32>
    %mul3A_51 = vector.broadcast %rsqrt3A : vector<1x32xf32> to vector<10000x32xf32>
    %mul3A_52 = arith.mulf %mul3A_47, %mul3A_51 : vector<10000x32xf32>
    %add3A_53 = vector.broadcast %get3A_34 : vector<1x32xf32> to vector<10000x32xf32>
    %add3A_54 = arith.addf %mul3A_52, %add3A_53 : vector<10000x32xf32>
    %max3A = arith.constant 0.000000e+00 : f32
    %max3A_55 = vector.broadcast %max3A : f32 to vector<10000x32xf32>
    %max3A_56 = arith.maximumf %add3A_54, %max3A_55 : vector<10000x32xf32>
    %get3A_57 = arith.constant 0 : index
    %get3A_58 = arith.constant 0 : index
    %get3A_59 = vector.load %arg8[%get3A_57, %get3A_58] : memref<32x32xf32, #tpu.memory_space<vmem>>, vector<32x32xf32>
    %dot_general3A_60 = arith.constant dense<0.000000e+00> : vector<10000x32xf32>
    %dot_general3A_61 = tpu.matmul %max3A_56, %get3A_59, %dot_general3A_60 {dimension_numbers = #tpu.dot_dimension_numbers<[1], [0], [0], [1], [0, 0, 1, 1], [], []>, transpose_lhs_hint = false} : vector<10000x32xf32>, vector<32x32xf32>, vector<10000x32xf32> -> vector<10000x32xf32>
    %get3A_62 = arith.constant 0 : index
    %get3A_63 = arith.constant 0 : index
    %get3A_64 = vector.load %arg9[%get3A_62, %get3A_63] : memref<1x32xf32, #tpu.memory_space<vmem>>, vector<1x32xf32>
    %add3A_65 = vector.broadcast %get3A_64 : vector<1x32xf32> to vector<10000x32xf32>
    %add3A_66 = arith.addf %dot_general3A_61, %add3A_65 : vector<10000x32xf32>
    %max3A_67 = arith.constant 0.000000e+00 : f32
    %max3A_68 = vector.broadcast %max3A_67 : f32 to vector<10000x32xf32>
    %max3A_69 = arith.maximumf %add3A_66, %max3A_68 : vector<10000x32xf32>
    %get3A_70 = arith.constant 0 : index
    %get3A_71 = arith.constant 0 : index
    %get3A_72 = vector.load %arg10[%get3A_70, %get3A_71] : memref<32x1xf32, #tpu.memory_space<vmem>>, vector<32x1xf32>
    %dot_general3A_73 = arith.constant dense<0.000000e+00> : vector<10000x1xf32>
    %dot_general3A_74 = tpu.matmul %max3A_69, %get3A_72, %dot_general3A_73 {dimension_numbers = #tpu.dot_dimension_numbers<[1], [0], [0], [1], [0, 0, 1, 1], [], []>, transpose_lhs_hint = false} : vector<10000x32xf32>, vector<32x1xf32>, vector<10000x1xf32> -> vector<10000x1xf32>
    %get3A_75 = arith.constant 0 : index
    %get3A_76 = arith.constant 0 : index
    %get3A_77 = vector.load %arg11[%get3A_75, %get3A_76] : memref<1x1xf32, #tpu.memory_space<vmem>>, vector<1x1xf32>
    %add3A_78 = vector.broadcast %get3A_77 : vector<1x1xf32> to vector<10000x1xf32>
    %add3A_79 = arith.addf %dot_general3A_74, %add3A_78 : vector<10000x1xf32>
    %logistic3A = arith.negf %add3A_79 : vector<10000x1xf32>
    %logistic3A_80 = math.exp %logistic3A : vector<10000x1xf32>
    %logistic3A_81 = arith.constant 1.000000e+00 : f32
    %logistic3A_82 = vector.broadcast %logistic3A_81 : f32 to vector<10000x1xf32>
    %logistic3A_83 = arith.addf %logistic3A_82, %logistic3A_80 : vector<10000x1xf32>
    %logistic3A_84 = arith.divf %logistic3A_82, %logistic3A_83 : vector<10000x1xf32>
    %swap3A = arith.constant 0 : index
    %swap3A_85 = arith.constant 0 : index
    %swap3A_86 = vector.load %arg12[%swap3A, %swap3A_85] : memref<10000x1xf32, #tpu.memory_space<vmem>>, vector<10000x1xf32>
    tpu.vector_store %arg12[%swap3A, %swap3A_85], %logistic3A_84 {strides = array<i32>} : memref<10000x1xf32, #tpu.memory_space<vmem>>, vector<10000x1xf32>,
    return
  }
}

</mosaic_0001>

<sc_bundles>
// kernel: kernel.12.cloned.1.call-start
scs
__scs_entry_jumppad:
0x0: {  	(pc) =	sbr.rel $0x88, $3  }
0x1: {  	(tag) =	ssettag $0x0;
	lr =	simm.s32 $0x1  }
0x2: {  	[smem:$0x3F8C] =	sst lr;
	_ =	strace $0xD0000000  }
0x3: {  	_ = 	snop  }
0x4: {  	_ = 	snop  }
0x5: {  	_ = 	snop  }
0x6: {  	_ = 	snop  }
0x7: {  	_ = 	snop  }
__scs_overlays_trampoline_lowered:
0x8: {  	[smem:$0x3F9B] =	sst s0  }
0x9: {  	[smem:$0x3F9C] =	sst s1  }
0xa: {  	[smem:$0x3F9D] =	sst s2  }
0xb: {  	[smem:$0x3F9E] =	sst s3  }
0xc: {  	[smem:$0x3F9F] =	sst s4  }
0xd: {  	[smem:$0x3FA0] =	sst s5  }
0xe: {  	[smem:$0x3FA1] =	sst s6  }
0xf: {  	[smem:$0x3FA2] =	sst s7  }
0x10: {  	[smem:$0x3FA3] =	sst s8  }
0x11: {  	[smem:$0x3FA4] =	sst s9;
	s0 =	simm.s32 @!p0 $0x0  }
0x12: {  	s1 =	sld [smem:$0x3F8A];
	s0 =	simm.s32 @p0 $0x1  }
0x13: {  	[smem:$0x3FA5] =	sst s0;
	s0 =	simm.s32 @!p1 $0x0  }
0x14: {  	s2 =	sld [smem:$0x3F89];
	s0 =	simm.s32 @p1 $0x1  }
0x15: {  	[smem:$0x3FA6] =	sst s0;
	s0 =	simm.s32 @!p2 $0x0  }
0x16: {  	s3 =	sld [smem:$0x3FDB];
	s0 =	simm.s32 @p2 $0x1  }
0x17: {  	s4 =	simm.s32 $0x1BF5;
	[smem:$0x3FA8] =	sst s0  }
0x18: {  	s0 =	sld [smem:$0x3F8B];
	_ =	swait.ge [sflag:s4], $0x0  }
0x19: {  	s7 =	sld [smem:$0x3F8C]  }
0x1a: {  	s8 =	sadd.s32 $0xFFFFE003, lr  }
0x1b: {  	s9 =	sadd.s32 $0xFFFFFEF7, lr;
	s5 =	simm.s32 $0xFFFFFFFF;
	p2 =	slt.u32 s8, $0xFFFFF086  }
0x1c: {  	p1 =	slt.u32 s9, $0xF7A;
	s5 =	simm.s32 @!p2 $0x0  }
0x1d: {  	s5 =	simm.s32 @p1 $0x1;
	p0 =	seq.s32 s7, s2  }
0x1e: {  	s7 =	smul.u32 @!p0 $0xF7A, s2;
	p2 =	seq.s32 @!p0 s5, $0x0  }
0x1f: {  	s9 =	smul.u32 $0xF7A, s1;
	s8 =	simm.s32 @!p0 $0x1BF5;
	p2 =	por !p2, p0  }
0x20: {  	[sflag:s8] =	ssyncset.s32 @!p0 $0xFFFFF086;
	s6 =	sadd.s32 @!p0 s3, s7;
	s7 =	simm.s32 @!p0 $0x108  }
0x21: {  	s3 =	sadd.s32 s3, s9;
	s6 =	sadd.s32 @!p0 $0x88, s6;
	s7 =	simm.s32 @p2 $0x1082  }
0x22: {  	[simem:s7], [sflag:s8] =	dma.local @!p0 [hbm:s6], $0xF7A  }
0x23: {  	s9 =	sor.u32 $0xD0000000, s2;
	s6 =	simm.s32 $0x108;
	_ =	swait.ge @!p0 [sflag:s8], $0x0  }
0x24: {  	s3 =	sadd.s32 $0x88, s3;
	s6 =	simm.s32 @!p1 $0x1082;
	[sflag:s4] =	ssyncset.s32 $0xFFFFF086  }
0x25: {  	[simem:s6], [sflag:s4] =	dma.local [hbm:s3], $0xF7A  }
0x26: {  	[smem:$0x3F8C] =	sst s1;
	(tag) =	ssettag s2;
	_ =	strace s9  }
0x27: {  	s1 =	sld [smem:$0x3F9C]  }
0x28: {  	s2 =	sld [smem:$0x3F9D]  }
0x29: {  	s4 =	sld [smem:$0x3F9F]  }
0x2a: {  	p0 =	seq.s32 s5, $0x0;
	s5 =	sld [smem:$0x3FA0]  }
0x2b: {  	s6 =	sld [smem:$0x3FA1]  }
0x2c: {  	s7 =	sld [smem:$0x3FA2]  }
0x2d: {  	s3 =	simm.s32 $0x108;
	s8 =	sld [smem:$0x3FA3]  }
0x2e: {  	s3 =	simm.s32 @!p0 $0x1082;
	s9 =	sld [smem:$0x3FA4]  }
0x2f: {  	lr =	sadd.s32 s0, s3;
	s0 =	sld [smem:$0x3F9B]  }
0x30: {  	s3 =	sld [smem:$0x3F9E]  }
0x31: {  	[smem:$0x3FA7] =	sst s10  }
0x32: {  	s10 =	sld [smem:$0x3FA5];
	_ =	sdelay $0x3  }
0x33: {  	p0 =	seq.s32 s10, $0x1;
	s10 =	sld [smem:$0x3FA7];
	_ =	sdelay $0x3  }
0x34: {  	[smem:$0x3FA7] =	sst s10  }
0x35: {  	s10 =	sld [smem:$0x3FA6];
	_ =	sdelay $0x3  }
0x36: {  	p1 =	seq.s32 s10, $0x1;
	s10 =	sld [smem:$0x3FA7];
	_ =	sdelay $0x3  }
0x37: {  	[smem:$0x3FA7] =	sst s10  }
0x38: {  	s10 =	sld [smem:$0x3FA8]  }
0x39: {  	_ = 	snop;
	(pc) =	sbr.ind lr, $3  }
0x3a: {  	_ = 	snop  }
0x3b: {  	_ = 	snop  }
0x3c: {  	p2 =	seq.s32 s10, $0x1;
	s10 =	sld [smem:$0x3FA7]  }
0x3d: {  	_ =	shalt  }
0x3e: {  	_ =	shalt  }
0x3f: {  	_ =	shalt  }
0x40: {  	_ =	shalt  }
0x41: {  	_ =	shalt  }
0x42: {  	_ =	shalt  }
0x43: {  	_ =	shalt  }
0x44: {  	_ =	shalt  }
0x45: {  	_ =	shalt  }
0x46: {  	_ =	shalt  }
0x47: {  	_ =	shalt  }
0x48: {  	_ =	shalt  }
0x49: {  	_ =	shalt  }
0x4a: {  	_ =	shalt  }
0x4b: {  	_ =	shalt  }
0x4c: {  	_ =	shalt  }
0x4d: {  	_ =	shalt  }
0x4e: {  	_ =	shalt  }
0x4f: {  	_ =	shalt  }
0x50: {  	_ =	shalt  }
0x51: {  	_ =	shalt  }
0x52: {  	_ =	shalt  }
0x53: {  	_ =	shalt  }
0x54: {  	_ =	shalt  }
0x55: {  	_ =	shalt  }
0x56: {  	_ =	shalt  }
0x57: {  	_ =	shalt  }
0x58: {  	_ =	shalt  }
0x59: {  	_ =	shalt  }
0x5a: {  	_ =	shalt  }
0x5b: {  	_ =	shalt  }
0x5c: {  	_ =	shalt  }
0x5d: {  	_ =	shalt  }
0x5e: {  	_ =	shalt  }
0x5f: {  	_ =	shalt  }
0x60: {  	_ =	shalt  }
0x61: {  	_ =	shalt  }
0x62: {  	_ =	shalt  }
0x63: {  	_ =	shalt  }
0x64: {  	_ =	shalt  }
0x65: {  	_ =	shalt  }
0x66: {  	_ =	shalt  }
0x67: {  	_ =	shalt  }
0x68: {  	_ =	shalt  }
0x69: {  	_ =	shalt  }
0x6a: {  	_ =	shalt  }
0x6b: {  	_ =	shalt  }
0x6c: {  	_ =	shalt  }
0x6d: {  	_ =	shalt  }
0x6e: {  	_ =	shalt  }
0x6f: {  	_ =	shalt  }
0x70: {  	_ =	shalt  }
0x71: {  	_ =	shalt  }
0x72: {  	_ =	shalt  }
0x73: {  	_ =	shalt  }
0x74: {  	_ =	shalt  }
0x75: {  	_ =	shalt  }
0x76: {  	_ =	shalt  }
0x77: {  	_ =	shalt  }
0x78: {  	_ =	shalt  }
0x79: {  	_ =	shalt  }
0x7a: {  	_ =	shalt  }
0x7b: {  	_ =	shalt  }
0x7c: {  	_ =	shalt  }
0x7d: {  	_ =	shalt  }
0x7e: {  	_ =	shalt  }
0x7f: {  	_ =	shalt  }
0x80: {  	_ =	shalt  }
0x81: {  	_ =	shalt  }
0x82: {  	_ =	shalt  }
0x83: {  	_ =	shalt  }
0x84: {  	_ =	shalt  }
0x85: {  	_ =	shalt  }
0x86: {  	_ =	shalt  }
0x87: {  	_ =	shalt  }
.Lfunc_end0:
.L_simem_size_0:
called_computation.1_lowered:
.L_overlay_start_0:
0x88: {  	s2 =	sld [smem:$0x3FD9]  }
0x89: {  	s3 =	sld [smem:$0x3FFE];
	_ =	sdelay $0x1  }
0x8a: {  	s1 =	srdreg.scid  }
0x8b: {  	s0 =	sand.u32 $0x1, s1  }
0x8c: {  	s16 =	sshll.u32 s0, $0xA;
	s2 =	sadd.s32 s3, s2  }
0x8d: {  	s2 =	sadd.s32 s2, s16  }
0x8e: {  	[smem:$0x3FB3] =	sst s2  }
0x8f: {  	_ = 	snop  }
0x90: {  	(tm) =	ssettm $0x1  }
0x91: {  	s17 =	sld [smem:$0x3FFB];
	_ =	sdelay $0x3  }
0x92: {  	_ =	strace s17  }
0x93: {  	s2 =	sld [smem:$0x3FFC];
	_ =	sdelay $0x3  }
0x94: {  	_ =	strace s2  }
0x95: {  	s2 =	sld [smem:$0x3FFD];
	_ =	sdelay $0x3  }
0x96: {  	_ =	strace s2  }
0x97: {  	_ =	strace $0x8FFFFFFF  }
0x98: {  	s18 =	sld [smem:$0x3FDB];
	_ =	sdelay $0x1  }
0x99: {  	s19 =	simm.s32 $_scs_section_size  }
0x9a: {  	s4 =	simm.s32 $_size__tile_overlayer_lowered;
	s5 =	simm.s32 $_tile_overlayer_lowered  }
0x9b: {  	s22 =	simm.s32 $0x1BFF;
	s21 =	sshll.u32 s5, $0x1;
	s2 =	sadd.s32 s19, s18  }
0x9c: {  	s6 =	simm.s32 $0x0;
	s20 =	sshll.u32 s4, $0x1;
	s4 =	sadd.s32 s21, s2  }
0x9d: {  	[timem:s6], [sflag:s22] =	dma.local [hbm:s4], s20  }
0x9e: {  	_ =	swait.ge [sflag:s22], s20  }
0x9f: {  	s3 =	ssub.s32 $0x0, s20;
	[sflag:s22] =	ssyncset.done $0x0  }
0xa0: {  	[sflag:s22] =	ssyncadd.s32 s3;
	_ =	sdelay $0x1  }
0xa1: {  	s23 =	simm.s32 $0x1B8B  }
0xa2: {  	_ =	swait.ge [sflag:s23], $0x1  }
0xa3: {  	[sflag:s23] =	ssyncset.done $0x0  }
0xa4: {  	s25 =	simm.s32 $0x1B8E;
	s24 =	sld [smem:$0x3FFE];
	[sflag:s23] =	ssyncadd.s32 $0xFFFFFFFF  }
0xa5: {  	s26 =	simm.s32 $execute0_lowered;
	[smem:$0x3FD2] =	sst s25  }
0xa6: {  	s4 =	sshll.u32 s26, $0x1;
	_ =	strace $0x80000049;
	[dreg:$0x1] =	wrdreg $0xFFFFFFFF  }
0xa7: {  	s28 =	simm.s32 $_size_execute0_lowered;
	s2 =	sadd.s32 s2, s4;
	[dreg:$0x0] =	wrdreg $0x0  }
0xa8: {  	s4 =	sshll.u32 s28, $0x1;
	[dreg:$0x2] =	wrdreg s2  }
0xa9: {  	[dreg:$0x3] =	wrdreg s4  }
0xaa: {  	[dreg:$0x4] =	wrdreg $0xC0  }
0xab: {  	_ =	task [dreg:s6], $0x5FFFF  }
0xac: {  	[dreg:$0x1] =	wrdreg $0xFFFFFFFF  }
0xad: {  	[dreg:$0x0] =	wrdreg $0x60  }
0xae: {  	[dreg:$0x2] =	wrdreg s24  }
0xaf: {  	[dreg:$0x3] =	wrdreg $0xA8000  }
0xb0: {  	[dreg:$0x4] =	wrdreg $0x9  }
0xb1: {  	_ =	task.clear_ibuf [dreg:s6], $0x5FFFF;
	_ =	strace $0x90000049  }
0xb2: {  	s29 =	simm.s32 $0x9;
	_ =	strace $0x8000004B  }
0xb3: {  	_ =	swait.ge [sflag:s29], $0x1  }
0xb4: {  	[sflag:s29] =	ssyncadd.s32 $0xFFFFFFFF  }
0xb5: {  	_ =	strace $0x9000004B  }
0xb6: {  	_ =	sfence  }
0xb7: {  	s30 =	sld [smem:$0x0];
	_ =	sdelay $0x2  }
0xb8: {  	s31 =	sshll.u32 s1, $0xD;
	s1 =	sshrl.u32 s1, $0x2  }
0xb9: {  	s3 =	sand.u32 $0x4000, s31;
	s1 =	sadd.s32 s1, s30  }
0xba: {  	s0 =	sor.u32 s3, s0;
	s1 =	sshll.u32 s1, $0x11  }
0xbb: {  	s0 =	sor.u32 s1, s0  }
0xbc: {  	s0 =	sadd.s32 $0x8F2B, s0  }
0xbd: {  	[sflag:s0] =	ssyncadd.remote.s32 $0x1  }
0xbe: {  	_ =	sfence.sel $0xFFFF  }
0xbf: {  	[dreg:$0x0] =	wrdreg $0xFFFFFFFF;
	(pc) =	sbr.abs _section_cstart, $3  }
0xc0: {  	[dreg:$0x1] =	wrdreg $0xFFFFFFFF  }
0xc1: {  	_ =	task.clear_ibuf [dreg:s6], $0x2FFFF;
	_ =	strace $0x9FFFFFFF  }
0xc2: {  	(tm) =	ssettm $0x7FFFFFFF  }
0xc3: {  	_ =	shalt  }
tec
execute0_lowered:
.L_overlay_start_1:
0x0: {  	(tag) =	ssettag $0x1  }
0x1: {  	s8 =	rddreg [dreg:$0x0]  }
0x2: {  	s1 =	rddreg [dreg:$0x1]  }
0x3: {  	s2 =	simm.s32 $0x0;
	s3 =	srdreg.scid;
	s0 =	stileid.u32  }
0x4: {  	s18 =	simm.s32 $0x2800;
	s19 =	simm.s32 $0x6800;
	s20 =	simm.s32 $0x1  }
0x5: {  	s21 =	simm.s32 $0x2;
	s22 =	simm.s32 $0x1380;
	s15 =	smul.u32 $0x4F000, s0  }
0x6: {  	[smem:$0x7FF] =	sst s2;
	s9 =	sand.u32 $0x1, s3;
	s26 =	smul.u32 $0x13800, s0  }
0x7: {  	s4 =	sadd.s32 $0x18600, s8;
	s5 =	sadd.s32 $0xE600, s8;
	s29 =	smul.u32 $0x4E000, s0  }
0x8: {  	s6 =	sadd.s32 $0x4600, s8;
	s14 =	sadd.s32 $0x42000, s8;
	s7 =	smul.u32 $0xFFFFFFB0, s9  }
0x9: {  	s28 =	sshll.u32 s0, $0x6;
	p0 =	sne.s32 s0, $0xF;
	s11 =	smul.u32 $0x780, s9  }
0xa: {  	_ =	strace $0x8000004A;
	s12 =	ssub.s32 $0x2, s9;
	s24 =	smul.u32 $0x138800, s9  }
0xb: {  	s9 =	sor.u32 $0x1C03, s28;
	s23 =	sshrl.u32 s12, $0x1;
	s25 =	sshrl.u32 s15, $0x2  }
0xc: {  	s30 =	sshrl.u32 s29, $0x2;
	s10 =	sadd.s32 $0x78, s7;
	s7 =	sadd.s32 $0x3F800, s8  }
0xd: {  	s16 =	ssub.s32 s12, s23;
	s15 =	sadd.s32 s25, s1;
	s12 =	sadd.s32 s26, s24  }
0xe: {  	s17 =	sshrl.u32 s24, $0x3;
	s24 =	sadd.s32 s30, s1;
	s25 =	sadd.s32 $0x138000, s1  }
0xf: {  	s23 =	simm.s32 $0x2700;
	s26 =	simm.s32 $0x2780;
	s13 =	smul.u32 s0, s10  }
0x10: {  	s10 =	sand.u32 $0xF8, s10;
	s12 =	sshrl.u32 s12, $0x3;
	s31 =	sadd.s32 s14, s17  }
0x11: {  	s17 =	simm.s32 $0x80;
	s24 =	sshrl.u32 s24, $0x3;
	s25 =	sshrl.u32 @!p0 s25, $0x3  }
0x12: {  	s10 =	smul.u32 $0xCD, s10;
	s8 =	sadd.s32 s11, s13;
	s11 =	sadd.s32 s14, s12  }
0x13: {  	s12 =	sadd.s32 $0x27000, s31;
	s13 =	smax.u32 s16, $0x1;
	s14 =	sshrl.u32 s15, $0x3  }
0x14: {  	s15 =	simm.s32 $0x3;
	s16 =	simm.s32 $0x1400;
	s10 =	sshrl.u32 s10, $0xD  }
.LBB2_1:
0x15: {  	[spmem:s14], [sflag:s9] =	dma.local [hbm:s7], $0x2780  }
0x16: {  	_ =	swait.ge [sflag:s15], $0x2780  }
0x17: {  	[sflag:s15] =	ssyncset.done $0x0  }
0x18: {  	[sflag:s15] =	ssyncadd.s32 $0xFFFFD880  }
0x19: {  	s28 =	simm.s32 $0x0;
	[bflag:$0x0] =	sbarrier.arrive $0xFFFF  }
.LBB2_2:
0x1a: {  	s29 =	smul.u32 $0x28, s28;
	_ =	sdelay $0x1  }
0x1b: {  	s29 =	sadd.s32 s29, s8  }
0x1c: {  	s29 =	sshll.u32 s29, $0x4  }
0x1d: {  	s31 =	simm.s32 $0x0;
	s30 =	sadd.s32 s5, s29  }
0x1e: {  	[tilespmem:s31], [sflag:$0x3] =	stream.linear.gather [hbm4b:s30+s31], $0x1400, $0x38;
	[tilespmem:$0x1E400] =	vst v63  }
0x1f: {  	_ =	swait.ge [sflag:s15], $0x1400  }
0x20: {  	[sflag:s15] =	ssyncset.done $0x0  }
0x21: {  	s29 =	sadd.s32 s6, s29;
	[sflag:s15] =	ssyncadd.s32 $0xFFFFEC00  }
0x22: {  	[tilespmem:s16], [sflag:$0x3] =	stream.linear.gather [hbm4b:s29+s31], $0x1400, $0x38;
	[tilespmem:$0x1E400] =	vst v63  }
0x23: {  	_ =	swait.ge [sflag:s15], $0x1400  }
0x24: {  	[sflag:s15] =	ssyncset.done $0x0  }
0x25: {  	[sflag:s15] =	ssyncadd.s32 $0xFFFFEC00  }
0x26: {  	[tilespmem:s18], [sflag:$0x1] =	stream.indirect.gather [hbm4b:s4+s17], $0x80, s31, s17, $0xb8;
	[tilespmem:$0x1E400] =	vst v63  }
0x27: {  	s29 =	simm.s32 $0x80  }
0x28: {  	[tilespmem:s19], [sflag:$0x2] =	stream.indirect.gather [hbm4b:s4+s17], $0x80, s29, s17, $0xb8;
	[tilespmem:$0x1E400] =	vst v63  }
0x29: {  	_ =	swait.ge [sflag:s20], $0x4000  }
0x2a: {  	[sflag:s20] =	ssyncset.done $0x0  }
0x2b: {  	s29 =	simm.s32 $0x1400;
	[sflag:s20] =	ssyncadd.s32 $0xFFFFC000  }
0x2c: {  	[spmem:s1] =	stream.indirect.scatter.add.f32 [tilespmem:s18], [sflag:$0x3], $0x80, s29, s17, $0xb8;
	[tilespmem:$0x1E400] =	vst v63  }
0x2d: {  	_ =	swait.ge [sflag:s15], $0x4000  }
0x2e: {  	[sflag:s15] =	ssyncset.done $0x0  }
0x2f: {  	s29 =	simm.s32 $0x100;
	[sflag:s15] =	ssyncadd.s32 $0xFFFFC000  }
0x30: {  	[tilespmem:s18], [sflag:$0x1] =	stream.indirect.gather [hbm4b:s4+s17], $0x80, s29, s17, $0xb8;
	[tilespmem:$0x1E400] =	vst v63  }
0x31: {  	_ =	swait.ge [sflag:s21], $0x4000  }
0x32: {  	[sflag:s21] =	ssyncset.done $0x0  }
0x33: {  	s29 =	simm.s32 $0x1480;
	[sflag:s21] =	ssyncadd.s32 $0xFFFFC000  }
0x34: {  	[spmem:s1] =	stream.indirect.scatter.add.f32 [tilespmem:s19], [sflag:$0x3], $0x80, s29, s17, $0xb8;
	[tilespmem:$0x1E400] =	vst v63  }
0x35: {  	_ =	swait.ge [sflag:s15], $0x4000  }
0x36: {  	s30 =	simm.s32 $0x800;
	s29 =	simm.s32 $0x100;
	[sflag:s15] =	ssyncset.done $0x0  }
.LBB2_3:
0x37: {  	s31 =	sadd.s32 $0x80, s29  }
0x38: {  	[sflag:s15] =	ssyncadd.s32 $0xFFFFC000;
	s0 =	smov.u32 s30;
	s3 =	sadd.s32 $0x400, s30  }
0x39: {  	[tilespmem:s19], [sflag:$0x2] =	stream.indirect.gather [hbm4b:s4+s17], $0x80, s31, s17, $0xb8;
	[tilespmem:$0x1E400] =	vst v63  }
0x3a: {  	p1 =	sne.s32 s30, $0x4800;
	_ =	swait.ge [sflag:s20], $0x4000  }
0x3b: {  	[sflag:s20] =	ssyncset.done $0x0  }
0x3c: {  	s30 =	sadd.s32 $0x1400, s29;
	[sflag:s20] =	ssyncadd.s32 $0xFFFFC000  }
0x3d: {  	[spmem:s1] =	stream.indirect.scatter.add.f32 [tilespmem:s18], [sflag:$0x3], $0x80, s30, s17, $0xb8;
	[tilespmem:$0x1E400] =	vst v63  }
0x3e: {  	_ =	swait.ge [sflag:s15], $0x4000  }
0x3f: {  	[sflag:s15] =	ssyncset.done $0x0  }
0x40: {  	s30 =	sadd.s32 $0x100, s29;
	[sflag:s15] =	ssyncadd.s32 $0xFFFFC000  }
0x41: {  	[tilespmem:s18], [sflag:$0x1] =	stream.indirect.gather [hbm4b:s4+s17], $0x80, s30, s17, $0xb8;
	[tilespmem:$0x1E400] =	vst v63  }
0x42: {  	_ =	swait.ge [sflag:s21], $0x4000  }
.Ltmp0:
0x43: {  	[sflag:s21] =	ssyncset.done $0x0;
	(pc) =	sbr.rel @p1 .LBB2_3-.Ltmp0, $4  }
0x44: {  	s29 =	sadd.s32 $0x1480, s29;
	[sflag:s21] =	ssyncadd.s32 $0xFFFFC000  }
0x45: {  	[spmem:s1] =	stream.indirect.scatter.add.f32 [tilespmem:s19], [sflag:$0x3], $0x80, s29, s17, $0xb8;
	[tilespmem:$0x1E400] =	vst v63  }
0x46: {  	_ =	swait.ge [sflag:s15], $0x4000  }
0x47: {  	s30 =	smov.u32 s3;
	s29 =	sshra.s32 s0, $0x2;
	[sflag:s15] =	ssyncset.done $0x0  }
0x48: {  	s0 =	sadd.s32 $0x80, s29;
	[sflag:s15] =	ssyncadd.s32 $0xFFFFC000  }
0x49: {  	[tilespmem:s19], [sflag:$0x2] =	stream.indirect.gather [hbm4b:s4+s17], $0x80, s0, s17, $0xb8;
	[tilespmem:$0x1E400] =	vst v63  }
0x4a: {  	_ =	swait.ge [sflag:s20], $0x4000  }
0x4b: {  	[sflag:s20] =	ssyncset.done $0x0  }
0x4c: {  	s3 =	sadd.s32 $0x1400, s29;
	[sflag:s20] =	ssyncadd.s32 $0xFFFFC000  }
0x4d: {  	[spmem:s1] =	stream.indirect.scatter.add.f32 [tilespmem:s18], [sflag:$0x3], $0x80, s3, s17, $0xb8;
	[tilespmem:$0x1E400] =	vst v63  }
0x4e: {  	_ =	swait.ge [sflag:s15], $0x4000  }
0x4f: {  	[sflag:s15] =	ssyncset.done $0x0  }
0x50: {  	s30 =	sadd.s32 $0x100, s29;
	[sflag:s15] =	ssyncadd.s32 $0xFFFFC000  }
0x51: {  	[tilespmem:s18], [sflag:$0x1] =	stream.indirect.gather [hbm4b:s4+s17], $0x80, s30, s17, $0xb8;
	[tilespmem:$0x1E400] =	vst v63  }
0x52: {  	_ =	swait.ge [sflag:s21], $0x4000  }
0x53: {  	[sflag:s21] =	ssyncset.done $0x0  }
0x54: {  	s31 =	sadd.s32 $0x1480, s29;
	[sflag:s21] =	ssyncadd.s32 $0xFFFFC000  }
0x55: {  	[spmem:s1] =	stream.indirect.scatter.add.f32 [tilespmem:s19], [sflag:$0x3], $0x80, s31, s17, $0xb8;
	[tilespmem:$0x1E400] =	vst v63  }
0x56: {  	_ =	swait.ge [sflag:s15], $0x4000  }
0x57: {  	[sflag:s15] =	ssyncset.done $0x0  }
0x58: {  	[sflag:s15] =	ssyncadd.s32 $0xFFFFC000  }
0x59: {  	[tilespmem:s19], [sflag:$0x2] =	stream.indirect.gather [hbm4b:s4+s17], $0x80, s22, s17, $0xb8;
	[tilespmem:$0x1E400] =	vst v63  }
0x5a: {  	_ =	swait.ge [sflag:s20], $0x4000  }
0x5b: {  	[sflag:s20] =	ssyncset.done $0x0  }
0x5c: {  	[sflag:s20] =	ssyncadd.s32 $0xFFFFC000  }
0x5d: {  	[spmem:s1] =	stream.indirect.scatter.add.f32 [tilespmem:s18], [sflag:$0x3], $0x80, s23, s17, $0xb8;
	[tilespmem:$0x1E400] =	vst v63  }
0x5e: {  	_ =	swait.ge [sflag:s15], $0x4000  }
0x5f: {  	[sflag:s15] =	ssyncset.done $0x0  }
0x60: {  	[sflag:s15] =	ssyncadd.s32 $0xFFFFC000  }
0x61: {  	s28 =	sadd.s32 $0x1, s28;
	_ =	swait.ge [sflag:s21], $0x4000  }
0x62: {  	p1 =	sne.s32 s28, s10;
	[sflag:s21] =	ssyncset.done $0x0  }
.Ltmp1:
0x63: {  	[sflag:s21] =	ssyncadd.s32 $0xFFFFC000;
	(pc) =	sbr.rel @p1 .LBB2_2-.Ltmp1, $4  }
0x64: {  	[spmem:s1] =	stream.indirect.scatter.add.f32 [tilespmem:s19], [sflag:$0x3], $0x80, s26, s17, $0xb8;
	[tilespmem:$0x1E400] =	vst v63  }
0x65: {  	_ =	swait.ge [sflag:s15], $0x4000  }
0x66: {  	[sflag:s15] =	ssyncset.done $0x0  }
0x67: {  	[sflag:s15] =	ssyncadd.s32 $0xFFFFC000  }
0x68: {  	[bflag:$0x0] =	sbarrier.arrive $0xFFFF  }
0x69: {  	[hbm:s11], [sflag:s9] =	dma.local [spmem:s24], $0x2700  }
0x6a: {  	s2 =	sadd.s32 $0x1, s2;
	_ =	swait.ge [sflag:s15], $0x2700  }
0x6b: {  	p1 =	sne.s32 s2, s13;
	[sflag:s15] =	ssyncset.done $0x0  }
.Ltmp2:
0x6c: {  	s0 =	simm.s32 @!p0 $0x3;
	[sflag:s15] =	ssyncadd.s32 $0xFFFFD900;
	(pc) =	sbr.rel @p1 .LBB2_1-.Ltmp2, $4  }
0x6d: {  	[hbm:s12], [sflag:s9] =	dma.local @!p0 [spmem:s25], $0x100  }
0x6e: {  	_ =	swait.ge @!p0 [sflag:s0], $0x100  }
0x6f: {  	[sflag:s0] =	ssyncset.done @!p0 $0x0  }
0x70: {  	[sflag:s0] =	ssyncadd.s32 @!p0 $0xFFFFFF00  }
0x71: {  	_ =	sfence.sel $0x180000  }
0x72: {  	[bflag:$0x0] =	sbarrier.arrive $0xFFFF  }
0x73: {  	_ =	strace $0x9000004A  }
0x74: {  	s0 =	stileid.u32;
	[bflag:$0x2] =	sbarrier.arrive $0xFFFF  }
0x75: {  	p0 =	sne.s32 s0, $0x0;
	s0 =	rddreg [dreg:$0x2]  }
0x76: {  	s0 =	sadd.s32 @!p0 $0x100000, s0  }
0x77: {  	[sflag:s0] =	ssyncadd.tile.s32 @!p0 $0x1;
	_ =	shalt  }
.Lfunc_end2:
_tile_overlayer_lowered:
.L_overlay_start_2:
0x78: {  	(tag) =	ssettag $0x2  }
0x79: {  	s0 =	rddreg [dreg:$0x0];
	s2 =	stileid.u32  }
0x7a: {  	s1 =	rddreg [dreg:$0x1];
	p0 =	sne.s32 s2, $0x0  }
0x7b: {  	s3 =	rddreg [dreg:$0x2];
	[bflag:$0x3] =	sbarrier.arrive $0xFFFF;
	s2 =	simm.s32 @!p0 $0x1C03  }
0x7c: {  	[timem:s3], [sflag:s2] =	dma.local @!p0 [hbm:s0], s1  }
0x7d: {  	s0 =	simm.s32 @!p0 $0x3  }
0x7e: {  	_ =	swait.ge @!p0 [sflag:s0], s1  }
0x7f: {  	s1 =	ssub.s32 @!p0 $0x0, s1;
	[sflag:s0] =	ssyncset.done @!p0 $0x0  }
0x80: {  	[sflag:s0] =	ssyncadd.s32 @!p0 s1  }
0x81: {  	[bflag:$0x3] =	sbarrier.arrive $0xFFFF  }
0x82: {  	_ =	shalt  }

// kernel: kernel.15.cloned.1.call-start
scs
__scs_entry_jumppad:
0x0: {  	(pc) =	sbr.rel $0x88, $3  }
0x1: {  	(tag) =	ssettag $0x0;
	lr =	simm.s32 $0x1  }
0x2: {  	[smem:$0x3F8C] =	sst lr;
	_ =	strace $0xD0000000  }
0x3: {  	_ = 	snop  }
0x4: {  	_ = 	snop  }
0x5: {  	_ = 	snop  }
0x6: {  	_ = 	snop  }
0x7: {  	_ = 	snop  }
__scs_overlays_trampoline_lowered:
0x8: {  	[smem:$0x3F9B] =	sst s0  }
0x9: {  	[smem:$0x3F9C] =	sst s1  }
0xa: {  	[smem:$0x3F9D] =	sst s2  }
0xb: {  	[smem:$0x3F9E] =	sst s3  }
0xc: {  	[smem:$0x3F9F] =	sst s4  }
0xd: {  	[smem:$0x3FA0] =	sst s5  }
0xe: {  	[smem:$0x3FA1] =	sst s6  }
0xf: {  	[smem:$0x3FA2] =	sst s7  }
0x10: {  	[smem:$0x3FA3] =	sst s8  }
0x11: {  	[smem:$0x3FA4] =	sst s9;
	s0 =	simm.s32 @!p0 $0x0  }
0x12: {  	s1 =	sld [smem:$0x3F8A];
	s0 =	simm.s32 @p0 $0x1  }
0x13: {  	[smem:$0x3FA5] =	sst s0;
	s0 =	simm.s32 @!p1 $0x0  }
0x14: {  	s2 =	sld [smem:$0x3F89];
	s0 =	simm.s32 @p1 $0x1  }
0x15: {  	[smem:$0x3FA6] =	sst s0;
	s0 =	simm.s32 @!p2 $0x0  }
0x16: {  	s3 =	sld [smem:$0x3FDB];
	s0 =	simm.s32 @p2 $0x1  }
0x17: {  	s4 =	simm.s32 $0x1BF5;
	[smem:$0x3FA8] =	sst s0  }
0x18: {  	s0 =	sld [smem:$0x3F8B];
	_ =	swait.ge [sflag:s4], $0x0  }
0x19: {  	s7 =	sld [smem:$0x3F8C]  }
0x1a: {  	s8 =	sadd.s32 $0xFFFFE003, lr  }
0x1b: {  	s9 =	sadd.s32 $0xFFFFFEF7, lr;
	s5 =	simm.s32 $0xFFFFFFFF;
	p2 =	slt.u32 s8, $0xFFFFF086  }
0x1c: {  	p1 =	slt.u32 s9, $0xF7A;
	s5 =	simm.s32 @!p2 $0x0  }
0x1d: {  	s5 =	simm.s32 @p1 $0x1;
	p0 =	seq.s32 s7, s2  }
0x1e: {  	s7 =	smul.u32 @!p0 $0xF7A, s2;
	p2 =	seq.s32 @!p0 s5, $0x0  }
0x1f: {  	s9 =	smul.u32 $0xF7A, s1;
	s8 =	simm.s32 @!p0 $0x1BF5;
	p2 =	por !p2, p0  }
0x20: {  	[sflag:s8] =	ssyncset.s32 @!p0 $0xFFFFF086;
	s6 =	sadd.s32 @!p0 s3, s7;
	s7 =	simm.s32 @!p0 $0x108  }
0x21: {  	s3 =	sadd.s32 s3, s9;
	s6 =	sadd.s32 @!p0 $0x88, s6;
	s7 =	simm.s32 @p2 $0x1082  }
0x22: {  	[simem:s7], [sflag:s8] =	dma.local @!p0 [hbm:s6], $0xF7A  }
0x23: {  	s9 =	sor.u32 $0xD0000000, s2;
	s6 =	simm.s32 $0x108;
	_ =	swait.ge @!p0 [sflag:s8], $0x0  }
0x24: {  	s3 =	sadd.s32 $0x88, s3;
	s6 =	simm.s32 @!p1 $0x1082;
	[sflag:s4] =	ssyncset.s32 $0xFFFFF086  }
0x25: {  	[simem:s6], [sflag:s4] =	dma.local [hbm:s3], $0xF7A  }
0x26: {  	[smem:$0x3F8C] =	sst s1;
	(tag) =	ssettag s2;
	_ =	strace s9  }
0x27: {  	s1 =	sld [smem:$0x3F9C]  }
0x28: {  	s2 =	sld [smem:$0x3F9D]  }
0x29: {  	s4 =	sld [smem:$0x3F9F]  }
0x2a: {  	p0 =	seq.s32 s5, $0x0;
	s5 =	sld [smem:$0x3FA0]  }
0x2b: {  	s6 =	sld [smem:$0x3FA1]  }
0x2c: {  	s7 =	sld [smem:$0x3FA2]  }
0x2d: {  	s3 =	simm.s32 $0x108;
	s8 =	sld [smem:$0x3FA3]  }
0x2e: {  	s3 =	simm.s32 @!p0 $0x1082;
	s9 =	sld [smem:$0x3FA4]  }
0x2f: {  	lr =	sadd.s32 s0, s3;
	s0 =	sld [smem:$0x3F9B]  }
0x30: {  	s3 =	sld [smem:$0x3F9E]  }
0x31: {  	[smem:$0x3FA7] =	sst s10  }
0x32: {  	s10 =	sld [smem:$0x3FA5];
	_ =	sdelay $0x3  }
0x33: {  	p0 =	seq.s32 s10, $0x1;
	s10 =	sld [smem:$0x3FA7];
	_ =	sdelay $0x3  }
0x34: {  	[smem:$0x3FA7] =	sst s10  }
0x35: {  	s10 =	sld [smem:$0x3FA6];
	_ =	sdelay $0x3  }
0x36: {  	p1 =	seq.s32 s10, $0x1;
	s10 =	sld [smem:$0x3FA7];
	_ =	sdelay $0x3  }
0x37: {  	[smem:$0x3FA7] =	sst s10  }
0x38: {  	s10 =	sld [smem:$0x3FA8]  }
0x39: {  	_ = 	snop;
	(pc) =	sbr.ind lr, $3  }
0x3a: {  	_ = 	snop  }
0x3b: {  	_ = 	snop  }
0x3c: {  	p2 =	seq.s32 s10, $0x1;
	s10 =	sld [smem:$0x3FA7]  }
0x3d: {  	_ =	shalt  }
0x3e: {  	_ =	shalt  }
0x3f: {  	_ =	shalt  }
0x40: {  	_ =	shalt  }
0x41: {  	_ =	shalt  }
0x42: {  	_ =	shalt  }
0x43: {  	_ =	shalt  }
0x44: {  	_ =	shalt  }
0x45: {  	_ =	shalt  }
0x46: {  	_ =	shalt  }
0x47: {  	_ =	shalt  }
0x48: {  	_ =	shalt  }
0x49: {  	_ =	shalt  }
0x4a: {  	_ =	shalt  }
0x4b: {  	_ =	shalt  }
0x4c: {  	_ =	shalt  }
0x4d: {  	_ =	shalt  }
0x4e: {  	_ =	shalt  }
0x4f: {  	_ =	shalt  }
0x50: {  	_ =	shalt  }
0x51: {  	_ =	shalt  }
0x52: {  	_ =	shalt  }
0x53: {  	_ =	shalt  }
0x54: {  	_ =	shalt  }
0x55: {  	_ =	shalt  }
0x56: {  	_ =	shalt  }
0x57: {  	_ =	shalt  }
0x58: {  	_ =	shalt  }
0x59: {  	_ =	shalt  }
0x5a: {  	_ =	shalt  }
0x5b: {  	_ =	shalt  }
0x5c: {  	_ =	shalt  }
0x5d: {  	_ =	shalt  }
0x5e: {  	_ =	shalt  }
0x5f: {  	_ =	shalt  }
0x60: {  	_ =	shalt  }
0x61: {  	_ =	shalt  }
0x62: {  	_ =	shalt  }
0x63: {  	_ =	shalt  }
0x64: {  	_ =	shalt  }
0x65: {  	_ =	shalt  }
0x66: {  	_ =	shalt  }
0x67: {  	_ =	shalt  }
0x68: {  	_ =	shalt  }
0x69: {  	_ =	shalt  }
0x6a: {  	_ =	shalt  }
0x6b: {  	_ =	shalt  }
0x6c: {  	_ =	shalt  }
0x6d: {  	_ =	shalt  }
0x6e: {  	_ =	shalt  }
0x6f: {  	_ =	shalt  }
0x70: {  	_ =	shalt  }
0x71: {  	_ =	shalt  }
0x72: {  	_ =	shalt  }
0x73: {  	_ =	shalt  }
0x74: {  	_ =	shalt  }
0x75: {  	_ =	shalt  }
0x76: {  	_ =	shalt  }
0x77: {  	_ =	shalt  }
0x78: {  	_ =	shalt  }
0x79: {  	_ =	shalt  }
0x7a: {  	_ =	shalt  }
0x7b: {  	_ =	shalt  }
0x7c: {  	_ =	shalt  }
0x7d: {  	_ =	shalt  }
0x7e: {  	_ =	shalt  }
0x7f: {  	_ =	shalt  }
0x80: {  	_ =	shalt  }
0x81: {  	_ =	shalt  }
0x82: {  	_ =	shalt  }
0x83: {  	_ =	shalt  }
0x84: {  	_ =	shalt  }
0x85: {  	_ =	shalt  }
0x86: {  	_ =	shalt  }
0x87: {  	_ =	shalt  }
.Lfunc_end0:
.L_simem_size_0:
called_computation.2_lowered:
.L_overlay_start_0:
0x88: {  	s2 =	sld [smem:$0x3FD9]  }
0x89: {  	s3 =	sld [smem:$0x3FFE];
	_ =	sdelay $0x1  }
0x8a: {  	s1 =	srdreg.scid  }
0x8b: {  	s0 =	sand.u32 $0x1, s1  }
0x8c: {  	s16 =	sshll.u32 s0, $0xA;
	s2 =	sadd.s32 s3, s2  }
0x8d: {  	s2 =	sadd.s32 s2, s16  }
0x8e: {  	[smem:$0x3FB3] =	sst s2  }
0x8f: {  	_ = 	snop  }
0x90: {  	(tm) =	ssettm $0x1  }
0x91: {  	s17 =	sld [smem:$0x3FFB];
	_ =	sdelay $0x3  }
0x92: {  	_ =	strace s17  }
0x93: {  	s2 =	sld [smem:$0x3FFC];
	_ =	sdelay $0x3  }
0x94: {  	_ =	strace s2  }
0x95: {  	s2 =	sld [smem:$0x3FFD];
	_ =	sdelay $0x3  }
0x96: {  	_ =	strace s2  }
0x97: {  	_ =	strace $0x8FFFFFFF  }
0x98: {  	s18 =	sld [smem:$0x3FDB];
	_ =	sdelay $0x1  }
0x99: {  	s19 =	simm.s32 $_scs_section_size  }
0x9a: {  	s4 =	simm.s32 $_size__tile_overlayer_lowered;
	s5 =	simm.s32 $_tile_overlayer_lowered  }
0x9b: {  	s22 =	simm.s32 $0x1BFF;
	s21 =	sshll.u32 s5, $0x1;
	s2 =	sadd.s32 s19, s18  }
0x9c: {  	s6 =	simm.s32 $0x0;
	s20 =	sshll.u32 s4, $0x1;
	s4 =	sadd.s32 s21, s2  }
0x9d: {  	[timem:s6], [sflag:s22] =	dma.local [hbm:s4], s20  }
0x9e: {  	_ =	swait.ge [sflag:s22], s20  }
0x9f: {  	s3 =	ssub.s32 $0x0, s20;
	[sflag:s22] =	ssyncset.done $0x0  }
0xa0: {  	[sflag:s22] =	ssyncadd.s32 s3;
	_ =	sdelay $0x1  }
0xa1: {  	s23 =	simm.s32 $0x1B8B  }
0xa2: {  	_ =	swait.ge [sflag:s23], $0x1  }
0xa3: {  	[sflag:s23] =	ssyncset.done $0x0  }
0xa4: {  	s25 =	simm.s32 $0x1B8E;
	s24 =	sld [smem:$0x3FFE];
	[sflag:s23] =	ssyncadd.s32 $0xFFFFFFFF  }
0xa5: {  	s26 =	simm.s32 $execute0_lowered;
	[smem:$0x3FD2] =	sst s25  }
0xa6: {  	s4 =	sshll.u32 s26, $0x1;
	_ =	strace $0x8000004C;
	[dreg:$0x1] =	wrdreg $0xFFFFFFFF  }
0xa7: {  	s28 =	simm.s32 $_size_execute0_lowered;
	s2 =	sadd.s32 s2, s4;
	[dreg:$0x0] =	wrdreg $0x0  }
0xa8: {  	s4 =	sshll.u32 s28, $0x1;
	[dreg:$0x2] =	wrdreg s2  }
0xa9: {  	[dreg:$0x3] =	wrdreg s4  }
0xaa: {  	[dreg:$0x4] =	wrdreg $0xC0  }
0xab: {  	_ =	task [dreg:s6], $0x5FFFF  }
0xac: {  	[dreg:$0x1] =	wrdreg $0xFFFFFFFF  }
0xad: {  	[dreg:$0x0] =	wrdreg $0x60  }
0xae: {  	[dreg:$0x2] =	wrdreg s24  }
0xaf: {  	[dreg:$0x3] =	wrdreg $0xA8000  }
0xb0: {  	[dreg:$0x4] =	wrdreg $0x9  }
0xb1: {  	_ =	task.clear_ibuf [dreg:s6], $0x5FFFF;
	_ =	strace $0x9000004C  }
0xb2: {  	s29 =	simm.s32 $0x9;
	_ =	strace $0x8000004E  }
0xb3: {  	_ =	swait.ge [sflag:s29], $0x1  }
0xb4: {  	[sflag:s29] =	ssyncadd.s32 $0xFFFFFFFF  }
0xb5: {  	_ =	strace $0x9000004E  }
0xb6: {  	_ =	sfence  }
0xb7: {  	s30 =	sld [smem:$0x0];
	_ =	sdelay $0x2  }
0xb8: {  	s31 =	sshll.u32 s1, $0xD;
	s1 =	sshrl.u32 s1, $0x2  }
0xb9: {  	s3 =	sand.u32 $0x4000, s31;
	s1 =	sadd.s32 s1, s30  }
0xba: {  	s0 =	sor.u32 s3, s0;
	s1 =	sshll.u32 s1, $0x11  }
0xbb: {  	s0 =	sor.u32 s1, s0  }
0xbc: {  	s0 =	sadd.s32 $0x8F2B, s0  }
0xbd: {  	[sflag:s0] =	ssyncadd.remote.s32 $0x1  }
0xbe: {  	_ =	sfence.sel $0xFFFF  }
0xbf: {  	[dreg:$0x0] =	wrdreg $0xFFFFFFFF;
	(pc) =	sbr.abs _section_cstart, $3  }
0xc0: {  	[dreg:$0x1] =	wrdreg $0xFFFFFFFF  }
0xc1: {  	_ =	task.clear_ibuf [dreg:s6], $0x2FFFF;
	_ =	strace $0x9FFFFFFF  }
0xc2: {  	(tm) =	ssettm $0x7FFFFFFF  }
0xc3: {  	_ =	shalt  }
tec
execute0_lowered:
.L_overlay_start_1:
0x0: {  	(tag) =	ssettag $0x1  }
0x1: {  	s8 =	rddreg [dreg:$0x0]  }
0x2: {  	s1 =	rddreg [dreg:$0x1]  }
0x3: {  	s2 =	simm.s32 $0x0;
	s3 =	srdreg.scid;
	s0 =	stileid.u32  }
0x4: {  	s18 =	simm.s32 $0x2800;
	s19 =	simm.s32 $0x6800;
	s20 =	simm.s32 $0x1  }
0x5: {  	s21 =	simm.s32 $0x2;
	s22 =	simm.s32 $0x1380;
	s15 =	smul.u32 $0x4F000, s0  }
0x6: {  	[smem:$0x7FF] =	sst s2;
	s9 =	sand.u32 $0x1, s3;
	s26 =	smul.u32 $0x13800, s0  }
0x7: {  	s4 =	sadd.s32 $0x18600, s8;
	s5 =	sadd.s32 $0xE600, s8;
	s29 =	smul.u32 $0x4E000, s0  }
0x8: {  	s6 =	sadd.s32 $0x4600, s8;
	s14 =	sadd.s32 $0x42000, s8;
	s7 =	smul.u32 $0xFFFFFFB0, s9  }
0x9: {  	s28 =	sshll.u32 s0, $0x6;
	p0 =	sne.s32 s0, $0xF;
	s11 =	smul.u32 $0x780, s9  }
0xa: {  	_ =	strace $0x8000004D;
	s12 =	ssub.s32 $0x2, s9;
	s24 =	smul.u32 $0x138800, s9  }
0xb: {  	s9 =	sor.u32 $0x1C03, s28;
	s23 =	sshrl.u32 s12, $0x1;
	s25 =	sshrl.u32 s15, $0x2  }
0xc: {  	s30 =	sshrl.u32 s29, $0x2;
	s10 =	sadd.s32 $0x78, s7;
	s7 =	sadd.s32 $0x3F800, s8  }
0xd: {  	s16 =	ssub.s32 s12, s23;
	s15 =	sadd.s32 s25, s1;
	s12 =	sadd.s32 s26, s24  }
0xe: {  	s17 =	sshrl.u32 s24, $0x3;
	s24 =	sadd.s32 s30, s1;
	s25 =	sadd.s32 $0x138000, s1  }
0xf: {  	s23 =	simm.s32 $0x2700;
	s26 =	simm.s32 $0x2780;
	s13 =	smul.u32 s0, s10  }
0x10: {  	s10 =	sand.u32 $0xF8, s10;
	s12 =	sshrl.u32 s12, $0x3;
	s31 =	sadd.s32 s14, s17  }
0x11: {  	s17 =	simm.s32 $0x80;
	s24 =	sshrl.u32 s24, $0x3;
	s25 =	sshrl.u32 @!p0 s25, $0x3  }
0x12: {  	s10 =	smul.u32 $0xCD, s10;
	s8 =	sadd.s32 s11, s13;
	s11 =	sadd.s32 s14, s12  }
0x13: {  	s12 =	sadd.s32 $0x27000, s31;
	s13 =	smax.u32 s16, $0x1;
	s14 =	sshrl.u32 s15, $0x3  }
0x14: {  	s15 =	simm.s32 $0x3;
	s16 =	simm.s32 $0x1400;
	s10 =	sshrl.u32 s10, $0xD  }
.LBB2_1:
0x15: {  	[spmem:s14], [sflag:s9] =	dma.local [hbm:s7], $0x2780  }
0x16: {  	_ =	swait.ge [sflag:s15], $0x2780  }
0x17: {  	[sflag:s15] =	ssyncset.done $0x0  }
0x18: {  	[sflag:s15] =	ssyncadd.s32 $0xFFFFD880  }
0x19: {  	s28 =	simm.s32 $0x0;
	[bflag:$0x0] =	sbarrier.arrive $0xFFFF  }
.LBB2_2:
0x1a: {  	s29 =	smul.u32 $0x28, s28;
	_ =	sdelay $0x1  }
0x1b: {  	s29 =	sadd.s32 s29, s8  }
0x1c: {  	s29 =	sshll.u32 s29, $0x4  }
0x1d: {  	s31 =	simm.s32 $0x0;
	s30 =	sadd.s32 s5, s29  }
0x1e: {  	[tilespmem:s31], [sflag:$0x3] =	stream.linear.gather [hbm4b:s30+s31], $0x1400, $0x38;
	[tilespmem:$0x1E400] =	vst v63  }
0x1f: {  	_ =	swait.ge [sflag:s15], $0x1400  }
0x20: {  	[sflag:s15] =	ssyncset.done $0x0  }
0x21: {  	s29 =	sadd.s32 s6, s29;
	[sflag:s15] =	ssyncadd.s32 $0xFFFFEC00  }
0x22: {  	[tilespmem:s16], [sflag:$0x3] =	stream.linear.gather [hbm4b:s29+s31], $0x1400, $0x38;
	[tilespmem:$0x1E400] =	vst v63  }
0x23: {  	_ =	swait.ge [sflag:s15], $0x1400  }
0x24: {  	[sflag:s15] =	ssyncset.done $0x0  }
0x25: {  	[sflag:s15] =	ssyncadd.s32 $0xFFFFEC00  }
0x26: {  	[tilespmem:s18], [sflag:$0x1] =	stream.indirect.gather [hbm4b:s4+s17], $0x80, s31, s17, $0xb8;
	[tilespmem:$0x1E400] =	vst v63  }
0x27: {  	s29 =	simm.s32 $0x80  }
0x28: {  	[tilespmem:s19], [sflag:$0x2] =	stream.indirect.gather [hbm4b:s4+s17], $0x80, s29, s17, $0xb8;
	[tilespmem:$0x1E400] =	vst v63  }
0x29: {  	_ =	swait.ge [sflag:s20], $0x4000  }
0x2a: {  	[sflag:s20] =	ssyncset.done $0x0  }
0x2b: {  	s29 =	simm.s32 $0x1400;
	[sflag:s20] =	ssyncadd.s32 $0xFFFFC000  }
0x2c: {  	[spmem:s1] =	stream.indirect.scatter.add.f32 [tilespmem:s18], [sflag:$0x3], $0x80, s29, s17, $0xb8;
	[tilespmem:$0x1E400] =	vst v63  }
0x2d: {  	_ =	swait.ge [sflag:s15], $0x4000  }
0x2e: {  	[sflag:s15] =	ssyncset.done $0x0  }
0x2f: {  	s29 =	simm.s32 $0x100;
	[sflag:s15] =	ssyncadd.s32 $0xFFFFC000  }
0x30: {  	[tilespmem:s18], [sflag:$0x1] =	stream.indirect.gather [hbm4b:s4+s17], $0x80, s29, s17, $0xb8;
	[tilespmem:$0x1E400] =	vst v63  }
0x31: {  	_ =	swait.ge [sflag:s21], $0x4000  }
0x32: {  	[sflag:s21] =	ssyncset.done $0x0  }
0x33: {  	s29 =	simm.s32 $0x1480;
	[sflag:s21] =	ssyncadd.s32 $0xFFFFC000  }
0x34: {  	[spmem:s1] =	stream.indirect.scatter.add.f32 [tilespmem:s19], [sflag:$0x3], $0x80, s29, s17, $0xb8;
	[tilespmem:$0x1E400] =	vst v63  }
0x35: {  	_ =	swait.ge [sflag:s15], $0x4000  }
0x36: {  	s30 =	simm.s32 $0x800;
	s29 =	simm.s32 $0x100;
	[sflag:s15] =	ssyncset.done $0x0  }
.LBB2_3:
0x37: {  	s31 =	sadd.s32 $0x80, s29  }
0x38: {  	[sflag:s15] =	ssyncadd.s32 $0xFFFFC000;
	s0 =	smov.u32 s30;
	s3 =	sadd.s32 $0x400, s30  }
0x39: {  	[tilespmem:s19], [sflag:$0x2] =	stream.indirect.gather [hbm4b:s4+s17], $0x80, s31, s17, $0xb8;
	[tilespmem:$0x1E400] =	vst v63  }
0x3a: {  	p1 =	sne.s32 s30, $0x4800;
	_ =	swait.ge [sflag:s20], $0x4000  }
0x3b: {  	[sflag:s20] =	ssyncset.done $0x0  }
0x3c: {  	s30 =	sadd.s32 $0x1400, s29;
	[sflag:s20] =	ssyncadd.s32 $0xFFFFC000  }
0x3d: {  	[spmem:s1] =	stream.indirect.scatter.add.f32 [tilespmem:s18], [sflag:$0x3], $0x80, s30, s17, $0xb8;
	[tilespmem:$0x1E400] =	vst v63  }
0x3e: {  	_ =	swait.ge [sflag:s15], $0x4000  }
0x3f: {  	[sflag:s15] =	ssyncset.done $0x0  }
0x40: {  	s30 =	sadd.s32 $0x100, s29;
	[sflag:s15] =	ssyncadd.s32 $0xFFFFC000  }
0x41: {  	[tilespmem:s18], [sflag:$0x1] =	stream.indirect.gather [hbm4b:s4+s17], $0x80, s30, s17, $0xb8;
	[tilespmem:$0x1E400] =	vst v63  }
0x42: {  	_ =	swait.ge [sflag:s21], $0x4000  }
.Ltmp0:
0x43: {  	[sflag:s21] =	ssyncset.done $0x0;
	(pc) =	sbr.rel @p1 .LBB2_3-.Ltmp0, $4  }
0x44: {  	s29 =	sadd.s32 $0x1480, s29;
	[sflag:s21] =	ssyncadd.s32 $0xFFFFC000  }
0x45: {  	[spmem:s1] =	stream.indirect.scatter.add.f32 [tilespmem:s19], [sflag:$0x3], $0x80, s29, s17, $0xb8;
	[tilespmem:$0x1E400] =	vst v63  }
0x46: {  	_ =	swait.ge [sflag:s15], $0x4000  }
0x47: {  	s30 =	smov.u32 s3;
	s29 =	sshra.s32 s0, $0x2;
	[sflag:s15] =	ssyncset.done $0x0  }
0x48: {  	s0 =	sadd.s32 $0x80, s29;
	[sflag:s15] =	ssyncadd.s32 $0xFFFFC000  }
0x49: {  	[tilespmem:s19], [sflag:$0x2] =	stream.indirect.gather [hbm4b:s4+s17], $0x80, s0, s17, $0xb8;
	[tilespmem:$0x1E400] =	vst v63  }
0x4a: {  	_ =	swait.ge [sflag:s20], $0x4000  }
0x4b: {  	[sflag:s20] =	ssyncset.done $0x0  }
0x4c: {  	s3 =	sadd.s32 $0x1400, s29;
	[sflag:s20] =	ssyncadd.s32 $0xFFFFC000  }
0x4d: {  	[spmem:s1] =	stream.indirect.scatter.add.f32 [tilespmem:s18], [sflag:$0x3], $0x80, s3, s17, $0xb8;
	[tilespmem:$0x1E400] =	vst v63  }
0x4e: {  	_ =	swait.ge [sflag:s15], $0x4000  }
0x4f: {  	[sflag:s15] =	ssyncset.done $0x0  }
0x50: {  	s30 =	sadd.s32 $0x100, s29;
	[sflag:s15] =	ssyncadd.s32 $0xFFFFC000  }
0x51: {  	[tilespmem:s18], [sflag:$0x1] =	stream.indirect.gather [hbm4b:s4+s17], $0x80, s30, s17, $0xb8;
	[tilespmem:$0x1E400] =	vst v63  }
0x52: {  	_ =	swait.ge [sflag:s21], $0x4000  }
0x53: {  	[sflag:s21] =	ssyncset.done $0x0  }
0x54: {  	s31 =	sadd.s32 $0x1480, s29;
	[sflag:s21] =	ssyncadd.s32 $0xFFFFC000  }
0x55: {  	[spmem:s1] =	stream.indirect.scatter.add.f32 [tilespmem:s19], [sflag:$0x3], $0x80, s31, s17, $0xb8;
	[tilespmem:$0x1E400] =	vst v63  }
0x56: {  	_ =	swait.ge [sflag:s15], $0x4000  }
0x57: {  	[sflag:s15] =	ssyncset.done $0x0  }
0x58: {  	[sflag:s15] =	ssyncadd.s32 $0xFFFFC000  }
0x59: {  	[tilespmem:s19], [sflag:$0x2] =	stream.indirect.gather [hbm4b:s4+s17], $0x80, s22, s17, $0xb8;
	[tilespmem:$0x1E400] =	vst v63  }
0x5a: {  	_ =	swait.ge [sflag:s20], $0x4000  }
0x5b: {  	[sflag:s20] =	ssyncset.done $0x0  }
0x5c: {  	[sflag:s20] =	ssyncadd.s32 $0xFFFFC000  }
0x5d: {  	[spmem:s1] =	stream.indirect.scatter.add.f32 [tilespmem:s18], [sflag:$0x3], $0x80, s23, s17, $0xb8;
	[tilespmem:$0x1E400] =	vst v63  }
0x5e: {  	_ =	swait.ge [sflag:s15], $0x4000  }
0x5f: {  	[sflag:s15] =	ssyncset.done $0x0  }
0x60: {  	[sflag:s15] =	ssyncadd.s32 $0xFFFFC000  }
0x61: {  	s28 =	sadd.s32 $0x1, s28;
	_ =	swait.ge [sflag:s21], $0x4000  }
0x62: {  	p1 =	sne.s32 s28, s10;
	[sflag:s21] =	ssyncset.done $0x0  }
.Ltmp1:
0x63: {  	[sflag:s21] =	ssyncadd.s32 $0xFFFFC000;
	(pc) =	sbr.rel @p1 .LBB2_2-.Ltmp1, $4  }
0x64: {  	[spmem:s1] =	stream.indirect.scatter.add.f32 [tilespmem:s19], [sflag:$0x3], $0x80, s26, s17, $0xb8;
	[tilespmem:$0x1E400] =	vst v63  }
0x65: {  	_ =	swait.ge [sflag:s15], $0x4000  }
0x66: {  	[sflag:s15] =	ssyncset.done $0x0  }
0x67: {  	[sflag:s15] =	ssyncadd.s32 $0xFFFFC000  }
0x68: {  	[bflag:$0x0] =	sbarrier.arrive $0xFFFF  }
0x69: {  	[hbm:s11], [sflag:s9] =	dma.local [spmem:s24], $0x2700  }
0x6a: {  	s2 =	sadd.s32 $0x1, s2;
	_ =	swait.ge [sflag:s15], $0x2700  }
0x6b: {  	p1 =	sne.s32 s2, s13;
	[sflag:s15] =	ssyncset.done $0x0  }
.Ltmp2:
0x6c: {  	s0 =	simm.s32 @!p0 $0x3;
	[sflag:s15] =	ssyncadd.s32 $0xFFFFD900;
	(pc) =	sbr.rel @p1 .LBB2_1-.Ltmp2, $4  }
0x6d: {  	[hbm:s12], [sflag:s9] =	dma.local @!p0 [spmem:s25], $0x100  }
0x6e: {  	_ =	swait.ge @!p0 [sflag:s0], $0x100  }
0x6f: {  	[sflag:s0] =	ssyncset.done @!p0 $0x0  }
0x70: {  	[sflag:s0] =	ssyncadd.s32 @!p0 $0xFFFFFF00  }
0x71: {  	_ =	sfence.sel $0x180000  }
0x72: {  	[bflag:$0x0] =	sbarrier.arrive $0xFFFF  }
0x73: {  	_ =	strace $0x9000004D  }
0x74: {  	s0 =	stileid.u32;
	[bflag:$0x2] =	sbarrier.arrive $0xFFFF  }
0x75: {  	p0 =	sne.s32 s0, $0x0;
	s0 =	rddreg [dreg:$0x2]  }
0x76: {  	s0 =	sadd.s32 @!p0 $0x100000, s0  }
0x77: {  	[sflag:s0] =	ssyncadd.tile.s32 @!p0 $0x1;
	_ =	shalt  }
.Lfunc_end2:
_tile_overlayer_lowered:
.L_overlay_start_2:
0x78: {  	(tag) =	ssettag $0x2  }
0x79: {  	s0 =	rddreg [dreg:$0x0];
	s2 =	stileid.u32  }
0x7a: {  	s1 =	rddreg [dreg:$0x1];
	p0 =	sne.s32 s2, $0x0  }
0x7b: {  	s3 =	rddreg [dreg:$0x2];
	[bflag:$0x3] =	sbarrier.arrive $0xFFFF;
	s2 =	simm.s32 @!p0 $0x1C03  }
0x7c: {  	[timem:s3], [sflag:s2] =	dma.local @!p0 [hbm:s0], s1  }
0x7d: {  	s0 =	simm.s32 @!p0 $0x3  }
0x7e: {  	_ =	swait.ge @!p0 [sflag:s0], s1  }
0x7f: {  	s1 =	ssub.s32 @!p0 $0x0, s1;
	[sflag:s0] =	ssyncset.done @!p0 $0x0  }
0x80: {  	[sflag:s0] =	ssyncadd.s32 @!p0 s1  }
0x81: {  	[bflag:$0x3] =	sbarrier.arrive $0xFFFF  }
0x82: {  	_ =	shalt  }

// kernel: kernel.9.cloned.1.call-start
scs
__scs_entry_jumppad:
0x0: {  	(pc) =	sbr.rel $0x88, $3  }
0x1: {  	(tag) =	ssettag $0x0;
	lr =	simm.s32 $0x1  }
0x2: {  	[smem:$0x3F8C] =	sst lr;
	_ =	strace $0xD0000000  }
0x3: {  	_ = 	snop  }
0x4: {  	_ = 	snop  }
0x5: {  	_ = 	snop  }
0x6: {  	_ = 	snop  }
0x7: {  	_ = 	snop  }
__scs_overlays_trampoline_lowered:
0x8: {  	[smem:$0x3F9B] =	sst s0  }
0x9: {  	[smem:$0x3F9C] =	sst s1  }
0xa: {  	[smem:$0x3F9D] =	sst s2  }
0xb: {  	[smem:$0x3F9E] =	sst s3  }
0xc: {  	[smem:$0x3F9F] =	sst s4  }
0xd: {  	[smem:$0x3FA0] =	sst s5  }
0xe: {  	[smem:$0x3FA1] =	sst s6  }
0xf: {  	[smem:$0x3FA2] =	sst s7  }
0x10: {  	[smem:$0x3FA3] =	sst s8  }
0x11: {  	[smem:$0x3FA4] =	sst s9;
	s0 =	simm.s32 @!p0 $0x0  }
0x12: {  	s1 =	sld [smem:$0x3F8A];
	s0 =	simm.s32 @p0 $0x1  }
0x13: {  	[smem:$0x3FA5] =	sst s0;
	s0 =	simm.s32 @!p1 $0x0  }
0x14: {  	s2 =	sld [smem:$0x3F89];
	s0 =	simm.s32 @p1 $0x1  }
0x15: {  	[smem:$0x3FA6] =	sst s0;
	s0 =	simm.s32 @!p2 $0x0  }
0x16: {  	s3 =	sld [smem:$0x3FDB];
	s0 =	simm.s32 @p2 $0x1  }
0x17: {  	s4 =	simm.s32 $0x1BF5;
	[smem:$0x3FA8] =	sst s0  }
0x18: {  	s0 =	sld [smem:$0x3F8B];
	_ =	swait.ge [sflag:s4], $0x0  }
0x19: {  	s7 =	sld [smem:$0x3F8C]  }
0x1a: {  	s8 =	sadd.s32 $0xFFFFE003, lr  }
0x1b: {  	s9 =	sadd.s32 $0xFFFFFEF7, lr;
	s5 =	simm.s32 $0xFFFFFFFF;
	p2 =	slt.u32 s8, $0xFFFFF086  }
0x1c: {  	p1 =	slt.u32 s9, $0xF7A;
	s5 =	simm.s32 @!p2 $0x0  }
0x1d: {  	s5 =	simm.s32 @p1 $0x1;
	p0 =	seq.s32 s7, s2  }
0x1e: {  	s7 =	smul.u32 @!p0 $0xF7A, s2;
	p2 =	seq.s32 @!p0 s5, $0x0  }
0x1f: {  	s9 =	smul.u32 $0xF7A, s1;
	s8 =	simm.s32 @!p0 $0x1BF5;
	p2 =	por !p2, p0  }
0x20: {  	[sflag:s8] =	ssyncset.s32 @!p0 $0xFFFFF086;
	s6 =	sadd.s32 @!p0 s3, s7;
	s7 =	simm.s32 @!p0 $0x108  }
0x21: {  	s3 =	sadd.s32 s3, s9;
	s6 =	sadd.s32 @!p0 $0x88, s6;
	s7 =	simm.s32 @p2 $0x1082  }
0x22: {  	[simem:s7], [sflag:s8] =	dma.local @!p0 [hbm:s6], $0xF7A  }
0x23: {  	s9 =	sor.u32 $0xD0000000, s2;
	s6 =	simm.s32 $0x108;
	_ =	swait.ge @!p0 [sflag:s8], $0x0  }
0x24: {  	s3 =	sadd.s32 $0x88, s3;
	s6 =	simm.s32 @!p1 $0x1082;
	[sflag:s4] =	ssyncset.s32 $0xFFFFF086  }
0x25: {  	[simem:s6], [sflag:s4] =	dma.local [hbm:s3], $0xF7A  }
0x26: {  	[smem:$0x3F8C] =	sst s1;
	(tag) =	ssettag s2;
	_ =	strace s9  }
0x27: {  	s1 =	sld [smem:$0x3F9C]  }
0x28: {  	s2 =	sld [smem:$0x3F9D]  }
0x29: {  	s4 =	sld [smem:$0x3F9F]  }
0x2a: {  	p0 =	seq.s32 s5, $0x0;
	s5 =	sld [smem:$0x3FA0]  }
0x2b: {  	s6 =	sld [smem:$0x3FA1]  }
0x2c: {  	s7 =	sld [smem:$0x3FA2]  }
0x2d: {  	s3 =	simm.s32 $0x108;
	s8 =	sld [smem:$0x3FA3]  }
0x2e: {  	s3 =	simm.s32 @!p0 $0x1082;
	s9 =	sld [smem:$0x3FA4]  }
0x2f: {  	lr =	sadd.s32 s0, s3;
	s0 =	sld [smem:$0x3F9B]  }
0x30: {  	s3 =	sld [smem:$0x3F9E]  }
0x31: {  	[smem:$0x3FA7] =	sst s10  }
0x32: {  	s10 =	sld [smem:$0x3FA5];
	_ =	sdelay $0x3  }
0x33: {  	p0 =	seq.s32 s10, $0x1;
	s10 =	sld [smem:$0x3FA7];
	_ =	sdelay $0x3  }
0x34: {  	[smem:$0x3FA7] =	sst s10  }
0x35: {  	s10 =	sld [smem:$0x3FA6];
	_ =	sdelay $0x3  }
0x36: {  	p1 =	seq.s32 s10, $0x1;
	s10 =	sld [smem:$0x3FA7];
	_ =	sdelay $0x3  }
0x37: {  	[smem:$0x3FA7] =	sst s10  }
0x38: {  	s10 =	sld [smem:$0x3FA8]  }
0x39: {  	_ = 	snop;
	(pc) =	sbr.ind lr, $3  }
0x3a: {  	_ = 	snop  }
0x3b: {  	_ = 	snop  }
0x3c: {  	p2 =	seq.s32 s10, $0x1;
	s10 =	sld [smem:$0x3FA7]  }
0x3d: {  	_ =	shalt  }
0x3e: {  	_ =	shalt  }
0x3f: {  	_ =	shalt  }
0x40: {  	_ =	shalt  }
0x41: {  	_ =	shalt  }
0x42: {  	_ =	shalt  }
0x43: {  	_ =	shalt  }
0x44: {  	_ =	shalt  }
0x45: {  	_ =	shalt  }
0x46: {  	_ =	shalt  }
0x47: {  	_ =	shalt  }
0x48: {  	_ =	shalt  }
0x49: {  	_ =	shalt  }
0x4a: {  	_ =	shalt  }
0x4b: {  	_ =	shalt  }
0x4c: {  	_ =	shalt  }
0x4d: {  	_ =	shalt  }
0x4e: {  	_ =	shalt  }
0x4f: {  	_ =	shalt  }
0x50: {  	_ =	shalt  }
0x51: {  	_ =	shalt  }
0x52: {  	_ =	shalt  }
0x53: {  	_ =	shalt  }
0x54: {  	_ =	shalt  }
0x55: {  	_ =	shalt  }
0x56: {  	_ =	shalt  }
0x57: {  	_ =	shalt  }
0x58: {  	_ =	shalt  }
0x59: {  	_ =	shalt  }
0x5a: {  	_ =	shalt  }
0x5b: {  	_ =	shalt  }
0x5c: {  	_ =	shalt  }
0x5d: {  	_ =	shalt  }
0x5e: {  	_ =	shalt  }
0x5f: {  	_ =	shalt  }
0x60: {  	_ =	shalt  }
0x61: {  	_ =	shalt  }
0x62: {  	_ =	shalt  }
0x63: {  	_ =	shalt  }
0x64: {  	_ =	shalt  }
0x65: {  	_ =	shalt  }
0x66: {  	_ =	shalt  }
0x67: {  	_ =	shalt  }
0x68: {  	_ =	shalt  }
0x69: {  	_ =	shalt  }
0x6a: {  	_ =	shalt  }
0x6b: {  	_ =	shalt  }
0x6c: {  	_ =	shalt  }
0x6d: {  	_ =	shalt  }
0x6e: {  	_ =	shalt  }
0x6f: {  	_ =	shalt  }
0x70: {  	_ =	shalt  }
0x71: {  	_ =	shalt  }
0x72: {  	_ =	shalt  }
0x73: {  	_ =	shalt  }
0x74: {  	_ =	shalt  }
0x75: {  	_ =	shalt  }
0x76: {  	_ =	shalt  }
0x77: {  	_ =	shalt  }
0x78: {  	_ =	shalt  }
0x79: {  	_ =	shalt  }
0x7a: {  	_ =	shalt  }
0x7b: {  	_ =	shalt  }
0x7c: {  	_ =	shalt  }
0x7d: {  	_ =	shalt  }
0x7e: {  	_ =	shalt  }
0x7f: {  	_ =	shalt  }
0x80: {  	_ =	shalt  }
0x81: {  	_ =	shalt  }
0x82: {  	_ =	shalt  }
0x83: {  	_ =	shalt  }
0x84: {  	_ =	shalt  }
0x85: {  	_ =	shalt  }
0x86: {  	_ =	shalt  }
0x87: {  	_ =	shalt  }
.Lfunc_end0:
.L_simem_size_0:
called_computation_lowered:
.L_overlay_start_0:
0x88: {  	s2 =	sld [smem:$0x3FD9]  }
0x89: {  	s3 =	sld [smem:$0x3FFE];
	_ =	sdelay $0x1  }
0x8a: {  	s1 =	srdreg.scid  }
0x8b: {  	s0 =	sand.u32 $0x1, s1  }
0x8c: {  	s16 =	sshll.u32 s0, $0xA;
	s2 =	sadd.s32 s3, s2  }
0x8d: {  	s2 =	sadd.s32 s2, s16  }
0x8e: {  	[smem:$0x3FB3] =	sst s2  }
0x8f: {  	_ = 	snop  }
0x90: {  	(tm) =	ssettm $0x1  }
0x91: {  	s17 =	sld [smem:$0x3FFB];
	_ =	sdelay $0x3  }
0x92: {  	_ =	strace s17  }
0x93: {  	s2 =	sld [smem:$0x3FFC];
	_ =	sdelay $0x3  }
0x94: {  	_ =	strace s2  }
0x95: {  	s2 =	sld [smem:$0x3FFD];
	_ =	sdelay $0x3  }
0x96: {  	_ =	strace s2  }
0x97: {  	_ =	strace $0x8FFFFFFF  }
0x98: {  	s18 =	sld [smem:$0x3FDB];
	_ =	sdelay $0x1  }
0x99: {  	s19 =	simm.s32 $_scs_section_size  }
0x9a: {  	s4 =	simm.s32 $_size__tile_overlayer_lowered;
	s5 =	simm.s32 $_tile_overlayer_lowered  }
0x9b: {  	s22 =	simm.s32 $0x1BFF;
	s21 =	sshll.u32 s5, $0x1;
	s2 =	sadd.s32 s19, s18  }
0x9c: {  	s6 =	simm.s32 $0x0;
	s20 =	sshll.u32 s4, $0x1;
	s4 =	sadd.s32 s21, s2  }
0x9d: {  	[timem:s6], [sflag:s22] =	dma.local [hbm:s4], s20  }
0x9e: {  	_ =	swait.ge [sflag:s22], s20  }
0x9f: {  	s3 =	ssub.s32 $0x0, s20;
	[sflag:s22] =	ssyncset.done $0x0  }
0xa0: {  	[sflag:s22] =	ssyncadd.s32 s3;
	_ =	sdelay $0x1  }
0xa1: {  	s23 =	simm.s32 $0x1B8B  }
0xa2: {  	_ =	swait.ge [sflag:s23], $0x1  }
0xa3: {  	[sflag:s23] =	ssyncset.done $0x0  }
0xa4: {  	s25 =	simm.s32 $0x1B8E;
	s24 =	sld [smem:$0x3FFE];
	[sflag:s23] =	ssyncadd.s32 $0xFFFFFFFF  }
0xa5: {  	s26 =	simm.s32 $execute0_lowered;
	[smem:$0x3FD2] =	sst s25  }
0xa6: {  	s4 =	sshll.u32 s26, $0x1;
	_ =	strace $0x80000046;
	[dreg:$0x1] =	wrdreg $0xFFFFFFFF  }
0xa7: {  	s28 =	simm.s32 $_size_execute0_lowered;
	s2 =	sadd.s32 s2, s4;
	[dreg:$0x0] =	wrdreg $0x0  }
0xa8: {  	s4 =	sshll.u32 s28, $0x1;
	[dreg:$0x2] =	wrdreg s2  }
0xa9: {  	[dreg:$0x3] =	wrdreg s4  }
0xaa: {  	[dreg:$0x4] =	wrdreg $0xC0  }
0xab: {  	_ =	task [dreg:s6], $0x5FFFF  }
0xac: {  	[dreg:$0x1] =	wrdreg $0xFFFFFFFF  }
0xad: {  	[dreg:$0x0] =	wrdreg $0x60  }
0xae: {  	[dreg:$0x2] =	wrdreg s24  }
0xaf: {  	[dreg:$0x3] =	wrdreg $0xA8000  }
0xb0: {  	[dreg:$0x4] =	wrdreg $0x9  }
0xb1: {  	_ =	task.clear_ibuf [dreg:s6], $0x5FFFF;
	_ =	strace $0x90000046  }
0xb2: {  	s29 =	simm.s32 $0x9;
	_ =	strace $0x80000048  }
0xb3: {  	_ =	swait.ge [sflag:s29], $0x1  }
0xb4: {  	[sflag:s29] =	ssyncadd.s32 $0xFFFFFFFF  }
0xb5: {  	_ =	strace $0x90000048  }
0xb6: {  	_ =	sfence  }
0xb7: {  	s30 =	sld [smem:$0x0];
	_ =	sdelay $0x2  }
0xb8: {  	s31 =	sshll.u32 s1, $0xD;
	s1 =	sshrl.u32 s1, $0x2  }
0xb9: {  	s3 =	sand.u32 $0x4000, s31;
	s1 =	sadd.s32 s1, s30  }
0xba: {  	s0 =	sor.u32 s3, s0;
	s1 =	sshll.u32 s1, $0x11  }
0xbb: {  	s0 =	sor.u32 s1, s0  }
0xbc: {  	s0 =	sadd.s32 $0x8F2B, s0  }
0xbd: {  	[sflag:s0] =	ssyncadd.remote.s32 $0x1  }
0xbe: {  	_ =	sfence.sel $0xFFFF  }
0xbf: {  	[dreg:$0x0] =	wrdreg $0xFFFFFFFF;
	(pc) =	sbr.abs _section_cstart, $3  }
0xc0: {  	[dreg:$0x1] =	wrdreg $0xFFFFFFFF  }
0xc1: {  	_ =	task.clear_ibuf [dreg:s6], $0x2FFFF;
	_ =	strace $0x9FFFFFFF  }
0xc2: {  	(tm) =	ssettm $0x7FFFFFFF  }
0xc3: {  	_ =	shalt  }
tec
execute0_lowered:
.L_overlay_start_1:
0x0: {  	(tag) =	ssettag $0x1  }
0x1: {  	s8 =	rddreg [dreg:$0x0]  }
0x2: {  	s1 =	rddreg [dreg:$0x1]  }
0x3: {  	s2 =	simm.s32 $0x0;
	s3 =	srdreg.scid;
	s0 =	stileid.u32  }
0x4: {  	s18 =	simm.s32 $0x2800;
	s19 =	simm.s32 $0x6800;
	s20 =	simm.s32 $0x1  }
0x5: {  	s21 =	simm.s32 $0x2;
	s22 =	simm.s32 $0x1380;
	s15 =	smul.u32 $0x4F000, s0  }
0x6: {  	[smem:$0x7FF] =	sst s2;
	s9 =	sand.u32 $0x1, s3;
	s26 =	smul.u32 $0x13800, s0  }
0x7: {  	s4 =	sadd.s32 $0x18600, s8;
	s5 =	sadd.s32 $0xE600, s8;
	s29 =	smul.u32 $0x4E000, s0  }
0x8: {  	s6 =	sadd.s32 $0x4600, s8;
	s14 =	sadd.s32 $0x42000, s8;
	s7 =	smul.u32 $0xFFFFFFB0, s9  }
0x9: {  	s28 =	sshll.u32 s0, $0x6;
	p0 =	sne.s32 s0, $0xF;
	s11 =	smul.u32 $0x780, s9  }
0xa: {  	_ =	strace $0x80000047;
	s12 =	ssub.s32 $0x2, s9;
	s24 =	smul.u32 $0x138800, s9  }
0xb: {  	s9 =	sor.u32 $0x1C03, s28;
	s23 =	sshrl.u32 s12, $0x1;
	s25 =	sshrl.u32 s15, $0x2  }
0xc: {  	s30 =	sshrl.u32 s29, $0x2;
	s10 =	sadd.s32 $0x78, s7;
	s7 =	sadd.s32 $0x3F800, s8  }
0xd: {  	s16 =	ssub.s32 s12, s23;
	s15 =	sadd.s32 s25, s1;
	s12 =	sadd.s32 s26, s24  }
0xe: {  	s17 =	sshrl.u32 s24, $0x3;
	s24 =	sadd.s32 s30, s1;
	s25 =	sadd.s32 $0x138000, s1  }
0xf: {  	s23 =	simm.s32 $0x2700;
	s26 =	simm.s32 $0x2780;
	s13 =	smul.u32 s0, s10  }
0x10: {  	s10 =	sand.u32 $0xF8, s10;
	s12 =	sshrl.u32 s12, $0x3;
	s31 =	sadd.s32 s14, s17  }
0x11: {  	s17 =	simm.s32 $0x80;
	s24 =	sshrl.u32 s24, $0x3;
	s25 =	sshrl.u32 @!p0 s25, $0x3  }
0x12: {  	s10 =	smul.u32 $0xCD, s10;
	s8 =	sadd.s32 s11, s13;
	s11 =	sadd.s32 s14, s12  }
0x13: {  	s12 =	sadd.s32 $0x27000, s31;
	s13 =	smax.u32 s16, $0x1;
	s14 =	sshrl.u32 s15, $0x3  }
0x14: {  	s15 =	simm.s32 $0x3;
	s16 =	simm.s32 $0x1400;
	s10 =	sshrl.u32 s10, $0xD  }
.LBB2_1:
0x15: {  	[spmem:s14], [sflag:s9] =	dma.local [hbm:s7], $0x2780  }
0x16: {  	_ =	swait.ge [sflag:s15], $0x2780  }
0x17: {  	[sflag:s15] =	ssyncset.done $0x0  }
0x18: {  	[sflag:s15] =	ssyncadd.s32 $0xFFFFD880  }
0x19: {  	s28 =	simm.s32 $0x0;
	[bflag:$0x0] =	sbarrier.arrive $0xFFFF  }
.LBB2_2:
0x1a: {  	s29 =	smul.u32 $0x28, s28;
	_ =	sdelay $0x1  }
0x1b: {  	s29 =	sadd.s32 s29, s8  }
0x1c: {  	s29 =	sshll.u32 s29, $0x4  }
0x1d: {  	s31 =	simm.s32 $0x0;
	s30 =	sadd.s32 s5, s29  }
0x1e: {  	[tilespmem:s31], [sflag:$0x3] =	stream.linear.gather [hbm4b:s30+s31], $0x1400, $0x38;
	[tilespmem:$0x1E400] =	vst v63  }
0x1f: {  	_ =	swait.ge [sflag:s15], $0x1400  }
0x20: {  	[sflag:s15] =	ssyncset.done $0x0  }
0x21: {  	s29 =	sadd.s32 s6, s29;
	[sflag:s15] =	ssyncadd.s32 $0xFFFFEC00  }
0x22: {  	[tilespmem:s16], [sflag:$0x3] =	stream.linear.gather [hbm4b:s29+s31], $0x1400, $0x38;
	[tilespmem:$0x1E400] =	vst v63  }
0x23: {  	_ =	swait.ge [sflag:s15], $0x1400  }
0x24: {  	[sflag:s15] =	ssyncset.done $0x0  }
0x25: {  	[sflag:s15] =	ssyncadd.s32 $0xFFFFEC00  }
0x26: {  	[tilespmem:s18], [sflag:$0x1] =	stream.indirect.gather [hbm4b:s4+s17], $0x80, s31, s17, $0xb8;
	[tilespmem:$0x1E400] =	vst v63  }
0x27: {  	s29 =	simm.s32 $0x80  }
0x28: {  	[tilespmem:s19], [sflag:$0x2] =	stream.indirect.gather [hbm4b:s4+s17], $0x80, s29, s17, $0xb8;
	[tilespmem:$0x1E400] =	vst v63  }
0x29: {  	_ =	swait.ge [sflag:s20], $0x4000  }
0x2a: {  	[sflag:s20] =	ssyncset.done $0x0  }
0x2b: {  	s29 =	simm.s32 $0x1400;
	[sflag:s20] =	ssyncadd.s32 $0xFFFFC000  }
0x2c: {  	[spmem:s1] =	stream.indirect.scatter.add.f32 [tilespmem:s18], [sflag:$0x3], $0x80, s29, s17, $0xb8;
	[tilespmem:$0x1E400] =	vst v63  }
0x2d: {  	_ =	swait.ge [sflag:s15], $0x4000  }
0x2e: {  	[sflag:s15] =	ssyncset.done $0x0  }
0x2f: {  	s29 =	simm.s32 $0x100;
	[sflag:s15] =	ssyncadd.s32 $0xFFFFC000  }
0x30: {  	[tilespmem:s18], [sflag:$0x1] =	stream.indirect.gather [hbm4b:s4+s17], $0x80, s29, s17, $0xb8;
	[tilespmem:$0x1E400] =	vst v63  }
0x31: {  	_ =	swait.ge [sflag:s21], $0x4000  }
0x32: {  	[sflag:s21] =	ssyncset.done $0x0  }
0x33: {  	s29 =	simm.s32 $0x1480;
	[sflag:s21] =	ssyncadd.s32 $0xFFFFC000  }
0x34: {  	[spmem:s1] =	stream.indirect.scatter.add.f32 [tilespmem:s19], [sflag:$0x3], $0x80, s29, s17, $0xb8;
	[tilespmem:$0x1E400] =	vst v63  }
0x35: {  	_ =	swait.ge [sflag:s15], $0x4000  }
0x36: {  	s30 =	simm.s32 $0x800;
	s29 =	simm.s32 $0x100;
	[sflag:s15] =	ssyncset.done $0x0  }
.LBB2_3:
0x37: {  	s31 =	sadd.s32 $0x80, s29  }
0x38: {  	[sflag:s15] =	ssyncadd.s32 $0xFFFFC000;
	s0 =	smov.u32 s30;
	s3 =	sadd.s32 $0x400, s30  }
0x39: {  	[tilespmem:s19], [sflag:$0x2] =	stream.indirect.gather [hbm4b:s4+s17], $0x80, s31, s17, $0xb8;
	[tilespmem:$0x1E400] =	vst v63  }
0x3a: {  	p1 =	sne.s32 s30, $0x4800;
	_ =	swait.ge [sflag:s20], $0x4000  }
0x3b: {  	[sflag:s20] =	ssyncset.done $0x0  }
0x3c: {  	s30 =	sadd.s32 $0x1400, s29;
	[sflag:s20] =	ssyncadd.s32 $0xFFFFC000  }
0x3d: {  	[spmem:s1] =	stream.indirect.scatter.add.f32 [tilespmem:s18], [sflag:$0x3], $0x80, s30, s17, $0xb8;
	[tilespmem:$0x1E400] =	vst v63  }
0x3e: {  	_ =	swait.ge [sflag:s15], $0x4000  }
0x3f: {  	[sflag:s15] =	ssyncset.done $0x0  }
0x40: {  	s30 =	sadd.s32 $0x100, s29;
	[sflag:s15] =	ssyncadd.s32 $0xFFFFC000  }
0x41: {  	[tilespmem:s18], [sflag:$0x1] =	stream.indirect.gather [hbm4b:s4+s17], $0x80, s30, s17, $0xb8;
	[tilespmem:$0x1E400] =	vst v63  }
0x42: {  	_ =	swait.ge [sflag:s21], $0x4000  }
.Ltmp0:
0x43: {  	[sflag:s21] =	ssyncset.done $0x0;
	(pc) =	sbr.rel @p1 .LBB2_3-.Ltmp0, $4  }
0x44: {  	s29 =	sadd.s32 $0x1480, s29;
	[sflag:s21] =	ssyncadd.s32 $0xFFFFC000  }
0x45: {  	[spmem:s1] =	stream.indirect.scatter.add.f32 [tilespmem:s19], [sflag:$0x3], $0x80, s29, s17, $0xb8;
	[tilespmem:$0x1E400] =	vst v63  }
0x46: {  	_ =	swait.ge [sflag:s15], $0x4000  }
0x47: {  	s30 =	smov.u32 s3;
	s29 =	sshra.s32 s0, $0x2;
	[sflag:s15] =	ssyncset.done $0x0  }
0x48: {  	s0 =	sadd.s32 $0x80, s29;
	[sflag:s15] =	ssyncadd.s32 $0xFFFFC000  }
0x49: {  	[tilespmem:s19], [sflag:$0x2] =	stream.indirect.gather [hbm4b:s4+s17], $0x80, s0, s17, $0xb8;
	[tilespmem:$0x1E400] =	vst v63  }
0x4a: {  	_ =	swait.ge [sflag:s20], $0x4000  }
0x4b: {  	[sflag:s20] =	ssyncset.done $0x0  }
0x4c: {  	s3 =	sadd.s32 $0x1400, s29;
	[sflag:s20] =	ssyncadd.s32 $0xFFFFC000  }
0x4d: {  	[spmem:s1] =	stream.indirect.scatter.add.f32 [tilespmem:s18], [sflag:$0x3], $0x80, s3, s17, $0xb8;
	[tilespmem:$0x1E400] =	vst v63  }
0x4e: {  	_ =	swait.ge [sflag:s15], $0x4000  }
0x4f: {  	[sflag:s15] =	ssyncset.done $0x0  }
0x50: {  	s30 =	sadd.s32 $0x100, s29;
	[sflag:s15] =	ssyncadd.s32 $0xFFFFC000  }
0x51: {  	[tilespmem:s18], [sflag:$0x1] =	stream.indirect.gather [hbm4b:s4+s17], $0x80, s30, s17, $0xb8;
	[tilespmem:$0x1E400] =	vst v63  }
0x52: {  	_ =	swait.ge [sflag:s21], $0x4000  }
0x53: {  	[sflag:s21] =	ssyncset.done $0x0  }
0x54: {  	s31 =	sadd.s32 $0x1480, s29;
	[sflag:s21] =	ssyncadd.s32 $0xFFFFC000  }
0x55: {  	[spmem:s1] =	stream.indirect.scatter.add.f32 [tilespmem:s19], [sflag:$0x3], $0x80, s31, s17, $0xb8;
	[tilespmem:$0x1E400] =	vst v63  }
0x56: {  	_ =	swait.ge [sflag:s15], $0x4000  }
0x57: {  	[sflag:s15] =	ssyncset.done $0x0  }
0x58: {  	[sflag:s15] =	ssyncadd.s32 $0xFFFFC000  }
0x59: {  	[tilespmem:s19], [sflag:$0x2] =	stream.indirect.gather [hbm4b:s4+s17], $0x80, s22, s17, $0xb8;
	[tilespmem:$0x1E400] =	vst v63  }
0x5a: {  	_ =	swait.ge [sflag:s20], $0x4000  }
0x5b: {  	[sflag:s20] =	ssyncset.done $0x0  }
0x5c: {  	[sflag:s20] =	ssyncadd.s32 $0xFFFFC000  }
0x5d: {  	[spmem:s1] =	stream.indirect.scatter.add.f32 [tilespmem:s18], [sflag:$0x3], $0x80, s23, s17, $0xb8;
	[tilespmem:$0x1E400] =	vst v63  }
0x5e: {  	_ =	swait.ge [sflag:s15], $0x4000  }
0x5f: {  	[sflag:s15] =	ssyncset.done $0x0  }
0x60: {  	[sflag:s15] =	ssyncadd.s32 $0xFFFFC000  }
0x61: {  	s28 =	sadd.s32 $0x1, s28;
	_ =	swait.ge [sflag:s21], $0x4000  }
0x62: {  	p1 =	sne.s32 s28, s10;
	[sflag:s21] =	ssyncset.done $0x0  }
.Ltmp1:
0x63: {  	[sflag:s21] =	ssyncadd.s32 $0xFFFFC000;
	(pc) =	sbr.rel @p1 .LBB2_2-.Ltmp1, $4  }
0x64: {  	[spmem:s1] =	stream.indirect.scatter.add.f32 [tilespmem:s19], [sflag:$0x3], $0x80, s26, s17, $0xb8;
	[tilespmem:$0x1E400] =	vst v63  }
0x65: {  	_ =	swait.ge [sflag:s15], $0x4000  }
0x66: {  	[sflag:s15] =	ssyncset.done $0x0  }
0x67: {  	[sflag:s15] =	ssyncadd.s32 $0xFFFFC000  }
0x68: {  	[bflag:$0x0] =	sbarrier.arrive $0xFFFF  }
0x69: {  	[hbm:s11], [sflag:s9] =	dma.local [spmem:s24], $0x2700  }
0x6a: {  	s2 =	sadd.s32 $0x1, s2;
	_ =	swait.ge [sflag:s15], $0x2700  }
0x6b: {  	p1 =	sne.s32 s2, s13;
	[sflag:s15] =	ssyncset.done $0x0  }
.Ltmp2:
0x6c: {  	s0 =	simm.s32 @!p0 $0x3;
	[sflag:s15] =	ssyncadd.s32 $0xFFFFD900;
	(pc) =	sbr.rel @p1 .LBB2_1-.Ltmp2, $4  }
0x6d: {  	[hbm:s12], [sflag:s9] =	dma.local @!p0 [spmem:s25], $0x100  }
0x6e: {  	_ =	swait.ge @!p0 [sflag:s0], $0x100  }
0x6f: {  	[sflag:s0] =	ssyncset.done @!p0 $0x0  }
0x70: {  	[sflag:s0] =	ssyncadd.s32 @!p0 $0xFFFFFF00  }
0x71: {  	_ =	sfence.sel $0x180000  }
0x72: {  	[bflag:$0x0] =	sbarrier.arrive $0xFFFF  }
0x73: {  	_ =	strace $0x90000047  }
0x74: {  	s0 =	stileid.u32;
	[bflag:$0x2] =	sbarrier.arrive $0xFFFF  }
0x75: {  	p0 =	sne.s32 s0, $0x0;
	s0 =	rddreg [dreg:$0x2]  }
0x76: {  	s0 =	sadd.s32 @!p0 $0x100000, s0  }
0x77: {  	[sflag:s0] =	ssyncadd.tile.s32 @!p0 $0x1;
	_ =	shalt  }
.Lfunc_end2:
_tile_overlayer_lowered:
.L_overlay_start_2:
0x78: {  	(tag) =	ssettag $0x2  }
0x79: {  	s0 =	rddreg [dreg:$0x0];
	s2 =	stileid.u32  }
0x7a: {  	s1 =	rddreg [dreg:$0x1];
	p0 =	sne.s32 s2, $0x0  }
0x7b: {  	s3 =	rddreg [dreg:$0x2];
	[bflag:$0x3] =	sbarrier.arrive $0xFFFF;
	s2 =	simm.s32 @!p0 $0x1C03  }
0x7c: {  	[timem:s3], [sflag:s2] =	dma.local @!p0 [hbm:s0], s1  }
0x7d: {  	s0 =	simm.s32 @!p0 $0x3  }
0x7e: {  	_ =	swait.ge @!p0 [sflag:s0], s1  }
0x7f: {  	s1 =	ssub.s32 @!p0 $0x0, s1;
	[sflag:s0] =	ssyncset.done @!p0 $0x0  }
0x80: {  	[sflag:s0] =	ssyncadd.s32 @!p0 s1  }
0x81: {  	[bflag:$0x3] =	sbarrier.arrive $0xFFFF  }
0x82: {  	_ =	shalt  }

</sc_bundles>
